<compile_context>
chip_gen: v7x
topology: tpu7x:2x2x1
jax: 0.10.2.dev20260603
libtpu: 0.0.44.dev20260713+nightly
codegen_flags: <defaults>
</compile_context>

<pallas_src>
import jax
import jax.numpy as jnp
from jax import lax
from jax.experimental import pallas as pl
from jax.experimental.pallas import tpu as pltpu
from jax.experimental.pallas import tpu_sc as plsc

NUM_WORKERS = 32
NUM_ROWS = 1000000
BATCH = 16384
B_PER_W = BATCH // NUM_WORKERS
EMBED = 64
LANES = 16
N_SEMS = 4

N_ROUNDS = 8
ROUND = B_PER_W // N_ROUNDS


def _body(uid_hbm, iid_hbm, utab_hbm, itab_hbm, out_hbm,
          idx_u, idx_i, u_buf, i_buf, out_v, *sems):
    wid = lax.axis_index("s") * 2 + lax.axis_index("c")
    iota = lax.iota(jnp.int32, LANES)

    pltpu.sync_copy(uid_hbm.at[pl.ds(wid * B_PER_W, B_PER_W)], idx_u)
    pltpu.sync_copy(iid_hbm.at[pl.ds(wid * B_PER_W, B_PER_W)], idx_i)

    def round_body(r, _):
        base = r * ROUND

        def fire_body(g, _):
            uvec = idx_u[pl.ds(base + g * LANES, LANES)]
            ivec = idx_i[pl.ds(base + g * LANES, LANES)]
            for l in range(LANES):
                j = g * LANES + l
                sem = sems[l % N_SEMS]
                pltpu.async_copy(utab_hbm.at[uvec[l]], u_buf.at[j], sem)
                pltpu.async_copy(itab_hbm.at[ivec[l]], i_buf.at[j], sem)
            return 0

        lax.fori_loop(0, ROUND // LANES, fire_body, 0)
        n = 2 * (ROUND // N_SEMS)
        for q in range(N_SEMS):
            pltpu.make_async_copy(
                utab_hbm.at[pl.ds(0, n)], u_buf.at[pl.ds(0, n)], sems[q]
            ).wait()

        def chunk_body(c, _):
            evec = c * LANES + iota
            acc = jnp.zeros((LANES,), jnp.float32)
            cvec = iota
            for _d in range(EMBED):
                u = plsc.load_gather(u_buf, [evec, cvec])
                v = plsc.load_gather(i_buf, [evec, cvec])
                acc = acc + u * v
                cvec = (cvec + 1) & (EMBED - 1)
            out_v[pl.ds(base + c * LANES, LANES)] = acc
            return 0

        lax.fori_loop(0, ROUND // LANES, chunk_body, 0)
        return 0

    lax.fori_loop(0, N_ROUNDS, round_body, 0)

    pltpu.sync_copy(out_v, out_hbm.at[pl.ds(wid * B_PER_W, B_PER_W)])


@jax.jit
def kernel(user_ids, item_ids, user_table, item_table):
    uids = user_ids.astype(jnp.int32)
    iids = item_ids.astype(jnp.int32)
    mesh = plsc.VectorSubcoreMesh(core_axis_name="c", subcore_axis_name="s")
    run = pl.kernel(
        _body,
        out_type=jax.ShapeDtypeStruct((BATCH,), jnp.float32),
        mesh=mesh,
        compiler_params=pltpu.CompilerParams(needs_layout_passes=False),
        scratch_types=[
            pltpu.VMEM((B_PER_W,), jnp.int32),
            pltpu.VMEM((B_PER_W,), jnp.int32),
            pltpu.VMEM((ROUND, EMBED), jnp.float32),
            pltpu.VMEM((ROUND, EMBED), jnp.float32),
            pltpu.VMEM((B_PER_W,), jnp.float32),
        ] + [pltpu.SemaphoreType.DMA] * N_SEMS,
    )
    return run(uids, iids, user_table, item_table)

# --- scband reference (transcript-rebuilt; emitter-appended) ---
"""Pipeline reference for scband-matrix-factorization-50560355009003 (READ-ONLY COPY).

The authoritative reference and input builder live on the scoring server;
editing this copy changes nothing except your own understanding.
"""

import jax, jax.numpy as jnp
import numpy as np

NUM_USERS = 1000000
NUM_ITEMS = 1000000
EMBED_DIM = 64
BATCH = 16384

def setup_inputs(seed: int = 0) -> dict:
    key = jax.random.key(seed)
    k1, k2, k3, k4 = jax.random.split(key, 4)
    user_ids = jax.random.randint(k1, (BATCH,), 0, NUM_USERS, dtype=jnp.int64) if jax.config.jax_enable_x64 else jax.random.randint(k1, (BATCH,), 0, NUM_USERS, dtype=jnp.int32)
    item_ids = jax.random.randint(k2, (BATCH,), 0, NUM_ITEMS, dtype=jnp.int32)
    user_table = jax.random.normal(k3, (NUM_USERS, EMBED_DIM), dtype=jnp.float32)
    item_table = jax.random.normal(k4, (NUM_ITEMS, EMBED_DIM), dtype=jnp.float32)
    return {"user_ids": user_ids, "item_ids": item_ids, "user_table": user_table, "item_table": item_table}

def reference(user_ids, item_ids, user_table, item_table):
    user_factors = jnp.take(user_table, user_ids, axis=0)
    item_factors = jnp.take(item_table, item_ids, axis=0)
    predicted_ratings = jnp.sum(user_factors * item_factors, axis=1)
    return predicted_ratings

if __name__ == "__main__":
    import jax
    _d = setup_inputs()
    print(jax.jit(kernel)(*tuple(_d.values())))

</pallas_src>

<mosaic_0001>
#map = affine_map<(d0, d1) -> (0)>
#map1 = affine_map<(d0, d1) -> (0, 0)>
module attributes {stable_mosaic.version = 14 : i64} {
  func.func @_body(%arg0: i32, %arg1: i32, %arg2: memref<16384xi32, #tpu.memory_space<hbm>>, %arg3: memref<16384xi32, #tpu.memory_space<hbm>>, %arg4: memref<1000000x64xf32, #tpu.memory_space<hbm>>, %arg5: memref<1000000x64xf32, #tpu.memory_space<hbm>>, %arg6: memref<16384xf32, #tpu.memory_space<hbm>>, %arg7: memref<512xi32, #tpu.memory_space<vmem>>, %arg8: memref<512xi32, #tpu.memory_space<vmem>>, %arg9: memref<64x64xf32, #tpu.memory_space<vmem>>, %arg10: memref<64x64xf32, #tpu.memory_space<vmem>>, %arg11: memref<512xf32, #tpu.memory_space<vmem>>, %arg12: memref<!tpu.dma_semaphore, #tpu.memory_space<semaphore_mem>>, %arg13: memref<!tpu.dma_semaphore, #tpu.memory_space<semaphore_mem>>, %arg14: memref<!tpu.dma_semaphore, #tpu.memory_space<semaphore_mem>>, %arg15: memref<!tpu.dma_semaphore, #tpu.memory_space<semaphore_mem>>) attributes {dimension_semantics = [#tpu.dimension_semantics<core_parallel>, #tpu.dimension_semantics<subcore_parallel>], iteration_bounds = array<i64: 2, 16>, scalar_prefetch = 0 : i64, scratch_operands = 9 : i64, tpu.core_type = #tpu.core_type<sc_vector_subcore>, window_params = [{transform_indices = #map}, {transform_indices = #map}, {transform_indices = #map1}, {transform_indices = #map1}, {transform_indices = #map}]} {
    %mul3A = arith.constant 2 : i32
    %mul3A_0 = arith.muli %arg1, %mul3A : i32
    %add3A = arith.addi %mul3A_0, %arg0 : i32
    %iota3A = tpu.iota {dimensions = array<i32: 0>} : vector<16xi32>
    %mul3A_1 = arith.constant 512 : i32
    %mul3A_2 = arith.muli %add3A, %mul3A_1 : i32
    "tpu.region"() ({
      %run_scoped3A = tpu.sem_alloc : memref<!tpu.dma_semaphore, #tpu.memory_space<semaphore_mem>>
      %dma_start3A = tpu.memref_slice %arg2[%mul3A_2] : memref<16384xi32, #tpu.memory_space<hbm>> -> memref<512xi32, #tpu.memory_space<hbm>>
      %dma_start3A_13 = tpu.memref_slice %arg2[%mul3A_2] : memref<16384xi32, #tpu.memory_space<hbm>> -> memref<512xi32, #tpu.memory_space<hbm>>
      tpu.enqueue_dma source(%dma_start3A_13 : memref<512xi32, #tpu.memory_space<hbm>>) target(%arg7 : memref<512xi32, #tpu.memory_space<vmem>>) target_semaphore(%run_scoped3A : memref<!tpu.dma_semaphore, #tpu.memory_space<semaphore_mem>>)
      %dma_wait3A = tpu.memref_slice %arg2[%mul3A_2] : memref<16384xi32, #tpu.memory_space<hbm>> -> memref<512xi32, #tpu.memory_space<hbm>>
      %dma_wait3A_14 = tpu.memref_slice %arg2[%mul3A_2] : memref<16384xi32, #tpu.memory_space<hbm>> -> memref<512xi32, #tpu.memory_space<hbm>>
      tpu.wait_dma2 semaphore(%run_scoped3A : memref<!tpu.dma_semaphore, #tpu.memory_space<semaphore_mem>>) src(%dma_wait3A_14 : memref<512xi32, #tpu.memory_space<hbm>>) dst(%arg7 : memref<512xi32, #tpu.memory_space<vmem>>)
      tpu.yield
    }) : () -> ()
    %mul3A_3 = arith.constant 512 : i32
    %mul3A_4 = arith.muli %add3A, %mul3A_3 : i32
    "tpu.region"() ({
      %run_scoped3A = tpu.sem_alloc : memref<!tpu.dma_semaphore, #tpu.memory_space<semaphore_mem>>
      %dma_start3A = tpu.memref_slice %arg3[%mul3A_4] : memref<16384xi32, #tpu.memory_space<hbm>> -> memref<512xi32, #tpu.memory_space<hbm>>
      %dma_start3A_13 = tpu.memref_slice %arg3[%mul3A_4] : memref<16384xi32, #tpu.memory_space<hbm>> -> memref<512xi32, #tpu.memory_space<hbm>>
      tpu.enqueue_dma source(%dma_start3A_13 : memref<512xi32, #tpu.memory_space<hbm>>) target(%arg8 : memref<512xi32, #tpu.memory_space<vmem>>) target_semaphore(%run_scoped3A : memref<!tpu.dma_semaphore, #tpu.memory_space<semaphore_mem>>)
      %dma_wait3A = tpu.memref_slice %arg3[%mul3A_4] : memref<16384xi32, #tpu.memory_space<hbm>> -> memref<512xi32, #tpu.memory_space<hbm>>
      %dma_wait3A_14 = tpu.memref_slice %arg3[%mul3A_4] : memref<16384xi32, #tpu.memory_space<hbm>> -> memref<512xi32, #tpu.memory_space<hbm>>
      tpu.wait_dma2 semaphore(%run_scoped3A : memref<!tpu.dma_semaphore, #tpu.memory_space<semaphore_mem>>) src(%dma_wait3A_14 : memref<512xi32, #tpu.memory_space<hbm>>) dst(%arg8 : memref<512xi32, #tpu.memory_space<vmem>>)
      tpu.yield
    }) : () -> ()
    %scan3A = arith.constant 0 : i32
    %scan3A_5 = arith.constant 0 : i32
    %scan3A_6 = arith.constant 8 : i32
    %scan3A_7 = arith.addi %scan3A_5, %scan3A_6 : i32
    %scan3A_8 = arith.constant 1 : i32
    %scan3A_9 = scf.for %scan3A_13 = %scan3A_5 to %scan3A_7 step %scan3A_8 iter_args(%scan3A_14 = %scan3A) -> (i32)  : i32 {
      %mul3A_15 = arith.constant 64 : i32
      %mul3A_16 = arith.muli %scan3A_13, %mul3A_15 : i32
      %scan3A_17 = arith.constant 0 : i32
      %scan3A_18 = arith.constant 0 : i32
      %scan3A_19 = arith.constant 4 : i32
      %scan3A_20 = arith.addi %scan3A_18, %scan3A_19 : i32
      %scan3A_21 = arith.constant 1 : i32
      %scan3A_22 = scf.for %scan3A_79 = %scan3A_18 to %scan3A_20 step %scan3A_21 iter_args(%scan3A_80 = %scan3A_17) -> (i32)  : i32 {
        %mul3A_81 = arith.constant 16 : i32
        %mul3A_82 = arith.muli %scan3A_79, %mul3A_81 : i32
        %add3A_83 = arith.addi %mul3A_16, %mul3A_82 : i32
        %get3A = arith.index_cast %add3A_83 : i32 to index
        %get3A_84 = tpu.vector_load %arg7[%get3A] {strides = array<i32>} : memref<512xi32, #tpu.memory_space<vmem>>, vector<16xi32>,
        %mul3A_85 = arith.constant 16 : i32
        %mul3A_86 = arith.muli %scan3A_79, %mul3A_85 : i32
        %add3A_87 = arith.addi %mul3A_16, %mul3A_86 : i32
        %get3A_88 = arith.index_cast %add3A_87 : i32 to index
        %get3A_89 = tpu.vector_load %arg8[%get3A_88] {strides = array<i32>} : memref<512xi32, #tpu.memory_space<vmem>>, vector<16xi32>,
        %mul3A_90 = arith.constant 16 : i32
        %mul3A_91 = arith.muli %scan3A_79, %mul3A_90 : i32
        %add3A_92 = arith.constant 0 : i32
        %add3A_93 = arith.addi %mul3A_91, %add3A_92 : i32
        %slice3A = vector.extract_strided_slice %get3A_84 {offsets = [0], sizes = [1], strides = [1]} : vector<16xi32> to vector<1xi32>
        %squeeze3A = vector.extract %slice3A[0] : i32 from vector<1xi32>
        %dma_start3A = arith.constant 0 : i32
        %dma_start3A_94 = tpu.memref_slice %arg9[%add3A_93, %dma_start3A] : memref<64x64xf32, #tpu.memory_space<vmem>> -> memref<1x64xf32, #tpu.memory_space<vmem>>
        %dma_start3A_95 = tpu.memref_squeeze %dma_start3A_94 : memref<1x64xf32, #tpu.memory_space<vmem>> -> memref<64xf32, #tpu.memory_space<vmem>>
        %dma_start3A_96 = arith.constant 0 : i32
        %dma_start3A_97 = tpu.memref_slice %arg4[%squeeze3A, %dma_start3A_96] : memref<1000000x64xf32, #tpu.memory_space<hbm>> -> memref<1x64xf32, #tpu.memory_space<hbm>>
        %dma_start3A_98 = tpu.memref_squeeze %dma_start3A_97 : memref<1x64xf32, #tpu.memory_space<hbm>> -> memref<64xf32, #tpu.memory_space<hbm>>
        %dma_start3A_99 = arith.constant 0 : i32
        %dma_start3A_100 = tpu.memref_slice %arg9[%add3A_93, %dma_start3A_99] : memref<64x64xf32, #tpu.memory_space<vmem>> -> memref<1x64xf32, #tpu.memory_space<vmem>>
        %dma_start3A_101 = tpu.memref_squeeze %dma_start3A_100 : memref<1x64xf32, #tpu.memory_space<vmem>> -> memref<64xf32, #tpu.memory_space<vmem>>
        %dma_start3A_102 = arith.constant 0 : i32
        %dma_start3A_103 = tpu.memref_slice %arg4[%squeeze3A, %dma_start3A_102] : memref<1000000x64xf32, #tpu.memory_space<hbm>> -> memref<1x64xf32, #tpu.memory_space<hbm>>
        %dma_start3A_104 = tpu.memref_squeeze %dma_start3A_103 : memref<1x64xf32, #tpu.memory_space<hbm>> -> memref<64xf32, #tpu.memory_space<hbm>>
        tpu.enqueue_dma source(%dma_start3A_104 : memref<64xf32, #tpu.memory_space<hbm>>) target(%dma_start3A_101 : memref<64xf32, #tpu.memory_space<vmem>>) target_semaphore(%arg12 : memref<!tpu.dma_semaphore, #tpu.memory_space<semaphore_mem>>)
        %slice3A_105 = vector.extract_strided_slice %get3A_89 {offsets = [0], sizes = [1], strides = [1]} : vector<16xi32> to vector<1xi32>
        %squeeze3A_106 = vector.extract %slice3A_105[0] : i32 from vector<1xi32>
        %dma_start3A_107 = arith.constant 0 : i32
        %dma_start3A_108 = tpu.memref_slice %arg10[%add3A_93, %dma_start3A_107] : memref<64x64xf32, #tpu.memory_space<vmem>> -> memref<1x64xf32, #tpu.memory_space<vmem>>
        %dma_start3A_109 = tpu.memref_squeeze %dma_start3A_108 : memref<1x64xf32, #tpu.memory_space<vmem>> -> memref<64xf32, #tpu.memory_space<vmem>>
        %dma_start3A_110 = arith.constant 0 : i32
        %dma_start3A_111 = tpu.memref_slice %arg5[%squeeze3A_106, %dma_start3A_110] : memref<1000000x64xf32, #tpu.memory_space<hbm>> -> memref<1x64xf32, #tpu.memory_space<hbm>>
        %dma_start3A_112 = tpu.memref_squeeze %dma_start3A_111 : memref<1x64xf32, #tpu.memory_space<hbm>> -> memref<64xf32, #tpu.memory_space<hbm>>
        %dma_start3A_113 = arith.constant 0 : i32
        %dma_start3A_114 = tpu.memref_slice %arg10[%add3A_93, %dma_start3A_113] : memref<64x64xf32, #tpu.memory_space<vmem>> -> memref<1x64xf32, #tpu.memory_space<vmem>>
        %dma_start3A_115 = tpu.memref_squeeze %dma_start3A_114 : memref<1x64xf32, #tpu.memory_space<vmem>> -> memref<64xf32, #tpu.memory_space<vmem>>
        %dma_start3A_116 = arith.constant 0 : i32
        %dma_start3A_117 = tpu.memref_slice %arg5[%squeeze3A_106, %dma_start3A_116] : memref<1000000x64xf32, #tpu.memory_space<hbm>> -> memref<1x64xf32, #tpu.memory_space<hbm>>
        %dma_start3A_118 = tpu.memref_squeeze %dma_start3A_117 : memref<1x64xf32, #tpu.memory_space<hbm>> -> memref<64xf32, #tpu.memory_space<hbm>>
        tpu.enqueue_dma source(%dma_start3A_118 : memref<64xf32, #tpu.memory_space<hbm>>) target(%dma_start3A_115 : memref<64xf32, #tpu.memory_space<vmem>>) target_semaphore(%arg12 : memref<!tpu.dma_semaphore, #tpu.memory_space<semaphore_mem>>)
        %mul3A_119 = arith.constant 16 : i32
        %mul3A_120 = arith.muli %scan3A_79, %mul3A_119 : i32
        %add3A_121 = arith.constant 1 : i32
        %add3A_122 = arith.addi %mul3A_120, %add3A_121 : i32
        %slice3A_123 = vector.extract_strided_slice %get3A_84 {offsets = [1], sizes = [1], strides = [1]} : vector<16xi32> to vector<1xi32>
        %squeeze3A_124 = vector.extract %slice3A_123[0] : i32 from vector<1xi32>
        %dma_start3A_125 = arith.constant 0 : i32
        %dma_start3A_126 = tpu.memref_slice %arg9[%add3A_122, %dma_start3A_125] : memref<64x64xf32, #tpu.memory_space<vmem>> -> memref<1x64xf32, #tpu.memory_space<vmem>>
        %dma_start3A_127 = tpu.memref_squeeze %dma_start3A_126 : memref<1x64xf32, #tpu.memory_space<vmem>> -> memref<64xf32, #tpu.memory_space<vmem>>
        %dma_start3A_128 = arith.constant 0 : i32
        %dma_start3A_129 = tpu.memref_slice %arg4[%squeeze3A_124, %dma_start3A_128] : memref<1000000x64xf32, #tpu.memory_space<hbm>> -> memref<1x64xf32, #tpu.memory_space<hbm>>
        %dma_start3A_130 = tpu.memref_squeeze %dma_start3A_129 : memref<1x64xf32, #tpu.memory_space<hbm>> -> memref<64xf32, #tpu.memory_space<hbm>>
        %dma_start3A_131 = arith.constant 0 : i32
        %dma_start3A_132 = tpu.memref_slice %arg9[%add3A_122, %dma_start3A_131] : memref<64x64xf32, #tpu.memory_space<vmem>> -> memref<1x64xf32, #tpu.memory_space<vmem>>
        %dma_start3A_133 = tpu.memref_squeeze %dma_start3A_132 : memref<1x64xf32, #tpu.memory_space<vmem>> -> memref<64xf32, #tpu.memory_space<vmem>>
        %dma_start3A_134 = arith.constant 0 : i32
        %dma_start3A_135 = tpu.memref_slice %arg4[%squeeze3A_124, %dma_start3A_134] : memref<1000000x64xf32, #tpu.memory_space<hbm>> -> memref<1x64xf32, #tpu.memory_space<hbm>>
        %dma_start3A_136 = tpu.memref_squeeze %dma_start3A_135 : memref<1x64xf32, #tpu.memory_space<hbm>> -> memref<64xf32, #tpu.memory_space<hbm>>
        tpu.enqueue_dma source(%dma_start3A_136 : memref<64xf32, #tpu.memory_space<hbm>>) target(%dma_start3A_133 : memref<64xf32, #tpu.memory_space<vmem>>) target_semaphore(%arg13 : memref<!tpu.dma_semaphore, #tpu.memory_space<semaphore_mem>>)
        %slice3A_137 = vector.extract_strided_slice %get3A_89 {offsets = [1], sizes = [1], strides = [1]} : vector<16xi32> to vector<1xi32>
        %squeeze3A_138 = vector.extract %slice3A_137[0] : i32 from vector<1xi32>
        %dma_start3A_139 = arith.constant 0 : i32
        %dma_start3A_140 = tpu.memref_slice %arg10[%add3A_122, %dma_start3A_139] : memref<64x64xf32, #tpu.memory_space<vmem>> -> memref<1x64xf32, #tpu.memory_space<vmem>>
        %dma_start3A_141 = tpu.memref_squeeze %dma_start3A_140 : memref<1x64xf32, #tpu.memory_space<vmem>> -> memref<64xf32, #tpu.memory_space<vmem>>
        %dma_start3A_142 = arith.constant 0 : i32
        %dma_start3A_143 = tpu.memref_slice %arg5[%squeeze3A_138, %dma_start3A_142] : memref<1000000x64xf32, #tpu.memory_space<hbm>> -> memref<1x64xf32, #tpu.memory_space<hbm>>
        %dma_start3A_144 = tpu.memref_squeeze %dma_start3A_143 : memref<1x64xf32, #tpu.memory_space<hbm>> -> memref<64xf32, #tpu.memory_space<hbm>>
        %dma_start3A_145 = arith.constant 0 : i32
        %dma_start3A_146 = tpu.memref_slice %arg10[%add3A_122, %dma_start3A_145] : memref<64x64xf32, #tpu.memory_space<vmem>> -> memref<1x64xf32, #tpu.memory_space<vmem>>
        %dma_start3A_147 = tpu.memref_squeeze %dma_start3A_146 : memref<1x64xf32, #tpu.memory_space<vmem>> -> memref<64xf32, #tpu.memory_space<vmem>>
        %dma_start3A_148 = arith.constant 0 : i32
        %dma_start3A_149 = tpu.memref_slice %arg5[%squeeze3A_138, %dma_start3A_148] : memref<1000000x64xf32, #tpu.memory_space<hbm>> -> memref<1x64xf32, #tpu.memory_space<hbm>>
        %dma_start3A_150 = tpu.memref_squeeze %dma_start3A_149 : memref<1x64xf32, #tpu.memory_space<hbm>> -> memref<64xf32, #tpu.memory_space<hbm>>
        tpu.enqueue_dma source(%dma_start3A_150 : memref<64xf32, #tpu.memory_space<hbm>>) target(%dma_start3A_147 : memref<64xf32, #tpu.memory_space<vmem>>) target_semaphore(%arg13 : memref<!tpu.dma_semaphore, #tpu.memory_space<semaphore_mem>>)
        %mul3A_151 = arith.constant 16 : i32
        %mul3A_152 = arith.muli %scan3A_79, %mul3A_151 : i32
        %add3A_153 = arith.constant 2 : i32
        %add3A_154 = arith.addi %mul3A_152, %add3A_153 : i32
        %slice3A_155 = vector.extract_strided_slice %get3A_84 {offsets = [2], sizes = [1], strides = [1]} : vector<16xi32> to vector<1xi32>
        %squeeze3A_156 = vector.extract %slice3A_155[0] : i32 from vector<1xi32>
        %dma_start3A_157 = arith.constant 0 : i32
        %dma_start3A_158 = tpu.memref_slice %arg9[%add3A_154, %dma_start3A_157] : memref<64x64xf32, #tpu.memory_space<vmem>> -> memref<1x64xf32, #tpu.memory_space<vmem>>
        %dma_start3A_159 = tpu.memref_squeeze %dma_start3A_158 : memref<1x64xf32, #tpu.memory_space<vmem>> -> memref<64xf32, #tpu.memory_space<vmem>>
        %dma_start3A_160 = arith.constant 0 : i32
        %dma_start3A_161 = tpu.memref_slice %arg4[%squeeze3A_156, %dma_start3A_160] : memref<1000000x64xf32, #tpu.memory_space<hbm>> -> memref<1x64xf32, #tpu.memory_space<hbm>>
        %dma_start3A_162 = tpu.memref_squeeze %dma_start3A_161 : memref<1x64xf32, #tpu.memory_space<hbm>> -> memref<64xf32, #tpu.memory_space<hbm>>
        %dma_start3A_163 = arith.constant 0 : i32
        %dma_start3A_164 = tpu.memref_slice %arg9[%add3A_154, %dma_start3A_163] : memref<64x64xf32, #tpu.memory_space<vmem>> -> memref<1x64xf32, #tpu.memory_space<vmem>>
        %dma_start3A_165 = tpu.memref_squeeze %dma_start3A_164 : memref<1x64xf32, #tpu.memory_space<vmem>> -> memref<64xf32, #tpu.memory_space<vmem>>
        %dma_start3A_166 = arith.constant 0 : i32
        %dma_start3A_167 = tpu.memref_slice %arg4[%squeeze3A_156, %dma_start3A_166] : memref<1000000x64xf32, #tpu.memory_space<hbm>> -> memref<1x64xf32, #tpu.memory_space<hbm>>
        %dma_start3A_168 = tpu.memref_squeeze %dma_start3A_167 : memref<1x64xf32, #tpu.memory_space<hbm>> -> memref<64xf32, #tpu.memory_space<hbm>>
        tpu.enqueue_dma source(%dma_start3A_168 : memref<64xf32, #tpu.memory_space<hbm>>) target(%dma_start3A_165 : memref<64xf32, #tpu.memory_space<vmem>>) target_semaphore(%arg14 : memref<!tpu.dma_semaphore, #tpu.memory_space<semaphore_mem>>)
        %slice3A_169 = vector.extract_strided_slice %get3A_89 {offsets = [2], sizes = [1], strides = [1]} : vector<16xi32> to vector<1xi32>
        %squeeze3A_170 = vector.extract %slice3A_169[0] : i32 from vector<1xi32>
        %dma_start3A_171 = arith.constant 0 : i32
        %dma_start3A_172 = tpu.memref_slice %arg10[%add3A_154, %dma_start3A_171] : memref<64x64xf32, #tpu.memory_space<vmem>> -> memref<1x64xf32, #tpu.memory_space<vmem>>
        %dma_start3A_173 = tpu.memref_squeeze %dma_start3A_172 : memref<1x64xf32, #tpu.memory_space<vmem>> -> memref<64xf32, #tpu.memory_space<vmem>>
        %dma_start3A_174 = arith.constant 0 : i32
        %dma_start3A_175 = tpu.memref_slice %arg5[%squeeze3A_170, %dma_start3A_174] : memref<1000000x64xf32, #tpu.memory_space<hbm>> -> memref<1x64xf32, #tpu.memory_space<hbm>>
        %dma_start3A_176 = tpu.memref_squeeze %dma_start3A_175 : memref<1x64xf32, #tpu.memory_space<hbm>> -> memref<64xf32, #tpu.memory_space<hbm>>
        %dma_start3A_177 = arith.constant 0 : i32
        %dma_start3A_178 = tpu.memref_slice %arg10[%add3A_154, %dma_start3A_177] : memref<64x64xf32, #tpu.memory_space<vmem>> -> memref<1x64xf32, #tpu.memory_space<vmem>>
        %dma_start3A_179 = tpu.memref_squeeze %dma_start3A_178 : memref<1x64xf32, #tpu.memory_space<vmem>> -> memref<64xf32, #tpu.memory_space<vmem>>
        %dma_start3A_180 = arith.constant 0 : i32
        %dma_start3A_181 = tpu.memref_slice %arg5[%squeeze3A_170, %dma_start3A_180] : memref<1000000x64xf32, #tpu.memory_space<hbm>> -> memref<1x64xf32, #tpu.memory_space<hbm>>
        %dma_start3A_182 = tpu.memref_squeeze %dma_start3A_181 : memref<1x64xf32, #tpu.memory_space<hbm>> -> memref<64xf32, #tpu.memory_space<hbm>>
        tpu.enqueue_dma source(%dma_start3A_182 : memref<64xf32, #tpu.memory_space<hbm>>) target(%dma_start3A_179 : memref<64xf32, #tpu.memory_space<vmem>>) target_semaphore(%arg14 : memref<!tpu.dma_semaphore, #tpu.memory_space<semaphore_mem>>)
        %mul3A_183 = arith.constant 16 : i32
        %mul3A_184 = arith.muli %scan3A_79, %mul3A_183 : i32
        %add3A_185 = arith.constant 3 : i32
        %add3A_186 = arith.addi %mul3A_184, %add3A_185 : i32
        %slice3A_187 = vector.extract_strided_slice %get3A_84 {offsets = [3], sizes = [1], strides = [1]} : vector<16xi32> to vector<1xi32>
        %squeeze3A_188 = vector.extract %slice3A_187[0] : i32 from vector<1xi32>
        %dma_start3A_189 = arith.constant 0 : i32
        %dma_start3A_190 = tpu.memref_slice %arg9[%add3A_186, %dma_start3A_189] : memref<64x64xf32, #tpu.memory_space<vmem>> -> memref<1x64xf32, #tpu.memory_space<vmem>>
        %dma_start3A_191 = tpu.memref_squeeze %dma_start3A_190 : memref<1x64xf32, #tpu.memory_space<vmem>> -> memref<64xf32, #tpu.memory_space<vmem>>
        %dma_start3A_192 = arith.constant 0 : i32
        %dma_start3A_193 = tpu.memref_slice %arg4[%squeeze3A_188, %dma_start3A_192] : memref<1000000x64xf32, #tpu.memory_space<hbm>> -> memref<1x64xf32, #tpu.memory_space<hbm>>
        %dma_start3A_194 = tpu.memref_squeeze %dma_start3A_193 : memref<1x64xf32, #tpu.memory_space<hbm>> -> memref<64xf32, #tpu.memory_space<hbm>>
        %dma_start3A_195 = arith.constant 0 : i32
        %dma_start3A_196 = tpu.memref_slice %arg9[%add3A_186, %dma_start3A_195] : memref<64x64xf32, #tpu.memory_space<vmem>> -> memref<1x64xf32, #tpu.memory_space<vmem>>
        %dma_start3A_197 = tpu.memref_squeeze %dma_start3A_196 : memref<1x64xf32, #tpu.memory_space<vmem>> -> memref<64xf32, #tpu.memory_space<vmem>>
        %dma_start3A_198 = arith.constant 0 : i32
        %dma_start3A_199 = tpu.memref_slice %arg4[%squeeze3A_188, %dma_start3A_198] : memref<1000000x64xf32, #tpu.memory_space<hbm>> -> memref<1x64xf32, #tpu.memory_space<hbm>>
        %dma_start3A_200 = tpu.memref_squeeze %dma_start3A_199 : memref<1x64xf32, #tpu.memory_space<hbm>> -> memref<64xf32, #tpu.memory_space<hbm>>
        tpu.enqueue_dma source(%dma_start3A_200 : memref<64xf32, #tpu.memory_space<hbm>>) target(%dma_start3A_197 : memref<64xf32, #tpu.memory_space<vmem>>) target_semaphore(%arg15 : memref<!tpu.dma_semaphore, #tpu.memory_space<semaphore_mem>>)
        %slice3A_201 = vector.extract_strided_slice %get3A_89 {offsets = [3], sizes = [1], strides = [1]} : vector<16xi32> to vector<1xi32>
        %squeeze3A_202 = vector.extract %slice3A_201[0] : i32 from vector<1xi32>
        %dma_start3A_203 = arith.constant 0 : i32
        %dma_start3A_204 = tpu.memref_slice %arg10[%add3A_186, %dma_start3A_203] : memref<64x64xf32, #tpu.memory_space<vmem>> -> memref<1x64xf32, #tpu.memory_space<vmem>>
        %dma_start3A_205 = tpu.memref_squeeze %dma_start3A_204 : memref<1x64xf32, #tpu.memory_space<vmem>> -> memref<64xf32, #tpu.memory_space<vmem>>
        %dma_start3A_206 = arith.constant 0 : i32
        %dma_start3A_207 = tpu.memref_slice %arg5[%squeeze3A_202, %dma_start3A_206] : memref<1000000x64xf32, #tpu.memory_space<hbm>> -> memref<1x64xf32, #tpu.memory_space<hbm>>
        %dma_start3A_208 = tpu.memref_squeeze %dma_start3A_207 : memref<1x64xf32, #tpu.memory_space<hbm>> -> memref<64xf32, #tpu.memory_space<hbm>>
        %dma_start3A_209 = arith.constant 0 : i32
        %dma_start3A_210 = tpu.memref_slice %arg10[%add3A_186, %dma_start3A_209] : memref<64x64xf32, #tpu.memory_space<vmem>> -> memref<1x64xf32, #tpu.memory_space<vmem>>
        %dma_start3A_211 = tpu.memref_squeeze %dma_start3A_210 : memref<1x64xf32, #tpu.memory_space<vmem>> -> memref<64xf32, #tpu.memory_space<vmem>>
        %dma_start3A_212 = arith.constant 0 : i32
        %dma_start3A_213 = tpu.memref_slice %arg5[%squeeze3A_202, %dma_start3A_212] : memref<1000000x64xf32, #tpu.memory_space<hbm>> -> memref<1x64xf32, #tpu.memory_space<hbm>>
        %dma_start3A_214 = tpu.memref_squeeze %dma_start3A_213 : memref<1x64xf32, #tpu.memory_space<hbm>> -> memref<64xf32, #tpu.memory_space<hbm>>
        tpu.enqueue_dma source(%dma_start3A_214 : memref<64xf32, #tpu.memory_space<hbm>>) target(%dma_start3A_211 : memref<64xf32, #tpu.memory_space<vmem>>) target_semaphore(%arg15 : memref<!tpu.dma_semaphore, #tpu.memory_space<semaphore_mem>>)
        %mul3A_215 = arith.constant 16 : i32
        %mul3A_216 = arith.muli %scan3A_79, %mul3A_215 : i32
        %add3A_217 = arith.constant 4 : i32
        %add3A_218 = arith.addi %mul3A_216, %add3A_217 : i32
        %slice3A_219 = vector.extract_strided_slice %get3A_84 {offsets = [4], sizes = [1], strides = [1]} : vector<16xi32> to vector<1xi32>
        %squeeze3A_220 = vector.extract %slice3A_219[0] : i32 from vector<1xi32>
        %dma_start3A_221 = arith.constant 0 : i32
        %dma_start3A_222 = tpu.memref_slice %arg9[%add3A_218, %dma_start3A_221] : memref<64x64xf32, #tpu.memory_space<vmem>> -> memref<1x64xf32, #tpu.memory_space<vmem>>
        %dma_start3A_223 = tpu.memref_squeeze %dma_start3A_222 : memref<1x64xf32, #tpu.memory_space<vmem>> -> memref<64xf32, #tpu.memory_space<vmem>>
        %dma_start3A_224 = arith.constant 0 : i32
        %dma_start3A_225 = tpu.memref_slice %arg4[%squeeze3A_220, %dma_start3A_224] : memref<1000000x64xf32, #tpu.memory_space<hbm>> -> memref<1x64xf32, #tpu.memory_space<hbm>>
        %dma_start3A_226 = tpu.memref_squeeze %dma_start3A_225 : memref<1x64xf32, #tpu.memory_space<hbm>> -> memref<64xf32, #tpu.memory_space<hbm>>
        %dma_start3A_227 = arith.constant 0 : i32
        %dma_start3A_228 = tpu.memref_slice %arg9[%add3A_218, %dma_start3A_227] : memref<64x64xf32, #tpu.memory_space<vmem>> -> memref<1x64xf32, #tpu.memory_space<vmem>>
        %dma_start3A_229 = tpu.memref_squeeze %dma_start3A_228 : memref<1x64xf32, #tpu.memory_space<vmem>> -> memref<64xf32, #tpu.memory_space<vmem>>
        %dma_start3A_230 = arith.constant 0 : i32
        %dma_start3A_231 = tpu.memref_slice %arg4[%squeeze3A_220, %dma_start3A_230] : memref<1000000x64xf32, #tpu.memory_space<hbm>> -> memref<1x64xf32, #tpu.memory_space<hbm>>
        %dma_start3A_232 = tpu.memref_squeeze %dma_start3A_231 : memref<1x64xf32, #tpu.memory_space<hbm>> -> memref<64xf32, #tpu.memory_space<hbm>>
        tpu.enqueue_dma source(%dma_start3A_232 : memref<64xf32, #tpu.memory_space<hbm>>) target(%dma_start3A_229 : memref<64xf32, #tpu.memory_space<vmem>>) target_semaphore(%arg12 : memref<!tpu.dma_semaphore, #tpu.memory_space<semaphore_mem>>)
        %slice3A_233 = vector.extract_strided_slice %get3A_89 {offsets = [4], sizes = [1], strides = [1]} : vector<16xi32> to vector<1xi32>
        %squeeze3A_234 = vector.extract %slice3A_233[0] : i32 from vector<1xi32>
        %dma_start3A_235 = arith.constant 0 : i32
        %dma_start3A_236 = tpu.memref_slice %arg10[%add3A_218, %dma_start3A_235] : memref<64x64xf32, #tpu.memory_space<vmem>> -> memref<1x64xf32, #tpu.memory_space<vmem>>
        %dma_start3A_237 = tpu.memref_squeeze %dma_start3A_236 : memref<1x64xf32, #tpu.memory_space<vmem>> -> memref<64xf32, #tpu.memory_space<vmem>>
        %dma_start3A_238 = arith.constant 0 : i32
        %dma_start3A_239 = tpu.memref_slice %arg5[%squeeze3A_234, %dma_start3A_238] : memref<1000000x64xf32, #tpu.memory_space<hbm>> -> memref<1x64xf32, #tpu.memory_space<hbm>>
        %dma_start3A_240 = tpu.memref_squeeze %dma_start3A_239 : memref<1x64xf32, #tpu.memory_space<hbm>> -> memref<64xf32, #tpu.memory_space<hbm>>
        %dma_start3A_241 = arith.constant 0 : i32
        %dma_start3A_242 = tpu.memref_slice %arg10[%add3A_218, %dma_start3A_241] : memref<64x64xf32, #tpu.memory_space<vmem>> -> memref<1x64xf32, #tpu.memory_space<vmem>>
        %dma_start3A_243 = tpu.memref_squeeze %dma_start3A_242 : memref<1x64xf32, #tpu.memory_space<vmem>> -> memref<64xf32, #tpu.memory_space<vmem>>
        %dma_start3A_244 = arith.constant 0 : i32
        %dma_start3A_245 = tpu.memref_slice %arg5[%squeeze3A_234, %dma_start3A_244] : memref<1000000x64xf32, #tpu.memory_space<hbm>> -> memref<1x64xf32, #tpu.memory_space<hbm>>
        %dma_start3A_246 = tpu.memref_squeeze %dma_start3A_245 : memref<1x64xf32, #tpu.memory_space<hbm>> -> memref<64xf32, #tpu.memory_space<hbm>>
        tpu.enqueue_dma source(%dma_start3A_246 : memref<64xf32, #tpu.memory_space<hbm>>) target(%dma_start3A_243 : memref<64xf32, #tpu.memory_space<vmem>>) target_semaphore(%arg12 : memref<!tpu.dma_semaphore, #tpu.memory_space<semaphore_mem>>)
        %mul3A_247 = arith.constant 16 : i32
        %mul3A_248 = arith.muli %scan3A_79, %mul3A_247 : i32
        %add3A_249 = arith.constant 5 : i32
        %add3A_250 = arith.addi %mul3A_248, %add3A_249 : i32
        %slice3A_251 = vector.extract_strided_slice %get3A_84 {offsets = [5], sizes = [1], strides = [1]} : vector<16xi32> to vector<1xi32>
        %squeeze3A_252 = vector.extract %slice3A_251[0] : i32 from vector<1xi32>
        %dma_start3A_253 = arith.constant 0 : i32
        %dma_start3A_254 = tpu.memref_slice %arg9[%add3A_250, %dma_start3A_253] : memref<64x64xf32, #tpu.memory_space<vmem>> -> memref<1x64xf32, #tpu.memory_space<vmem>>
        %dma_start3A_255 = tpu.memref_squeeze %dma_start3A_254 : memref<1x64xf32, #tpu.memory_space<vmem>> -> memref<64xf32, #tpu.memory_space<vmem>>
        %dma_start3A_256 = arith.constant 0 : i32
        %dma_start3A_257 = tpu.memref_slice %arg4[%squeeze3A_252, %dma_start3A_256] : memref<1000000x64xf32, #tpu.memory_space<hbm>> -> memref<1x64xf32, #tpu.memory_space<hbm>>
        %dma_start3A_258 = tpu.memref_squeeze %dma_start3A_257 : memref<1x64xf32, #tpu.memory_space<hbm>> -> memref<64xf32, #tpu.memory_space<hbm>>
        %dma_start3A_259 = arith.constant 0 : i32
        %dma_start3A_260 = tpu.memref_slice %arg9[%add3A_250, %dma_start3A_259] : memref<64x64xf32, #tpu.memory_space<vmem>> -> memref<1x64xf32, #tpu.memory_space<vmem>>
        %dma_start3A_261 = tpu.memref_squeeze %dma_start3A_260 : memref<1x64xf32, #tpu.memory_space<vmem>> -> memref<64xf32, #tpu.memory_space<vmem>>
        %dma_start3A_262 = arith.constant 0 : i32
        %dma_start3A_263 = tpu.memref_slice %arg4[%squeeze3A_252, %dma_start3A_262] : memref<1000000x64xf32, #tpu.memory_space<hbm>> -> memref<1x64xf32, #tpu.memory_space<hbm>>
        %dma_start3A_264 = tpu.memref_squeeze %dma_start3A_263 : memref<1x64xf32, #tpu.memory_space<hbm>> -> memref<64xf32, #tpu.memory_space<hbm>>
        tpu.enqueue_dma source(%dma_start3A_264 : memref<64xf32, #tpu.memory_space<hbm>>) target(%dma_start3A_261 : memref<64xf32, #tpu.memory_space<vmem>>) target_semaphore(%arg13 : memref<!tpu.dma_semaphore, #tpu.memory_space<semaphore_mem>>)
        %slice3A_265 = vector.extract_strided_slice %get3A_89 {offsets = [5], sizes = [1], strides = [1]} : vector<16xi32> to vector<1xi32>
        %squeeze3A_266 = vector.extract %slice3A_265[0] : i32 from vector<1xi32>
        %dma_start3A_267 = arith.constant 0 : i32
        %dma_start3A_268 = tpu.memref_slice %arg10[%add3A_250, %dma_start3A_267] : memref<64x64xf32, #tpu.memory_space<vmem>> -> memref<1x64xf32, #tpu.memory_space<vmem>>
        %dma_start3A_269 = tpu.memref_squeeze %dma_start3A_268 : memref<1x64xf32, #tpu.memory_space<vmem>> -> memref<64xf32, #tpu.memory_space<vmem>>
        %dma_start3A_270 = arith.constant 0 : i32
        %dma_start3A_271 = tpu.memref_slice %arg5[%squeeze3A_266, %dma_start3A_270] : memref<1000000x64xf32, #tpu.memory_space<hbm>> -> memref<1x64xf32, #tpu.memory_space<hbm>>
        %dma_start3A_272 = tpu.memref_squeeze %dma_start3A_271 : memref<1x64xf32, #tpu.memory_space<hbm>> -> memref<64xf32, #tpu.memory_space<hbm>>
        %dma_start3A_273 = arith.constant 0 : i32
        %dma_start3A_274 = tpu.memref_slice %arg10[%add3A_250, %dma_start3A_273] : memref<64x64xf32, #tpu.memory_space<vmem>> -> memref<1x64xf32, #tpu.memory_space<vmem>>
        %dma_start3A_275 = tpu.memref_squeeze %dma_start3A_274 : memref<1x64xf32, #tpu.memory_space<vmem>> -> memref<64xf32, #tpu.memory_space<vmem>>
        %dma_start3A_276 = arith.constant 0 : i32
        %dma_start3A_277 = tpu.memref_slice %arg5[%squeeze3A_266, %dma_start3A_276] : memref<1000000x64xf32, #tpu.memory_space<hbm>> -> memref<1x64xf32, #tpu.memory_space<hbm>>
        %dma_start3A_278 = tpu.memref_squeeze %dma_start3A_277 : memref<1x64xf32, #tpu.memory_space<hbm>> -> memref<64xf32, #tpu.memory_space<hbm>>
        tpu.enqueue_dma source(%dma_start3A_278 : memref<64xf32, #tpu.memory_space<hbm>>) target(%dma_start3A_275 : memref<64xf32, #tpu.memory_space<vmem>>) target_semaphore(%arg13 : memref<!tpu.dma_semaphore, #tpu.memory_space<semaphore_mem>>)
        %mul3A_279 = arith.constant 16 : i32
        %mul3A_280 = arith.muli %scan3A_79, %mul3A_279 : i32
        %add3A_281 = arith.constant 6 : i32
        %add3A_282 = arith.addi %mul3A_280, %add3A_281 : i32
        %slice3A_283 = vector.extract_strided_slice %get3A_84 {offsets = [6], sizes = [1], strides = [1]} : vector<16xi32> to vector<1xi32>
        %squeeze3A_284 = vector.extract %slice3A_283[0] : i32 from vector<1xi32>
        %dma_start3A_285 = arith.constant 0 : i32
        %dma_start3A_286 = tpu.memref_slice %arg9[%add3A_282, %dma_start3A_285] : memref<64x64xf32, #tpu.memory_space<vmem>> -> memref<1x64xf32, #tpu.memory_space<vmem>>
        %dma_start3A_287 = tpu.memref_squeeze %dma_start3A_286 : memref<1x64xf32, #tpu.memory_space<vmem>> -> memref<64xf32, #tpu.memory_space<vmem>>
        %dma_start3A_288 = arith.constant 0 : i32
        %dma_start3A_289 = tpu.memref_slice %arg4[%squeeze3A_284, %dma_start3A_288] : memref<1000000x64xf32, #tpu.memory_space<hbm>> -> memref<1x64xf32, #tpu.memory_space<hbm>>
        %dma_start3A_290 = tpu.memref_squeeze %dma_start3A_289 : memref<1x64xf32, #tpu.memory_space<hbm>> -> memref<64xf32, #tpu.memory_space<hbm>>
        %dma_start3A_291 = arith.constant 0 : i32
        %dma_start3A_292 = tpu.memref_slice %arg9[%add3A_282, %dma_start3A_291] : memref<64x64xf32, #tpu.memory_space<vmem>> -> memref<1x64xf32, #tpu.memory_space<vmem>>
        %dma_start3A_293 = tpu.memref_squeeze %dma_start3A_292 : memref<1x64xf32, #tpu.memory_space<vmem>> -> memref<64xf32, #tpu.memory_space<vmem>>
        %dma_start3A_294 = arith.constant 0 : i32
        %dma_start3A_295 = tpu.memref_slice %arg4[%squeeze3A_284, %dma_start3A_294] : memref<1000000x64xf32, #tpu.memory_space<hbm>> -> memref<1x64xf32, #tpu.memory_space<hbm>>
        %dma_start3A_296 = tpu.memref_squeeze %dma_start3A_295 : memref<1x64xf32, #tpu.memory_space<hbm>> -> memref<64xf32, #tpu.memory_space<hbm>>
        tpu.enqueue_dma source(%dma_start3A_296 : memref<64xf32, #tpu.memory_space<hbm>>) target(%dma_start3A_293 : memref<64xf32, #tpu.memory_space<vmem>>) target_semaphore(%arg14 : memref<!tpu.dma_semaphore, #tpu.memory_space<semaphore_mem>>)
        %slice3A_297 = vector.extract_strided_slice %get3A_89 {offsets = [6], sizes = [1], strides = [1]} : vector<16xi32> to vector<1xi32>
        %squeeze3A_298 = vector.extract %slice3A_297[0] : i32 from vector<1xi32>
        %dma_start3A_299 = arith.constant 0 : i32
        %dma_start3A_300 = tpu.memref_slice %arg10[%add3A_282, %dma_start3A_299] : memref<64x64xf32, #tpu.memory_space<vmem>> -> memref<1x64xf32, #tpu.memory_space<vmem>>
        %dma_start3A_301 = tpu.memref_squeeze %dma_start3A_300 : memref<1x64xf32, #tpu.memory_space<vmem>> -> memref<64xf32, #tpu.memory_space<vmem>>
        %dma_start3A_302 = arith.constant 0 : i32
        %dma_start3A_303 = tpu.memref_slice %arg5[%squeeze3A_298, %dma_start3A_302] : memref<1000000x64xf32, #tpu.memory_space<hbm>> -> memref<1x64xf32, #tpu.memory_space<hbm>>
        %dma_start3A_304 = tpu.memref_squeeze %dma_start3A_303 : memref<1x64xf32, #tpu.memory_space<hbm>> -> memref<64xf32, #tpu.memory_space<hbm>>
        %dma_start3A_305 = arith.constant 0 : i32
        %dma_start3A_306 = tpu.memref_slice %arg10[%add3A_282, %dma_start3A_305] : memref<64x64xf32, #tpu.memory_space<vmem>> -> memref<1x64xf32, #tpu.memory_space<vmem>>
        %dma_start3A_307 = tpu.memref_squeeze %dma_start3A_306 : memref<1x64xf32, #tpu.memory_space<vmem>> -> memref<64xf32, #tpu.memory_space<vmem>>
        %dma_start3A_308 = arith.constant 0 : i32
        %dma_start3A_309 = tpu.memref_slice %arg5[%squeeze3A_298, %dma_start3A_308] : memref<1000000x64xf32, #tpu.memory_space<hbm>> -> memref<1x64xf32, #tpu.memory_space<hbm>>
        %dma_start3A_310 = tpu.memref_squeeze %dma_start3A_309 : memref<1x64xf32, #tpu.memory_space<hbm>> -> memref<64xf32, #tpu.memory_space<hbm>>
        tpu.enqueue_dma source(%dma_start3A_310 : memref<64xf32, #tpu.memory_space<hbm>>) target(%dma_start3A_307 : memref<64xf32, #tpu.memory_space<vmem>>) target_semaphore(%arg14 : memref<!tpu.dma_semaphore, #tpu.memory_space<semaphore_mem>>)
        %mul3A_311 = arith.constant 16 : i32
        %mul3A_312 = arith.muli %scan3A_79, %mul3A_311 : i32
        %add3A_313 = arith.constant 7 : i32
        %add3A_314 = arith.addi %mul3A_312, %add3A_313 : i32
        %slice3A_315 = vector.extract_strided_slice %get3A_84 {offsets = [7], sizes = [1], strides = [1]} : vector<16xi32> to vector<1xi32>
        %squeeze3A_316 = vector.extract %slice3A_315[0] : i32 from vector<1xi32>
        %dma_start3A_317 = arith.constant 0 : i32
        %dma_start3A_318 = tpu.memref_slice %arg9[%add3A_314, %dma_start3A_317] : memref<64x64xf32, #tpu.memory_space<vmem>> -> memref<1x64xf32, #tpu.memory_space<vmem>>
        %dma_start3A_319 = tpu.memref_squeeze %dma_start3A_318 : memref<1x64xf32, #tpu.memory_space<vmem>> -> memref<64xf32, #tpu.memory_space<vmem>>
        %dma_start3A_320 = arith.constant 0 : i32
        %dma_start3A_321 = tpu.memref_slice %arg4[%squeeze3A_316, %dma_start3A_320] : memref<1000000x64xf32, #tpu.memory_space<hbm>> -> memref<1x64xf32, #tpu.memory_space<hbm>>
        %dma_start3A_322 = tpu.memref_squeeze %dma_start3A_321 : memref<1x64xf32, #tpu.memory_space<hbm>> -> memref<64xf32, #tpu.memory_space<hbm>>
        %dma_start3A_323 = arith.constant 0 : i32
        %dma_start3A_324 = tpu.memref_slice %arg9[%add3A_314, %dma_start3A_323] : memref<64x64xf32, #tpu.memory_space<vmem>> -> memref<1x64xf32, #tpu.memory_space<vmem>>
        %dma_start3A_325 = tpu.memref_squeeze %dma_start3A_324 : memref<1x64xf32, #tpu.memory_space<vmem>> -> memref<64xf32, #tpu.memory_space<vmem>>
        %dma_start3A_326 = arith.constant 0 : i32
        %dma_start3A_327 = tpu.memref_slice %arg4[%squeeze3A_316, %dma_start3A_326] : memref<1000000x64xf32, #tpu.memory_space<hbm>> -> memref<1x64xf32, #tpu.memory_space<hbm>>
        %dma_start3A_328 = tpu.memref_squeeze %dma_start3A_327 : memref<1x64xf32, #tpu.memory_space<hbm>> -> memref<64xf32, #tpu.memory_space<hbm>>
        tpu.enqueue_dma source(%dma_start3A_328 : memref<64xf32, #tpu.memory_space<hbm>>) target(%dma_start3A_325 : memref<64xf32, #tpu.memory_space<vmem>>) target_semaphore(%arg15 : memref<!tpu.dma_semaphore, #tpu.memory_space<semaphore_mem>>)
        %slice3A_329 = vector.extract_strided_slice %get3A_89 {offsets = [7], sizes = [1], strides = [1]} : vector<16xi32> to vector<1xi32>
        %squeeze3A_330 = vector.extract %slice3A_329[0] : i32 from vector<1xi32>
        %dma_start3A_331 = arith.constant 0 : i32
        %dma_start3A_332 = tpu.memref_slice %arg10[%add3A_314, %dma_start3A_331] : memref<64x64xf32, #tpu.memory_space<vmem>> -> memref<1x64xf32, #tpu.memory_space<vmem>>
        %dma_start3A_333 = tpu.memref_squeeze %dma_start3A_332 : memref<1x64xf32, #tpu.memory_space<vmem>> -> memref<64xf32, #tpu.memory_space<vmem>>
        %dma_start3A_334 = arith.constant 0 : i32
        %dma_start3A_335 = tpu.memref_slice %arg5[%squeeze3A_330, %dma_start3A_334] : memref<1000000x64xf32, #tpu.memory_space<hbm>> -> memref<1x64xf32, #tpu.memory_space<hbm>>
        %dma_start3A_336 = tpu.memref_squeeze %dma_start3A_335 : memref<1x64xf32, #tpu.memory_space<hbm>> -> memref<64xf32, #tpu.memory_space<hbm>>
        %dma_start3A_337 = arith.constant 0 : i32
        %dma_start3A_338 = tpu.memref_slice %arg10[%add3A_314, %dma_start3A_337] : memref<64x64xf32, #tpu.memory_space<vmem>> -> memref<1x64xf32, #tpu.memory_space<vmem>>
        %dma_start3A_339 = tpu.memref_squeeze %dma_start3A_338 : memref<1x64xf32, #tpu.memory_space<vmem>> -> memref<64xf32, #tpu.memory_space<vmem>>
        %dma_start3A_340 = arith.constant 0 : i32
        %dma_start3A_341 = tpu.memref_slice %arg5[%squeeze3A_330, %dma_start3A_340] : memref<1000000x64xf32, #tpu.memory_space<hbm>> -> memref<1x64xf32, #tpu.memory_space<hbm>>
        %dma_start3A_342 = tpu.memref_squeeze %dma_start3A_341 : memref<1x64xf32, #tpu.memory_space<hbm>> -> memref<64xf32, #tpu.memory_space<hbm>>
        tpu.enqueue_dma source(%dma_start3A_342 : memref<64xf32, #tpu.memory_space<hbm>>) target(%dma_start3A_339 : memref<64xf32, #tpu.memory_space<vmem>>) target_semaphore(%arg15 : memref<!tpu.dma_semaphore, #tpu.memory_space<semaphore_mem>>)
        %mul3A_343 = arith.constant 16 : i32
        %mul3A_344 = arith.muli %scan3A_79, %mul3A_343 : i32
        %add3A_345 = arith.constant 8 : i32
        %add3A_346 = arith.addi %mul3A_344, %add3A_345 : i32
        %slice3A_347 = vector.extract_strided_slice %get3A_84 {offsets = [8], sizes = [1], strides = [1]} : vector<16xi32> to vector<1xi32>
        %squeeze3A_348 = vector.extract %slice3A_347[0] : i32 from vector<1xi32>
        %dma_start3A_349 = arith.constant 0 : i32
        %dma_start3A_350 = tpu.memref_slice %arg9[%add3A_346, %dma_start3A_349] : memref<64x64xf32, #tpu.memory_space<vmem>> -> memref<1x64xf32, #tpu.memory_space<vmem>>
        %dma_start3A_351 = tpu.memref_squeeze %dma_start3A_350 : memref<1x64xf32, #tpu.memory_space<vmem>> -> memref<64xf32, #tpu.memory_space<vmem>>
        %dma_start3A_352 = arith.constant 0 : i32
        %dma_start3A_353 = tpu.memref_slice %arg4[%squeeze3A_348, %dma_start3A_352] : memref<1000000x64xf32, #tpu.memory_space<hbm>> -> memref<1x64xf32, #tpu.memory_space<hbm>>
        %dma_start3A_354 = tpu.memref_squeeze %dma_start3A_353 : memref<1x64xf32, #tpu.memory_space<hbm>> -> memref<64xf32, #tpu.memory_space<hbm>>
        %dma_start3A_355 = arith.constant 0 : i32
        %dma_start3A_356 = tpu.memref_slice %arg9[%add3A_346, %dma_start3A_355] : memref<64x64xf32, #tpu.memory_space<vmem>> -> memref<1x64xf32, #tpu.memory_space<vmem>>
        %dma_start3A_357 = tpu.memref_squeeze %dma_start3A_356 : memref<1x64xf32, #tpu.memory_space<vmem>> -> memref<64xf32, #tpu.memory_space<vmem>>
        %dma_start3A_358 = arith.constant 0 : i32
        %dma_start3A_359 = tpu.memref_slice %arg4[%squeeze3A_348, %dma_start3A_358] : memref<1000000x64xf32, #tpu.memory_space<hbm>> -> memref<1x64xf32, #tpu.memory_space<hbm>>
        %dma_start3A_360 = tpu.memref_squeeze %dma_start3A_359 : memref<1x64xf32, #tpu.memory_space<hbm>> -> memref<64xf32, #tpu.memory_space<hbm>>
        tpu.enqueue_dma source(%dma_start3A_360 : memref<64xf32, #tpu.memory_space<hbm>>) target(%dma_start3A_357 : memref<64xf32, #tpu.memory_space<vmem>>) target_semaphore(%arg12 : memref<!tpu.dma_semaphore, #tpu.memory_space<semaphore_mem>>)
        %slice3A_361 = vector.extract_strided_slice %get3A_89 {offsets = [8], sizes = [1], strides = [1]} : vector<16xi32> to vector<1xi32>
        %squeeze3A_362 = vector.extract %slice3A_361[0] : i32 from vector<1xi32>
        %dma_start3A_363 = arith.constant 0 : i32
        %dma_start3A_364 = tpu.memref_slice %arg10[%add3A_346, %dma_start3A_363] : memref<64x64xf32, #tpu.memory_space<vmem>> -> memref<1x64xf32, #tpu.memory_space<vmem>>
        %dma_start3A_365 = tpu.memref_squeeze %dma_start3A_364 : memref<1x64xf32, #tpu.memory_space<vmem>> -> memref<64xf32, #tpu.memory_space<vmem>>
        %dma_start3A_366 = arith.constant 0 : i32
        %dma_start3A_367 = tpu.memref_slice %arg5[%squeeze3A_362, %dma_start3A_366] : memref<1000000x64xf32, #tpu.memory_space<hbm>> -> memref<1x64xf32, #tpu.memory_space<hbm>>
        %dma_start3A_368 = tpu.memref_squeeze %dma_start3A_367 : memref<1x64xf32, #tpu.memory_space<hbm>> -> memref<64xf32, #tpu.memory_space<hbm>>
        %dma_start3A_369 = arith.constant 0 : i32
        %dma_start3A_370 = tpu.memref_slice %arg10[%add3A_346, %dma_start3A_369] : memref<64x64xf32, #tpu.memory_space<vmem>> -> memref<1x64xf32, #tpu.memory_space<vmem>>
        %dma_start3A_371 = tpu.memref_squeeze %dma_start3A_370 : memref<1x64xf32, #tpu.memory_space<vmem>> -> memref<64xf32, #tpu.memory_space<vmem>>
        %dma_start3A_372 = arith.constant 0 : i32
        %dma_start3A_373 = tpu.memref_slice %arg5[%squeeze3A_362, %dma_start3A_372] : memref<1000000x64xf32, #tpu.memory_space<hbm>> -> memref<1x64xf32, #tpu.memory_space<hbm>>
        %dma_start3A_374 = tpu.memref_squeeze %dma_start3A_373 : memref<1x64xf32, #tpu.memory_space<hbm>> -> memref<64xf32, #tpu.memory_space<hbm>>
        tpu.enqueue_dma source(%dma_start3A_374 : memref<64xf32, #tpu.memory_space<hbm>>) target(%dma_start3A_371 : memref<64xf32, #tpu.memory_space<vmem>>) target_semaphore(%arg12 : memref<!tpu.dma_semaphore, #tpu.memory_space<semaphore_mem>>)
        %mul3A_375 = arith.constant 16 : i32
        %mul3A_376 = arith.muli %scan3A_79, %mul3A_375 : i32
        %add3A_377 = arith.constant 9 : i32
        %add3A_378 = arith.addi %mul3A_376, %add3A_377 : i32
        %slice3A_379 = vector.extract_strided_slice %get3A_84 {offsets = [9], sizes = [1], strides = [1]} : vector<16xi32> to vector<1xi32>
        %squeeze3A_380 = vector.extract %slice3A_379[0] : i32 from vector<1xi32>
        %dma_start3A_381 = arith.constant 0 : i32
        %dma_start3A_382 = tpu.memref_slice %arg9[%add3A_378, %dma_start3A_381] : memref<64x64xf32, #tpu.memory_space<vmem>> -> memref<1x64xf32, #tpu.memory_space<vmem>>
        %dma_start3A_383 = tpu.memref_squeeze %dma_start3A_382 : memref<1x64xf32, #tpu.memory_space<vmem>> -> memref<64xf32, #tpu.memory_space<vmem>>
        %dma_start3A_384 = arith.constant 0 : i32
        %dma_start3A_385 = tpu.memref_slice %arg4[%squeeze3A_380, %dma_start3A_384] : memref<1000000x64xf32, #tpu.memory_space<hbm>> -> memref<1x64xf32, #tpu.memory_space<hbm>>
        %dma_start3A_386 = tpu.memref_squeeze %dma_start3A_385 : memref<1x64xf32, #tpu.memory_space<hbm>> -> memref<64xf32, #tpu.memory_space<hbm>>
        %dma_start3A_387 = arith.constant 0 : i32
        %dma_start3A_388 = tpu.memref_slice %arg9[%add3A_378, %dma_start3A_387] : memref<64x64xf32, #tpu.memory_space<vmem>> -> memref<1x64xf32, #tpu.memory_space<vmem>>
        %dma_start3A_389 = tpu.memref_squeeze %dma_start3A_388 : memref<1x64xf32, #tpu.memory_space<vmem>> -> memref<64xf32, #tpu.memory_space<vmem>>
        %dma_start3A_390 = arith.constant 0 : i32
        %dma_start3A_391 = tpu.memref_slice %arg4[%squeeze3A_380, %dma_start3A_390] : memref<1000000x64xf32, #tpu.memory_space<hbm>> -> memref<1x64xf32, #tpu.memory_space<hbm>>
        %dma_start3A_392 = tpu.memref_squeeze %dma_start3A_391 : memref<1x64xf32, #tpu.memory_space<hbm>> -> memref<64xf32, #tpu.memory_space<hbm>>
        tpu.enqueue_dma source(%dma_start3A_392 : memref<64xf32, #tpu.memory_space<hbm>>) target(%dma_start3A_389 : memref<64xf32, #tpu.memory_space<vmem>>) target_semaphore(%arg13 : memref<!tpu.dma_semaphore, #tpu.memory_space<semaphore_mem>>)
        %slice3A_393 = vector.extract_strided_slice %get3A_89 {offsets = [9], sizes = [1], strides = [1]} : vector<16xi32> to vector<1xi32>
        %squeeze3A_394 = vector.extract %slice3A_393[0] : i32 from vector<1xi32>
        %dma_start3A_395 = arith.constant 0 : i32
        %dma_start3A_396 = tpu.memref_slice %arg10[%add3A_378, %dma_start3A_395] : memref<64x64xf32, #tpu.memory_space<vmem>> -> memref<1x64xf32, #tpu.memory_space<vmem>>
        %dma_start3A_397 = tpu.memref_squeeze %dma_start3A_396 : memref<1x64xf32, #tpu.memory_space<vmem>> -> memref<64xf32, #tpu.memory_space<vmem>>
        %dma_start3A_398 = arith.constant 0 : i32
        %dma_start3A_399 = tpu.memref_slice %arg5[%squeeze3A_394, %dma_start3A_398] : memref<1000000x64xf32, #tpu.memory_space<hbm>> -> memref<1x64xf32, #tpu.memory_space<hbm>>
        %dma_start3A_400 = tpu.memref_squeeze %dma_start3A_399 : memref<1x64xf32, #tpu.memory_space<hbm>> -> memref<64xf32, #tpu.memory_space<hbm>>
        %dma_start3A_401 = arith.constant 0 : i32
        %dma_start3A_402 = tpu.memref_slice %arg10[%add3A_378, %dma_start3A_401] : memref<64x64xf32, #tpu.memory_space<vmem>> -> memref<1x64xf32, #tpu.memory_space<vmem>>
        %dma_start3A_403 = tpu.memref_squeeze %dma_start3A_402 : memref<1x64xf32, #tpu.memory_space<vmem>> -> memref<64xf32, #tpu.memory_space<vmem>>
        %dma_start3A_404 = arith.constant 0 : i32
        %dma_start3A_405 = tpu.memref_slice %arg5[%squeeze3A_394, %dma_start3A_404] : memref<1000000x64xf32, #tpu.memory_space<hbm>> -> memref<1x64xf32, #tpu.memory_space<hbm>>
        %dma_start3A_406 = tpu.memref_squeeze %dma_start3A_405 : memref<1x64xf32, #tpu.memory_space<hbm>> -> memref<64xf32, #tpu.memory_space<hbm>>
        tpu.enqueue_dma source(%dma_start3A_406 : memref<64xf32, #tpu.memory_space<hbm>>) target(%dma_start3A_403 : memref<64xf32, #tpu.memory_space<vmem>>) target_semaphore(%arg13 : memref<!tpu.dma_semaphore, #tpu.memory_space<semaphore_mem>>)
        %mul3A_407 = arith.constant 16 : i32
        %mul3A_408 = arith.muli %scan3A_79, %mul3A_407 : i32
        %add3A_409 = arith.constant 10 : i32
        %add3A_410 = arith.addi %mul3A_408, %add3A_409 : i32
        %slice3A_411 = vector.extract_strided_slice %get3A_84 {offsets = [10], sizes = [1], strides = [1]} : vector<16xi32> to vector<1xi32>
        %squeeze3A_412 = vector.extract %slice3A_411[0] : i32 from vector<1xi32>
        %dma_start3A_413 = arith.constant 0 : i32
        %dma_start3A_414 = tpu.memref_slice %arg9[%add3A_410, %dma_start3A_413] : memref<64x64xf32, #tpu.memory_space<vmem>> -> memref<1x64xf32, #tpu.memory_space<vmem>>
        %dma_start3A_415 = tpu.memref_squeeze %dma_start3A_414 : memref<1x64xf32, #tpu.memory_space<vmem>> -> memref<64xf32, #tpu.memory_space<vmem>>
        %dma_start3A_416 = arith.constant 0 : i32
        %dma_start3A_417 = tpu.memref_slice %arg4[%squeeze3A_412, %dma_start3A_416] : memref<1000000x64xf32, #tpu.memory_space<hbm>> -> memref<1x64xf32, #tpu.memory_space<hbm>>
        %dma_start3A_418 = tpu.memref_squeeze %dma_start3A_417 : memref<1x64xf32, #tpu.memory_space<hbm>> -> memref<64xf32, #tpu.memory_space<hbm>>
        %dma_start3A_419 = arith.constant 0 : i32
        %dma_start3A_420 = tpu.memref_slice %arg9[%add3A_410, %dma_start3A_419] : memref<64x64xf32, #tpu.memory_space<vmem>> -> memref<1x64xf32, #tpu.memory_space<vmem>>
        %dma_start3A_421 = tpu.memref_squeeze %dma_start3A_420 : memref<1x64xf32, #tpu.memory_space<vmem>> -> memref<64xf32, #tpu.memory_space<vmem>>
        %dma_start3A_422 = arith.constant 0 : i32
        %dma_start3A_423 = tpu.memref_slice %arg4[%squeeze3A_412, %dma_start3A_422] : memref<1000000x64xf32, #tpu.memory_space<hbm>> -> memref<1x64xf32, #tpu.memory_space<hbm>>
        %dma_start3A_424 = tpu.memref_squeeze %dma_start3A_423 : memref<1x64xf32, #tpu.memory_space<hbm>> -> memref<64xf32, #tpu.memory_space<hbm>>
        tpu.enqueue_dma source(%dma_start3A_424 : memref<64xf32, #tpu.memory_space<hbm>>) target(%dma_start3A_421 : memref<64xf32, #tpu.memory_space<vmem>>) target_semaphore(%arg14 : memref<!tpu.dma_semaphore, #tpu.memory_space<semaphore_mem>>)
        %slice3A_425 = vector.extract_strided_slice %get3A_89 {offsets = [10], sizes = [1], strides = [1]} : vector<16xi32> to vector<1xi32>
        %squeeze3A_426 = vector.extract %slice3A_425[0] : i32 from vector<1xi32>
        %dma_start3A_427 = arith.constant 0 : i32
        %dma_start3A_428 = tpu.memref_slice %arg10[%add3A_410, %dma_start3A_427] : memref<64x64xf32, #tpu.memory_space<vmem>> -> memref<1x64xf32, #tpu.memory_space<vmem>>
        %dma_start3A_429 = tpu.memref_squeeze %dma_start3A_428 : memref<1x64xf32, #tpu.memory_space<vmem>> -> memref<64xf32, #tpu.memory_space<vmem>>
        %dma_start3A_430 = arith.constant 0 : i32
        %dma_start3A_431 = tpu.memref_slice %arg5[%squeeze3A_426, %dma_start3A_430] : memref<1000000x64xf32, #tpu.memory_space<hbm>> -> memref<1x64xf32, #tpu.memory_space<hbm>>
        %dma_start3A_432 = tpu.memref_squeeze %dma_start3A_431 : memref<1x64xf32, #tpu.memory_space<hbm>> -> memref<64xf32, #tpu.memory_space<hbm>>
        %dma_start3A_433 = arith.constant 0 : i32
        %dma_start3A_434 = tpu.memref_slice %arg10[%add3A_410, %dma_start3A_433] : memref<64x64xf32, #tpu.memory_space<vmem>> -> memref<1x64xf32, #tpu.memory_space<vmem>>
        %dma_start3A_435 = tpu.memref_squeeze %dma_start3A_434 : memref<1x64xf32, #tpu.memory_space<vmem>> -> memref<64xf32, #tpu.memory_space<vmem>>
        %dma_start3A_436 = arith.constant 0 : i32
        %dma_start3A_437 = tpu.memref_slice %arg5[%squeeze3A_426, %dma_start3A_436] : memref<1000000x64xf32, #tpu.memory_space<hbm>> -> memref<1x64xf32, #tpu.memory_space<hbm>>
        %dma_start3A_438 = tpu.memref_squeeze %dma_start3A_437 : memref<1x64xf32, #tpu.memory_space<hbm>> -> memref<64xf32, #tpu.memory_space<hbm>>
        tpu.enqueue_dma source(%dma_start3A_438 : memref<64xf32, #tpu.memory_space<hbm>>) target(%dma_start3A_435 : memref<64xf32, #tpu.memory_space<vmem>>) target_semaphore(%arg14 : memref<!tpu.dma_semaphore, #tpu.memory_space<semaphore_mem>>)
        %mul3A_439 = arith.constant 16 : i32
        %mul3A_440 = arith.muli %scan3A_79, %mul3A_439 : i32
        %add3A_441 = arith.constant 11 : i32
        %add3A_442 = arith.addi %mul3A_440, %add3A_441 : i32
        %slice3A_443 = vector.extract_strided_slice %get3A_84 {offsets = [11], sizes = [1], strides = [1]} : vector<16xi32> to vector<1xi32>
        %squeeze3A_444 = vector.extract %slice3A_443[0] : i32 from vector<1xi32>
        %dma_start3A_445 = arith.constant 0 : i32
        %dma_start3A_446 = tpu.memref_slice %arg9[%add3A_442, %dma_start3A_445] : memref<64x64xf32, #tpu.memory_space<vmem>> -> memref<1x64xf32, #tpu.memory_space<vmem>>
        %dma_start3A_447 = tpu.memref_squeeze %dma_start3A_446 : memref<1x64xf32, #tpu.memory_space<vmem>> -> memref<64xf32, #tpu.memory_space<vmem>>
        %dma_start3A_448 = arith.constant 0 : i32
        %dma_start3A_449 = tpu.memref_slice %arg4[%squeeze3A_444, %dma_start3A_448] : memref<1000000x64xf32, #tpu.memory_space<hbm>> -> memref<1x64xf32, #tpu.memory_space<hbm>>
        %dma_start3A_450 = tpu.memref_squeeze %dma_start3A_449 : memref<1x64xf32, #tpu.memory_space<hbm>> -> memref<64xf32, #tpu.memory_space<hbm>>
        %dma_start3A_451 = arith.constant 0 : i32
        %dma_start3A_452 = tpu.memref_slice %arg9[%add3A_442, %dma_start3A_451] : memref<64x64xf32, #tpu.memory_space<vmem>> -> memref<1x64xf32, #tpu.memory_space<vmem>>
        %dma_start3A_453 = tpu.memref_squeeze %dma_start3A_452 : memref<1x64xf32, #tpu.memory_space<vmem>> -> memref<64xf32, #tpu.memory_space<vmem>>
        %dma_start3A_454 = arith.constant 0 : i32
        %dma_start3A_455 = tpu.memref_slice %arg4[%squeeze3A_444, %dma_start3A_454] : memref<1000000x64xf32, #tpu.memory_space<hbm>> -> memref<1x64xf32, #tpu.memory_space<hbm>>
        %dma_start3A_456 = tpu.memref_squeeze %dma_start3A_455 : memref<1x64xf32, #tpu.memory_space<hbm>> -> memref<64xf32, #tpu.memory_space<hbm>>
        tpu.enqueue_dma source(%dma_start3A_456 : memref<64xf32, #tpu.memory_space<hbm>>) target(%dma_start3A_453 : memref<64xf32, #tpu.memory_space<vmem>>) target_semaphore(%arg15 : memref<!tpu.dma_semaphore, #tpu.memory_space<semaphore_mem>>)
        %slice3A_457 = vector.extract_strided_slice %get3A_89 {offsets = [11], sizes = [1], strides = [1]} : vector<16xi32> to vector<1xi32>
        %squeeze3A_458 = vector.extract %slice3A_457[0] : i32 from vector<1xi32>
        %dma_start3A_459 = arith.constant 0 : i32
        %dma_start3A_460 = tpu.memref_slice %arg10[%add3A_442, %dma_start3A_459] : memref<64x64xf32, #tpu.memory_space<vmem>> -> memref<1x64xf32, #tpu.memory_space<vmem>>
        %dma_start3A_461 = tpu.memref_squeeze %dma_start3A_460 : memref<1x64xf32, #tpu.memory_space<vmem>> -> memref<64xf32, #tpu.memory_space<vmem>>
        %dma_start3A_462 = arith.constant 0 : i32
        %dma_start3A_463 = tpu.memref_slice %arg5[%squeeze3A_458, %dma_start3A_462] : memref<1000000x64xf32, #tpu.memory_space<hbm>> -> memref<1x64xf32, #tpu.memory_space<hbm>>
        %dma_start3A_464 = tpu.memref_squeeze %dma_start3A_463 : memref<1x64xf32, #tpu.memory_space<hbm>> -> memref<64xf32, #tpu.memory_space<hbm>>
        %dma_start3A_465 = arith.constant 0 : i32
        %dma_start3A_466 = tpu.memref_slice %arg10[%add3A_442, %dma_start3A_465] : memref<64x64xf32, #tpu.memory_space<vmem>> -> memref<1x64xf32, #tpu.memory_space<vmem>>
        %dma_start3A_467 = tpu.memref_squeeze %dma_start3A_466 : memref<1x64xf32, #tpu.memory_space<vmem>> -> memref<64xf32, #tpu.memory_space<vmem>>
        %dma_start3A_468 = arith.constant 0 : i32
        %dma_start3A_469 = tpu.memref_slice %arg5[%squeeze3A_458, %dma_start3A_468] : memref<1000000x64xf32, #tpu.memory_space<hbm>> -> memref<1x64xf32, #tpu.memory_space<hbm>>
        %dma_start3A_470 = tpu.memref_squeeze %dma_start3A_469 : memref<1x64xf32, #tpu.memory_space<hbm>> -> memref<64xf32, #tpu.memory_space<hbm>>
        tpu.enqueue_dma source(%dma_start3A_470 : memref<64xf32, #tpu.memory_space<hbm>>) target(%dma_start3A_467 : memref<64xf32, #tpu.memory_space<vmem>>) target_semaphore(%arg15 : memref<!tpu.dma_semaphore, #tpu.memory_space<semaphore_mem>>)
        %mul3A_471 = arith.constant 16 : i32
        %mul3A_472 = arith.muli %scan3A_79, %mul3A_471 : i32
        %add3A_473 = arith.constant 12 : i32
        %add3A_474 = arith.addi %mul3A_472, %add3A_473 : i32
        %slice3A_475 = vector.extract_strided_slice %get3A_84 {offsets = [12], sizes = [1], strides = [1]} : vector<16xi32> to vector<1xi32>
        %squeeze3A_476 = vector.extract %slice3A_475[0] : i32 from vector<1xi32>
        %dma_start3A_477 = arith.constant 0 : i32
        %dma_start3A_478 = tpu.memref_slice %arg9[%add3A_474, %dma_start3A_477] : memref<64x64xf32, #tpu.memory_space<vmem>> -> memref<1x64xf32, #tpu.memory_space<vmem>>
        %dma_start3A_479 = tpu.memref_squeeze %dma_start3A_478 : memref<1x64xf32, #tpu.memory_space<vmem>> -> memref<64xf32, #tpu.memory_space<vmem>>
        %dma_start3A_480 = arith.constant 0 : i32
        %dma_start3A_481 = tpu.memref_slice %arg4[%squeeze3A_476, %dma_start3A_480] : memref<1000000x64xf32, #tpu.memory_space<hbm>> -> memref<1x64xf32, #tpu.memory_space<hbm>>
        %dma_start3A_482 = tpu.memref_squeeze %dma_start3A_481 : memref<1x64xf32, #tpu.memory_space<hbm>> -> memref<64xf32, #tpu.memory_space<hbm>>
        %dma_start3A_483 = arith.constant 0 : i32
        %dma_start3A_484 = tpu.memref_slice %arg9[%add3A_474, %dma_start3A_483] : memref<64x64xf32, #tpu.memory_space<vmem>> -> memref<1x64xf32, #tpu.memory_space<vmem>>
        %dma_start3A_485 = tpu.memref_squeeze %dma_start3A_484 : memref<1x64xf32, #tpu.memory_space<vmem>> -> memref<64xf32, #tpu.memory_space<vmem>>
        %dma_start3A_486 = arith.constant 0 : i32
        %dma_start3A_487 = tpu.memref_slice %arg4[%squeeze3A_476, %dma_start3A_486] : memref<1000000x64xf32, #tpu.memory_space<hbm>> -> memref<1x64xf32, #tpu.memory_space<hbm>>
        %dma_start3A_488 = tpu.memref_squeeze %dma_start3A_487 : memref<1x64xf32, #tpu.memory_space<hbm>> -> memref<64xf32, #tpu.memory_space<hbm>>
        tpu.enqueue_dma source(%dma_start3A_488 : memref<64xf32, #tpu.memory_space<hbm>>) target(%dma_start3A_485 : memref<64xf32, #tpu.memory_space<vmem>>) target_semaphore(%arg12 : memref<!tpu.dma_semaphore, #tpu.memory_space<semaphore_mem>>)
        %slice3A_489 = vector.extract_strided_slice %get3A_89 {offsets = [12], sizes = [1], strides = [1]} : vector<16xi32> to vector<1xi32>
        %squeeze3A_490 = vector.extract %slice3A_489[0] : i32 from vector<1xi32>
        %dma_start3A_491 = arith.constant 0 : i32
        %dma_start3A_492 = tpu.memref_slice %arg10[%add3A_474, %dma_start3A_491] : memref<64x64xf32, #tpu.memory_space<vmem>> -> memref<1x64xf32, #tpu.memory_space<vmem>>
        %dma_start3A_493 = tpu.memref_squeeze %dma_start3A_492 : memref<1x64xf32, #tpu.memory_space<vmem>> -> memref<64xf32, #tpu.memory_space<vmem>>
        %dma_start3A_494 = arith.constant 0 : i32
        %dma_start3A_495 = tpu.memref_slice %arg5[%squeeze3A_490, %dma_start3A_494] : memref<1000000x64xf32, #tpu.memory_space<hbm>> -> memref<1x64xf32, #tpu.memory_space<hbm>>
        %dma_start3A_496 = tpu.memref_squeeze %dma_start3A_495 : memref<1x64xf32, #tpu.memory_space<hbm>> -> memref<64xf32, #tpu.memory_space<hbm>>
        %dma_start3A_497 = arith.constant 0 : i32
        %dma_start3A_498 = tpu.memref_slice %arg10[%add3A_474, %dma_start3A_497] : memref<64x64xf32, #tpu.memory_space<vmem>> -> memref<1x64xf32, #tpu.memory_space<vmem>>
        %dma_start3A_499 = tpu.memref_squeeze %dma_start3A_498 : memref<1x64xf32, #tpu.memory_space<vmem>> -> memref<64xf32, #tpu.memory_space<vmem>>
        %dma_start3A_500 = arith.constant 0 : i32
        %dma_start3A_501 = tpu.memref_slice %arg5[%squeeze3A_490, %dma_start3A_500] : memref<1000000x64xf32, #tpu.memory_space<hbm>> -> memref<1x64xf32, #tpu.memory_space<hbm>>
        %dma_start3A_502 = tpu.memref_squeeze %dma_start3A_501 : memref<1x64xf32, #tpu.memory_space<hbm>> -> memref<64xf32, #tpu.memory_space<hbm>>
        tpu.enqueue_dma source(%dma_start3A_502 : memref<64xf32, #tpu.memory_space<hbm>>) target(%dma_start3A_499 : memref<64xf32, #tpu.memory_space<vmem>>) target_semaphore(%arg12 : memref<!tpu.dma_semaphore, #tpu.memory_space<semaphore_mem>>)
        %mul3A_503 = arith.constant 16 : i32
        %mul3A_504 = arith.muli %scan3A_79, %mul3A_503 : i32
        %add3A_505 = arith.constant 13 : i32
        %add3A_506 = arith.addi %mul3A_504, %add3A_505 : i32
        %slice3A_507 = vector.extract_strided_slice %get3A_84 {offsets = [13], sizes = [1], strides = [1]} : vector<16xi32> to vector<1xi32>
        %squeeze3A_508 = vector.extract %slice3A_507[0] : i32 from vector<1xi32>
        %dma_start3A_509 = arith.constant 0 : i32
        %dma_start3A_510 = tpu.memref_slice %arg9[%add3A_506, %dma_start3A_509] : memref<64x64xf32, #tpu.memory_space<vmem>> -> memref<1x64xf32, #tpu.memory_space<vmem>>
        %dma_start3A_511 = tpu.memref_squeeze %dma_start3A_510 : memref<1x64xf32, #tpu.memory_space<vmem>> -> memref<64xf32, #tpu.memory_space<vmem>>
        %dma_start3A_512 = arith.constant 0 : i32
        %dma_start3A_513 = tpu.memref_slice %arg4[%squeeze3A_508, %dma_start3A_512] : memref<1000000x64xf32, #tpu.memory_space<hbm>> -> memref<1x64xf32, #tpu.memory_space<hbm>>
        %dma_start3A_514 = tpu.memref_squeeze %dma_start3A_513 : memref<1x64xf32, #tpu.memory_space<hbm>> -> memref<64xf32, #tpu.memory_space<hbm>>
        %dma_start3A_515 = arith.constant 0 : i32
        %dma_start3A_516 = tpu.memref_slice %arg9[%add3A_506, %dma_start3A_515] : memref<64x64xf32, #tpu.memory_space<vmem>> -> memref<1x64xf32, #tpu.memory_space<vmem>>
        %dma_start3A_517 = tpu.memref_squeeze %dma_start3A_516 : memref<1x64xf32, #tpu.memory_space<vmem>> -> memref<64xf32, #tpu.memory_space<vmem>>
        %dma_start3A_518 = arith.constant 0 : i32
        %dma_start3A_519 = tpu.memref_slice %arg4[%squeeze3A_508, %dma_start3A_518] : memref<1000000x64xf32, #tpu.memory_space<hbm>> -> memref<1x64xf32, #tpu.memory_space<hbm>>
        %dma_start3A_520 = tpu.memref_squeeze %dma_start3A_519 : memref<1x64xf32, #tpu.memory_space<hbm>> -> memref<64xf32, #tpu.memory_space<hbm>>
        tpu.enqueue_dma source(%dma_start3A_520 : memref<64xf32, #tpu.memory_space<hbm>>) target(%dma_start3A_517 : memref<64xf32, #tpu.memory_space<vmem>>) target_semaphore(%arg13 : memref<!tpu.dma_semaphore, #tpu.memory_space<semaphore_mem>>)
        %slice3A_521 = vector.extract_strided_slice %get3A_89 {offsets = [13], sizes = [1], strides = [1]} : vector<16xi32> to vector<1xi32>
        %squeeze3A_522 = vector.extract %slice3A_521[0] : i32 from vector<1xi32>
        %dma_start3A_523 = arith.constant 0 : i32
        %dma_start3A_524 = tpu.memref_slice %arg10[%add3A_506, %dma_start3A_523] : memref<64x64xf32, #tpu.memory_space<vmem>> -> memref<1x64xf32, #tpu.memory_space<vmem>>
        %dma_start3A_525 = tpu.memref_squeeze %dma_start3A_524 : memref<1x64xf32, #tpu.memory_space<vmem>> -> memref<64xf32, #tpu.memory_space<vmem>>
        %dma_start3A_526 = arith.constant 0 : i32
        %dma_start3A_527 = tpu.memref_slice %arg5[%squeeze3A_522, %dma_start3A_526] : memref<1000000x64xf32, #tpu.memory_space<hbm>> -> memref<1x64xf32, #tpu.memory_space<hbm>>
        %dma_start3A_528 = tpu.memref_squeeze %dma_start3A_527 : memref<1x64xf32, #tpu.memory_space<hbm>> -> memref<64xf32, #tpu.memory_space<hbm>>
        %dma_start3A_529 = arith.constant 0 : i32
        %dma_start3A_530 = tpu.memref_slice %arg10[%add3A_506, %dma_start3A_529] : memref<64x64xf32, #tpu.memory_space<vmem>> -> memref<1x64xf32, #tpu.memory_space<vmem>>
        %dma_start3A_531 = tpu.memref_squeeze %dma_start3A_530 : memref<1x64xf32, #tpu.memory_space<vmem>> -> memref<64xf32, #tpu.memory_space<vmem>>
        %dma_start3A_532 = arith.constant 0 : i32
        %dma_start3A_533 = tpu.memref_slice %arg5[%squeeze3A_522, %dma_start3A_532] : memref<1000000x64xf32, #tpu.memory_space<hbm>> -> memref<1x64xf32, #tpu.memory_space<hbm>>
        %dma_start3A_534 = tpu.memref_squeeze %dma_start3A_533 : memref<1x64xf32, #tpu.memory_space<hbm>> -> memref<64xf32, #tpu.memory_space<hbm>>
        tpu.enqueue_dma source(%dma_start3A_534 : memref<64xf32, #tpu.memory_space<hbm>>) target(%dma_start3A_531 : memref<64xf32, #tpu.memory_space<vmem>>) target_semaphore(%arg13 : memref<!tpu.dma_semaphore, #tpu.memory_space<semaphore_mem>>)
        %mul3A_535 = arith.constant 16 : i32
        %mul3A_536 = arith.muli %scan3A_79, %mul3A_535 : i32
        %add3A_537 = arith.constant 14 : i32
        %add3A_538 = arith.addi %mul3A_536, %add3A_537 : i32
        %slice3A_539 = vector.extract_strided_slice %get3A_84 {offsets = [14], sizes = [1], strides = [1]} : vector<16xi32> to vector<1xi32>
        %squeeze3A_540 = vector.extract %slice3A_539[0] : i32 from vector<1xi32>
        %dma_start3A_541 = arith.constant 0 : i32
        %dma_start3A_542 = tpu.memref_slice %arg9[%add3A_538, %dma_start3A_541] : memref<64x64xf32, #tpu.memory_space<vmem>> -> memref<1x64xf32, #tpu.memory_space<vmem>>
        %dma_start3A_543 = tpu.memref_squeeze %dma_start3A_542 : memref<1x64xf32, #tpu.memory_space<vmem>> -> memref<64xf32, #tpu.memory_space<vmem>>
        %dma_start3A_544 = arith.constant 0 : i32
        %dma_start3A_545 = tpu.memref_slice %arg4[%squeeze3A_540, %dma_start3A_544] : memref<1000000x64xf32, #tpu.memory_space<hbm>> -> memref<1x64xf32, #tpu.memory_space<hbm>>
        %dma_start3A_546 = tpu.memref_squeeze %dma_start3A_545 : memref<1x64xf32, #tpu.memory_space<hbm>> -> memref<64xf32, #tpu.memory_space<hbm>>
        %dma_start3A_547 = arith.constant 0 : i32
        %dma_start3A_548 = tpu.memref_slice %arg9[%add3A_538, %dma_start3A_547] : memref<64x64xf32, #tpu.memory_space<vmem>> -> memref<1x64xf32, #tpu.memory_space<vmem>>
        %dma_start3A_549 = tpu.memref_squeeze %dma_start3A_548 : memref<1x64xf32, #tpu.memory_space<vmem>> -> memref<64xf32, #tpu.memory_space<vmem>>
        %dma_start3A_550 = arith.constant 0 : i32
        %dma_start3A_551 = tpu.memref_slice %arg4[%squeeze3A_540, %dma_start3A_550] : memref<1000000x64xf32, #tpu.memory_space<hbm>> -> memref<1x64xf32, #tpu.memory_space<hbm>>
        %dma_start3A_552 = tpu.memref_squeeze %dma_start3A_551 : memref<1x64xf32, #tpu.memory_space<hbm>> -> memref<64xf32, #tpu.memory_space<hbm>>
        tpu.enqueue_dma source(%dma_start3A_552 : memref<64xf32, #tpu.memory_space<hbm>>) target(%dma_start3A_549 : memref<64xf32, #tpu.memory_space<vmem>>) target_semaphore(%arg14 : memref<!tpu.dma_semaphore, #tpu.memory_space<semaphore_mem>>)
        %slice3A_553 = vector.extract_strided_slice %get3A_89 {offsets = [14], sizes = [1], strides = [1]} : vector<16xi32> to vector<1xi32>
        %squeeze3A_554 = vector.extract %slice3A_553[0] : i32 from vector<1xi32>
        %dma_start3A_555 = arith.constant 0 : i32
        %dma_start3A_556 = tpu.memref_slice %arg10[%add3A_538, %dma_start3A_555] : memref<64x64xf32, #tpu.memory_space<vmem>> -> memref<1x64xf32, #tpu.memory_space<vmem>>
        %dma_start3A_557 = tpu.memref_squeeze %dma_start3A_556 : memref<1x64xf32, #tpu.memory_space<vmem>> -> memref<64xf32, #tpu.memory_space<vmem>>
        %dma_start3A_558 = arith.constant 0 : i32
        %dma_start3A_559 = tpu.memref_slice %arg5[%squeeze3A_554, %dma_start3A_558] : memref<1000000x64xf32, #tpu.memory_space<hbm>> -> memref<1x64xf32, #tpu.memory_space<hbm>>
        %dma_start3A_560 = tpu.memref_squeeze %dma_start3A_559 : memref<1x64xf32, #tpu.memory_space<hbm>> -> memref<64xf32, #tpu.memory_space<hbm>>
        %dma_start3A_561 = arith.constant 0 : i32
        %dma_start3A_562 = tpu.memref_slice %arg10[%add3A_538, %dma_start3A_561] : memref<64x64xf32, #tpu.memory_space<vmem>> -> memref<1x64xf32, #tpu.memory_space<vmem>>
        %dma_start3A_563 = tpu.memref_squeeze %dma_start3A_562 : memref<1x64xf32, #tpu.memory_space<vmem>> -> memref<64xf32, #tpu.memory_space<vmem>>
        %dma_start3A_564 = arith.constant 0 : i32
        %dma_start3A_565 = tpu.memref_slice %arg5[%squeeze3A_554, %dma_start3A_564] : memref<1000000x64xf32, #tpu.memory_space<hbm>> -> memref<1x64xf32, #tpu.memory_space<hbm>>
        %dma_start3A_566 = tpu.memref_squeeze %dma_start3A_565 : memref<1x64xf32, #tpu.memory_space<hbm>> -> memref<64xf32, #tpu.memory_space<hbm>>
        tpu.enqueue_dma source(%dma_start3A_566 : memref<64xf32, #tpu.memory_space<hbm>>) target(%dma_start3A_563 : memref<64xf32, #tpu.memory_space<vmem>>) target_semaphore(%arg14 : memref<!tpu.dma_semaphore, #tpu.memory_space<semaphore_mem>>)
        %mul3A_567 = arith.constant 16 : i32
        %mul3A_568 = arith.muli %scan3A_79, %mul3A_567 : i32
        %add3A_569 = arith.constant 15 : i32
        %add3A_570 = arith.addi %mul3A_568, %add3A_569 : i32
        %slice3A_571 = vector.extract_strided_slice %get3A_84 {offsets = [15], sizes = [1], strides = [1]} : vector<16xi32> to vector<1xi32>
        %squeeze3A_572 = vector.extract %slice3A_571[0] : i32 from vector<1xi32>
        %dma_start3A_573 = arith.constant 0 : i32
        %dma_start3A_574 = tpu.memref_slice %arg9[%add3A_570, %dma_start3A_573] : memref<64x64xf32, #tpu.memory_space<vmem>> -> memref<1x64xf32, #tpu.memory_space<vmem>>
        %dma_start3A_575 = tpu.memref_squeeze %dma_start3A_574 : memref<1x64xf32, #tpu.memory_space<vmem>> -> memref<64xf32, #tpu.memory_space<vmem>>
        %dma_start3A_576 = arith.constant 0 : i32
        %dma_start3A_577 = tpu.memref_slice %arg4[%squeeze3A_572, %dma_start3A_576] : memref<1000000x64xf32, #tpu.memory_space<hbm>> -> memref<1x64xf32, #tpu.memory_space<hbm>>
        %dma_start3A_578 = tpu.memref_squeeze %dma_start3A_577 : memref<1x64xf32, #tpu.memory_space<hbm>> -> memref<64xf32, #tpu.memory_space<hbm>>
        %dma_start3A_579 = arith.constant 0 : i32
        %dma_start3A_580 = tpu.memref_slice %arg9[%add3A_570, %dma_start3A_579] : memref<64x64xf32, #tpu.memory_space<vmem>> -> memref<1x64xf32, #tpu.memory_space<vmem>>
        %dma_start3A_581 = tpu.memref_squeeze %dma_start3A_580 : memref<1x64xf32, #tpu.memory_space<vmem>> -> memref<64xf32, #tpu.memory_space<vmem>>
        %dma_start3A_582 = arith.constant 0 : i32
        %dma_start3A_583 = tpu.memref_slice %arg4[%squeeze3A_572, %dma_start3A_582] : memref<1000000x64xf32, #tpu.memory_space<hbm>> -> memref<1x64xf32, #tpu.memory_space<hbm>>
        %dma_start3A_584 = tpu.memref_squeeze %dma_start3A_583 : memref<1x64xf32, #tpu.memory_space<hbm>> -> memref<64xf32, #tpu.memory_space<hbm>>
        tpu.enqueue_dma source(%dma_start3A_584 : memref<64xf32, #tpu.memory_space<hbm>>) target(%dma_start3A_581 : memref<64xf32, #tpu.memory_space<vmem>>) target_semaphore(%arg15 : memref<!tpu.dma_semaphore, #tpu.memory_space<semaphore_mem>>)
        %slice3A_585 = vector.extract_strided_slice %get3A_89 {offsets = [15], sizes = [1], strides = [1]} : vector<16xi32> to vector<1xi32>
        %squeeze3A_586 = vector.extract %slice3A_585[0] : i32 from vector<1xi32>
        %dma_start3A_587 = arith.constant 0 : i32
        %dma_start3A_588 = tpu.memref_slice %arg10[%add3A_570, %dma_start3A_587] : memref<64x64xf32, #tpu.memory_space<vmem>> -> memref<1x64xf32, #tpu.memory_space<vmem>>
        %dma_start3A_589 = tpu.memref_squeeze %dma_start3A_588 : memref<1x64xf32, #tpu.memory_space<vmem>> -> memref<64xf32, #tpu.memory_space<vmem>>
        %dma_start3A_590 = arith.constant 0 : i32
        %dma_start3A_591 = tpu.memref_slice %arg5[%squeeze3A_586, %dma_start3A_590] : memref<1000000x64xf32, #tpu.memory_space<hbm>> -> memref<1x64xf32, #tpu.memory_space<hbm>>
        %dma_start3A_592 = tpu.memref_squeeze %dma_start3A_591 : memref<1x64xf32, #tpu.memory_space<hbm>> -> memref<64xf32, #tpu.memory_space<hbm>>
        %dma_start3A_593 = arith.constant 0 : i32
        %dma_start3A_594 = tpu.memref_slice %arg10[%add3A_570, %dma_start3A_593] : memref<64x64xf32, #tpu.memory_space<vmem>> -> memref<1x64xf32, #tpu.memory_space<vmem>>
        %dma_start3A_595 = tpu.memref_squeeze %dma_start3A_594 : memref<1x64xf32, #tpu.memory_space<vmem>> -> memref<64xf32, #tpu.memory_space<vmem>>
        %dma_start3A_596 = arith.constant 0 : i32
        %dma_start3A_597 = tpu.memref_slice %arg5[%squeeze3A_586, %dma_start3A_596] : memref<1000000x64xf32, #tpu.memory_space<hbm>> -> memref<1x64xf32, #tpu.memory_space<hbm>>
        %dma_start3A_598 = tpu.memref_squeeze %dma_start3A_597 : memref<1x64xf32, #tpu.memory_space<hbm>> -> memref<64xf32, #tpu.memory_space<hbm>>
        tpu.enqueue_dma source(%dma_start3A_598 : memref<64xf32, #tpu.memory_space<hbm>>) target(%dma_start3A_595 : memref<64xf32, #tpu.memory_space<vmem>>) target_semaphore(%arg15 : memref<!tpu.dma_semaphore, #tpu.memory_space<semaphore_mem>>)
        %scan3A_599 = arith.constant 0 : i32
        scf.yield %scan3A_599 : i32
      }
      %scan3A_23 = arith.constant 4 : i32
      %dma_wait3A = arith.constant 0 : i32
      %dma_wait3A_24 = arith.constant 0 : i32
      %dma_wait3A_25 = tpu.memref_slice %arg9[%dma_wait3A, %dma_wait3A_24] : memref<64x64xf32, #tpu.memory_space<vmem>> -> memref<32x64xf32, #tpu.memory_space<vmem>>
      %dma_wait3A_26 = arith.constant 0 : i32
      %dma_wait3A_27 = arith.constant 0 : i32
      %dma_wait3A_28 = tpu.memref_slice %arg4[%dma_wait3A_26, %dma_wait3A_27] : memref<1000000x64xf32, #tpu.memory_space<hbm>> -> memref<32x64xf32, #tpu.memory_space<hbm>>
      %dma_wait3A_29 = arith.constant 0 : i32
      %dma_wait3A_30 = arith.constant 0 : i32
      %dma_wait3A_31 = tpu.memref_slice %arg9[%dma_wait3A_29, %dma_wait3A_30] : memref<64x64xf32, #tpu.memory_space<vmem>> -> memref<32x64xf32, #tpu.memory_space<vmem>>
      %dma_wait3A_32 = arith.constant 0 : i32
      %dma_wait3A_33 = arith.constant 0 : i32
      %dma_wait3A_34 = tpu.memref_slice %arg4[%dma_wait3A_32, %dma_wait3A_33] : memref<1000000x64xf32, #tpu.memory_space<hbm>> -> memref<32x64xf32, #tpu.memory_space<hbm>>
      tpu.wait_dma2 semaphore(%arg12 : memref<!tpu.dma_semaphore, #tpu.memory_space<semaphore_mem>>) src(%dma_wait3A_34 : memref<32x64xf32, #tpu.memory_space<hbm>>) dst(%dma_wait3A_31 : memref<32x64xf32, #tpu.memory_space<vmem>>)
      %dma_wait3A_35 = arith.constant 0 : i32
      %dma_wait3A_36 = arith.constant 0 : i32
      %dma_wait3A_37 = tpu.memref_slice %arg9[%dma_wait3A_35, %dma_wait3A_36] : memref<64x64xf32, #tpu.memory_space<vmem>> -> memref<32x64xf32, #tpu.memory_space<vmem>>
      %dma_wait3A_38 = arith.constant 0 : i32
      %dma_wait3A_39 = arith.constant 0 : i32
      %dma_wait3A_40 = tpu.memref_slice %arg4[%dma_wait3A_38, %dma_wait3A_39] : memref<1000000x64xf32, #tpu.memory_space<hbm>> -> memref<32x64xf32, #tpu.memory_space<hbm>>
      %dma_wait3A_41 = arith.constant 0 : i32
      %dma_wait3A_42 = arith.constant 0 : i32
      %dma_wait3A_43 = tpu.memref_slice %arg9[%dma_wait3A_41, %dma_wait3A_42] : memref<64x64xf32, #tpu.memory_space<vmem>> -> memref<32x64xf32, #tpu.memory_space<vmem>>
      %dma_wait3A_44 = arith.constant 0 : i32
      %dma_wait3A_45 = arith.constant 0 : i32
      %dma_wait3A_46 = tpu.memref_slice %arg4[%dma_wait3A_44, %dma_wait3A_45] : memref<1000000x64xf32, #tpu.memory_space<hbm>> -> memref<32x64xf32, #tpu.memory_space<hbm>>
      tpu.wait_dma2 semaphore(%arg13 : memref<!tpu.dma_semaphore, #tpu.memory_space<semaphore_mem>>) src(%dma_wait3A_46 : memref<32x64xf32, #tpu.memory_space<hbm>>) dst(%dma_wait3A_43 : memref<32x64xf32, #tpu.memory_space<vmem>>)
      %dma_wait3A_47 = arith.constant 0 : i32
      %dma_wait3A_48 = arith.constant 0 : i32
      %dma_wait3A_49 = tpu.memref_slice %arg9[%dma_wait3A_47, %dma_wait3A_48] : memref<64x64xf32, #tpu.memory_space<vmem>> -> memref<32x64xf32, #tpu.memory_space<vmem>>
      %dma_wait3A_50 = arith.constant 0 : i32
      %dma_wait3A_51 = arith.constant 0 : i32
      %dma_wait3A_52 = tpu.memref_slice %arg4[%dma_wait3A_50, %dma_wait3A_51] : memref<1000000x64xf32, #tpu.memory_space<hbm>> -> memref<32x64xf32, #tpu.memory_space<hbm>>
      %dma_wait3A_53 = arith.constant 0 : i32
      %dma_wait3A_54 = arith.constant 0 : i32
      %dma_wait3A_55 = tpu.memref_slice %arg9[%dma_wait3A_53, %dma_wait3A_54] : memref<64x64xf32, #tpu.memory_space<vmem>> -> memref<32x64xf32, #tpu.memory_space<vmem>>
      %dma_wait3A_56 = arith.constant 0 : i32
      %dma_wait3A_57 = arith.constant 0 : i32
      %dma_wait3A_58 = tpu.memref_slice %arg4[%dma_wait3A_56, %dma_wait3A_57] : memref<1000000x64xf32, #tpu.memory_space<hbm>> -> memref<32x64xf32, #tpu.memory_space<hbm>>
      tpu.wait_dma2 semaphore(%arg14 : memref<!tpu.dma_semaphore, #tpu.memory_space<semaphore_mem>>) src(%dma_wait3A_58 : memref<32x64xf32, #tpu.memory_space<hbm>>) dst(%dma_wait3A_55 : memref<32x64xf32, #tpu.memory_space<vmem>>)
      %dma_wait3A_59 = arith.constant 0 : i32
      %dma_wait3A_60 = arith.constant 0 : i32
      %dma_wait3A_61 = tpu.memref_slice %arg9[%dma_wait3A_59, %dma_wait3A_60] : memref<64x64xf32, #tpu.memory_space<vmem>> -> memref<32x64xf32, #tpu.memory_space<vmem>>
      %dma_wait3A_62 = arith.constant 0 : i32
      %dma_wait3A_63 = arith.constant 0 : i32
      %dma_wait3A_64 = tpu.memref_slice %arg4[%dma_wait3A_62, %dma_wait3A_63] : memref<1000000x64xf32, #tpu.memory_space<hbm>> -> memref<32x64xf32, #tpu.memory_space<hbm>>
      %dma_wait3A_65 = arith.constant 0 : i32
      %dma_wait3A_66 = arith.constant 0 : i32
      %dma_wait3A_67 = tpu.memref_slice %arg9[%dma_wait3A_65, %dma_wait3A_66] : memref<64x64xf32, #tpu.memory_space<vmem>> -> memref<32x64xf32, #tpu.memory_space<vmem>>
      %dma_wait3A_68 = arith.constant 0 : i32
      %dma_wait3A_69 = arith.constant 0 : i32
      %dma_wait3A_70 = tpu.memref_slice %arg4[%dma_wait3A_68, %dma_wait3A_69] : memref<1000000x64xf32, #tpu.memory_space<hbm>> -> memref<32x64xf32, #tpu.memory_space<hbm>>
      tpu.wait_dma2 semaphore(%arg15 : memref<!tpu.dma_semaphore, #tpu.memory_space<semaphore_mem>>) src(%dma_wait3A_70 : memref<32x64xf32, #tpu.memory_space<hbm>>) dst(%dma_wait3A_67 : memref<32x64xf32, #tpu.memory_space<vmem>>)
      %scan3A_71 = arith.constant 0 : i32
      %scan3A_72 = arith.constant 0 : i32
      %scan3A_73 = arith.constant 4 : i32
      %scan3A_74 = arith.addi %scan3A_72, %scan3A_73 : i32
      %scan3A_75 = arith.constant 1 : i32
      %scan3A_76 = scf.for %scan3A_79 = %scan3A_72 to %scan3A_74 step %scan3A_75 iter_args(%scan3A_80 = %scan3A_71) -> (i32)  : i32 {
        %mul3A_81 = arith.constant 16 : i32
        %mul3A_82 = arith.muli %scan3A_79, %mul3A_81 : i32
        %add3A_83 = vector.broadcast %mul3A_82 : i32 to vector<16xi32>
        %add3A_84 = arith.addi %add3A_83, %iota3A : vector<16xi32>
        %broadcast_in_dim3A = arith.constant 0.000000e+00 : f32
        %broadcast_in_dim3A_85 = vector.broadcast %broadcast_in_dim3A : f32 to vector<16xf32>
        %gather3A = tpu.vector_load_idx %arg9[%add3A_84, %iota3A] : memref<64x64xf32, #tpu.memory_space<vmem>>[vector<16xi32>, vector<16xi32>], vector<16xf32>,
        %gather3A_86 = tpu.vector_load_idx %arg10[%add3A_84, %iota3A] : memref<64x64xf32, #tpu.memory_space<vmem>>[vector<16xi32>, vector<16xi32>], vector<16xf32>,
        %mul3A_87 = arith.mulf %gather3A, %gather3A_86 : vector<16xf32>
        %add3A_88 = arith.addf %broadcast_in_dim3A_85, %mul3A_87 : vector<16xf32>
        %add3A_89 = arith.constant 1 : i32
        %add3A_90 = vector.broadcast %add3A_89 : i32 to vector<16xi32>
        %add3A_91 = arith.addi %iota3A, %add3A_90 : vector<16xi32>
        %and3A = arith.constant 63 : i32
        %and3A_92 = vector.broadcast %and3A : i32 to vector<16xi32>
        %and3A_93 = arith.andi %add3A_91, %and3A_92 : vector<16xi32>
        %gather3A_94 = tpu.vector_load_idx %arg9[%add3A_84, %and3A_93] : memref<64x64xf32, #tpu.memory_space<vmem>>[vector<16xi32>, vector<16xi32>], vector<16xf32>,
        %gather3A_95 = tpu.vector_load_idx %arg10[%add3A_84, %and3A_93] : memref<64x64xf32, #tpu.memory_space<vmem>>[vector<16xi32>, vector<16xi32>], vector<16xf32>,
        %mul3A_96 = arith.mulf %gather3A_94, %gather3A_95 : vector<16xf32>
        %add3A_97 = arith.addf %add3A_88, %mul3A_96 : vector<16xf32>
        %add3A_98 = arith.constant 1 : i32
        %add3A_99 = vector.broadcast %add3A_98 : i32 to vector<16xi32>
        %add3A_100 = arith.addi %and3A_93, %add3A_99 : vector<16xi32>
        %and3A_101 = arith.constant 63 : i32
        %and3A_102 = vector.broadcast %and3A_101 : i32 to vector<16xi32>
        %and3A_103 = arith.andi %add3A_100, %and3A_102 : vector<16xi32>
        %gather3A_104 = tpu.vector_load_idx %arg9[%add3A_84, %and3A_103] : memref<64x64xf32, #tpu.memory_space<vmem>>[vector<16xi32>, vector<16xi32>], vector<16xf32>,
        %gather3A_105 = tpu.vector_load_idx %arg10[%add3A_84, %and3A_103] : memref<64x64xf32, #tpu.memory_space<vmem>>[vector<16xi32>, vector<16xi32>], vector<16xf32>,
        %mul3A_106 = arith.mulf %gather3A_104, %gather3A_105 : vector<16xf32>
        %add3A_107 = arith.addf %add3A_97, %mul3A_106 : vector<16xf32>
        %add3A_108 = arith.constant 1 : i32
        %add3A_109 = vector.broadcast %add3A_108 : i32 to vector<16xi32>
        %add3A_110 = arith.addi %and3A_103, %add3A_109 : vector<16xi32>
        %and3A_111 = arith.constant 63 : i32
        %and3A_112 = vector.broadcast %and3A_111 : i32 to vector<16xi32>
        %and3A_113 = arith.andi %add3A_110, %and3A_112 : vector<16xi32>
        %gather3A_114 = tpu.vector_load_idx %arg9[%add3A_84, %and3A_113] : memref<64x64xf32, #tpu.memory_space<vmem>>[vector<16xi32>, vector<16xi32>], vector<16xf32>,
        %gather3A_115 = tpu.vector_load_idx %arg10[%add3A_84, %and3A_113] : memref<64x64xf32, #tpu.memory_space<vmem>>[vector<16xi32>, vector<16xi32>], vector<16xf32>,
        %mul3A_116 = arith.mulf %gather3A_114, %gather3A_115 : vector<16xf32>
        %add3A_117 = arith.addf %add3A_107, %mul3A_116 : vector<16xf32>
        %add3A_118 = arith.constant 1 : i32
        %add3A_119 = vector.broadcast %add3A_118 : i32 to vector<16xi32>
        %add3A_120 = arith.addi %and3A_113, %add3A_119 : vector<16xi32>
        %and3A_121 = arith.constant 63 : i32
        %and3A_122 = vector.broadcast %and3A_121 : i32 to vector<16xi32>
        %and3A_123 = arith.andi %add3A_120, %and3A_122 : vector<16xi32>
        %gather3A_124 = tpu.vector_load_idx %arg9[%add3A_84, %and3A_123] : memref<64x64xf32, #tpu.memory_space<vmem>>[vector<16xi32>, vector<16xi32>], vector<16xf32>,
        %gather3A_125 = tpu.vector_load_idx %arg10[%add3A_84, %and3A_123] : memref<64x64xf32, #tpu.memory_space<vmem>>[vector<16xi32>, vector<16xi32>], vector<16xf32>,
        %mul3A_126 = arith.mulf %gather3A_124, %gather3A_125 : vector<16xf32>
        %add3A_127 = arith.addf %add3A_117, %mul3A_126 : vector<16xf32>
        %add3A_128 = arith.constant 1 : i32
        %add3A_129 = vector.broadcast %add3A_128 : i32 to vector<16xi32>
        %add3A_130 = arith.addi %and3A_123, %add3A_129 : vector<16xi32>
        %and3A_131 = arith.constant 63 : i32
        %and3A_132 = vector.broadcast %and3A_131 : i32 to vector<16xi32>
        %and3A_133 = arith.andi %add3A_130, %and3A_132 : vector<16xi32>
        %gather3A_134 = tpu.vector_load_idx %arg9[%add3A_84, %and3A_133] : memref<64x64xf32, #tpu.memory_space<vmem>>[vector<16xi32>, vector<16xi32>], vector<16xf32>,
        %gather3A_135 = tpu.vector_load_idx %arg10[%add3A_84, %and3A_133] : memref<64x64xf32, #tpu.memory_space<vmem>>[vector<16xi32>, vector<16xi32>], vector<16xf32>,
        %mul3A_136 = arith.mulf %gather3A_134, %gather3A_135 : vector<16xf32>
        %add3A_137 = arith.addf %add3A_127, %mul3A_136 : vector<16xf32>
        %add3A_138 = arith.constant 1 : i32
        %add3A_139 = vector.broadcast %add3A_138 : i32 to vector<16xi32>
        %add3A_140 = arith.addi %and3A_133, %add3A_139 : vector<16xi32>
        %and3A_141 = arith.constant 63 : i32
        %and3A_142 = vector.broadcast %and3A_141 : i32 to vector<16xi32>
        %and3A_143 = arith.andi %add3A_140, %and3A_142 : vector<16xi32>
        %gather3A_144 = tpu.vector_load_idx %arg9[%add3A_84, %and3A_143] : memref<64x64xf32, #tpu.memory_space<vmem>>[vector<16xi32>, vector<16xi32>], vector<16xf32>,
        %gather3A_145 = tpu.vector_load_idx %arg10[%add3A_84, %and3A_143] : memref<64x64xf32, #tpu.memory_space<vmem>>[vector<16xi32>, vector<16xi32>], vector<16xf32>,
        %mul3A_146 = arith.mulf %gather3A_144, %gather3A_145 : vector<16xf32>
        %add3A_147 = arith.addf %add3A_137, %mul3A_146 : vector<16xf32>
        %add3A_148 = arith.constant 1 : i32
        %add3A_149 = vector.broadcast %add3A_148 : i32 to vector<16xi32>
        %add3A_150 = arith.addi %and3A_143, %add3A_149 : vector<16xi32>
        %and3A_151 = arith.constant 63 : i32
        %and3A_152 = vector.broadcast %and3A_151 : i32 to vector<16xi32>
        %and3A_153 = arith.andi %add3A_150, %and3A_152 : vector<16xi32>
        %gather3A_154 = tpu.vector_load_idx %arg9[%add3A_84, %and3A_153] : memref<64x64xf32, #tpu.memory_space<vmem>>[vector<16xi32>, vector<16xi32>], vector<16xf32>,
        %gather3A_155 = tpu.vector_load_idx %arg10[%add3A_84, %and3A_153] : memref<64x64xf32, #tpu.memory_space<vmem>>[vector<16xi32>, vector<16xi32>], vector<16xf32>,
        %mul3A_156 = arith.mulf %gather3A_154, %gather3A_155 : vector<16xf32>
        %add3A_157 = arith.addf %add3A_147, %mul3A_156 : vector<16xf32>
        %add3A_158 = arith.constant 1 : i32
        %add3A_159 = vector.broadcast %add3A_158 : i32 to vector<16xi32>
        %add3A_160 = arith.addi %and3A_153, %add3A_159 : vector<16xi32>
        %and3A_161 = arith.constant 63 : i32
        %and3A_162 = vector.broadcast %and3A_161 : i32 to vector<16xi32>
        %and3A_163 = arith.andi %add3A_160, %and3A_162 : vector<16xi32>
        %gather3A_164 = tpu.vector_load_idx %arg9[%add3A_84, %and3A_163] : memref<64x64xf32, #tpu.memory_space<vmem>>[vector<16xi32>, vector<16xi32>], vector<16xf32>,
        %gather3A_165 = tpu.vector_load_idx %arg10[%add3A_84, %and3A_163] : memref<64x64xf32, #tpu.memory_space<vmem>>[vector<16xi32>, vector<16xi32>], vector<16xf32>,
        %mul3A_166 = arith.mulf %gather3A_164, %gather3A_165 : vector<16xf32>
        %add3A_167 = arith.addf %add3A_157, %mul3A_166 : vector<16xf32>
        %add3A_168 = arith.constant 1 : i32
        %add3A_169 = vector.broadcast %add3A_168 : i32 to vector<16xi32>
        %add3A_170 = arith.addi %and3A_163, %add3A_169 : vector<16xi32>
        %and3A_171 = arith.constant 63 : i32
        %and3A_172 = vector.broadcast %and3A_171 : i32 to vector<16xi32>
        %and3A_173 = arith.andi %add3A_170, %and3A_172 : vector<16xi32>
        %gather3A_174 = tpu.vector_load_idx %arg9[%add3A_84, %and3A_173] : memref<64x64xf32, #tpu.memory_space<vmem>>[vector<16xi32>, vector<16xi32>], vector<16xf32>,
        %gather3A_175 = tpu.vector_load_idx %arg10[%add3A_84, %and3A_173] : memref<64x64xf32, #tpu.memory_space<vmem>>[vector<16xi32>, vector<16xi32>], vector<16xf32>,
        %mul3A_176 = arith.mulf %gather3A_174, %gather3A_175 : vector<16xf32>
        %add3A_177 = arith.addf %add3A_167, %mul3A_176 : vector<16xf32>
        %add3A_178 = arith.constant 1 : i32
        %add3A_179 = vector.broadcast %add3A_178 : i32 to vector<16xi32>
        %add3A_180 = arith.addi %and3A_173, %add3A_179 : vector<16xi32>
        %and3A_181 = arith.constant 63 : i32
        %and3A_182 = vector.broadcast %and3A_181 : i32 to vector<16xi32>
        %and3A_183 = arith.andi %add3A_180, %and3A_182 : vector<16xi32>
        %gather3A_184 = tpu.vector_load_idx %arg9[%add3A_84, %and3A_183] : memref<64x64xf32, #tpu.memory_space<vmem>>[vector<16xi32>, vector<16xi32>], vector<16xf32>,
        %gather3A_185 = tpu.vector_load_idx %arg10[%add3A_84, %and3A_183] : memref<64x64xf32, #tpu.memory_space<vmem>>[vector<16xi32>, vector<16xi32>], vector<16xf32>,
        %mul3A_186 = arith.mulf %gather3A_184, %gather3A_185 : vector<16xf32>
        %add3A_187 = arith.addf %add3A_177, %mul3A_186 : vector<16xf32>
        %add3A_188 = arith.constant 1 : i32
        %add3A_189 = vector.broadcast %add3A_188 : i32 to vector<16xi32>
        %add3A_190 = arith.addi %and3A_183, %add3A_189 : vector<16xi32>
        %and3A_191 = arith.constant 63 : i32
        %and3A_192 = vector.broadcast %and3A_191 : i32 to vector<16xi32>
        %and3A_193 = arith.andi %add3A_190, %and3A_192 : vector<16xi32>
        %gather3A_194 = tpu.vector_load_idx %arg9[%add3A_84, %and3A_193] : memref<64x64xf32, #tpu.memory_space<vmem>>[vector<16xi32>, vector<16xi32>], vector<16xf32>,
        %gather3A_195 = tpu.vector_load_idx %arg10[%add3A_84, %and3A_193] : memref<64x64xf32, #tpu.memory_space<vmem>>[vector<16xi32>, vector<16xi32>], vector<16xf32>,
        %mul3A_196 = arith.mulf %gather3A_194, %gather3A_195 : vector<16xf32>
        %add3A_197 = arith.addf %add3A_187, %mul3A_196 : vector<16xf32>
        %add3A_198 = arith.constant 1 : i32
        %add3A_199 = vector.broadcast %add3A_198 : i32 to vector<16xi32>
        %add3A_200 = arith.addi %and3A_193, %add3A_199 : vector<16xi32>
        %and3A_201 = arith.constant 63 : i32
        %and3A_202 = vector.broadcast %and3A_201 : i32 to vector<16xi32>
        %and3A_203 = arith.andi %add3A_200, %and3A_202 : vector<16xi32>
        %gather3A_204 = tpu.vector_load_idx %arg9[%add3A_84, %and3A_203] : memref<64x64xf32, #tpu.memory_space<vmem>>[vector<16xi32>, vector<16xi32>], vector<16xf32>,
        %gather3A_205 = tpu.vector_load_idx %arg10[%add3A_84, %and3A_203] : memref<64x64xf32, #tpu.memory_space<vmem>>[vector<16xi32>, vector<16xi32>], vector<16xf32>,
        %mul3A_206 = arith.mulf %gather3A_204, %gather3A_205 : vector<16xf32>
        %add3A_207 = arith.addf %add3A_197, %mul3A_206 : vector<16xf32>
        %add3A_208 = arith.constant 1 : i32
        %add3A_209 = vector.broadcast %add3A_208 : i32 to vector<16xi32>
        %add3A_210 = arith.addi %and3A_203, %add3A_209 : vector<16xi32>
        %and3A_211 = arith.constant 63 : i32
        %and3A_212 = vector.broadcast %and3A_211 : i32 to vector<16xi32>
        %and3A_213 = arith.andi %add3A_210, %and3A_212 : vector<16xi32>
        %gather3A_214 = tpu.vector_load_idx %arg9[%add3A_84, %and3A_213] : memref<64x64xf32, #tpu.memory_space<vmem>>[vector<16xi32>, vector<16xi32>], vector<16xf32>,
        %gather3A_215 = tpu.vector_load_idx %arg10[%add3A_84, %and3A_213] : memref<64x64xf32, #tpu.memory_space<vmem>>[vector<16xi32>, vector<16xi32>], vector<16xf32>,
        %mul3A_216 = arith.mulf %gather3A_214, %gather3A_215 : vector<16xf32>
        %add3A_217 = arith.addf %add3A_207, %mul3A_216 : vector<16xf32>
        %add3A_218 = arith.constant 1 : i32
        %add3A_219 = vector.broadcast %add3A_218 : i32 to vector<16xi32>
        %add3A_220 = arith.addi %and3A_213, %add3A_219 : vector<16xi32>
        %and3A_221 = arith.constant 63 : i32
        %and3A_222 = vector.broadcast %and3A_221 : i32 to vector<16xi32>
        %and3A_223 = arith.andi %add3A_220, %and3A_222 : vector<16xi32>
        %gather3A_224 = tpu.vector_load_idx %arg9[%add3A_84, %and3A_223] : memref<64x64xf32, #tpu.memory_space<vmem>>[vector<16xi32>, vector<16xi32>], vector<16xf32>,
        %gather3A_225 = tpu.vector_load_idx %arg10[%add3A_84, %and3A_223] : memref<64x64xf32, #tpu.memory_space<vmem>>[vector<16xi32>, vector<16xi32>], vector<16xf32>,
        %mul3A_226 = arith.mulf %gather3A_224, %gather3A_225 : vector<16xf32>
        %add3A_227 = arith.addf %add3A_217, %mul3A_226 : vector<16xf32>
        %add3A_228 = arith.constant 1 : i32
        %add3A_229 = vector.broadcast %add3A_228 : i32 to vector<16xi32>
        %add3A_230 = arith.addi %and3A_223, %add3A_229 : vector<16xi32>
        %and3A_231 = arith.constant 63 : i32
        %and3A_232 = vector.broadcast %and3A_231 : i32 to vector<16xi32>
        %and3A_233 = arith.andi %add3A_230, %and3A_232 : vector<16xi32>
        %gather3A_234 = tpu.vector_load_idx %arg9[%add3A_84, %and3A_233] : memref<64x64xf32, #tpu.memory_space<vmem>>[vector<16xi32>, vector<16xi32>], vector<16xf32>,
        %gather3A_235 = tpu.vector_load_idx %arg10[%add3A_84, %and3A_233] : memref<64x64xf32, #tpu.memory_space<vmem>>[vector<16xi32>, vector<16xi32>], vector<16xf32>,
        %mul3A_236 = arith.mulf %gather3A_234, %gather3A_235 : vector<16xf32>
        %add3A_237 = arith.addf %add3A_227, %mul3A_236 : vector<16xf32>
        %add3A_238 = arith.constant 1 : i32
        %add3A_239 = vector.broadcast %add3A_238 : i32 to vector<16xi32>
        %add3A_240 = arith.addi %and3A_233, %add3A_239 : vector<16xi32>
        %and3A_241 = arith.constant 63 : i32
        %and3A_242 = vector.broadcast %and3A_241 : i32 to vector<16xi32>
        %and3A_243 = arith.andi %add3A_240, %and3A_242 : vector<16xi32>
        %gather3A_244 = tpu.vector_load_idx %arg9[%add3A_84, %and3A_243] : memref<64x64xf32, #tpu.memory_space<vmem>>[vector<16xi32>, vector<16xi32>], vector<16xf32>,
        %gather3A_245 = tpu.vector_load_idx %arg10[%add3A_84, %and3A_243] : memref<64x64xf32, #tpu.memory_space<vmem>>[vector<16xi32>, vector<16xi32>], vector<16xf32>,
        %mul3A_246 = arith.mulf %gather3A_244, %gather3A_245 : vector<16xf32>
        %add3A_247 = arith.addf %add3A_237, %mul3A_246 : vector<16xf32>
        %add3A_248 = arith.constant 1 : i32
        %add3A_249 = vector.broadcast %add3A_248 : i32 to vector<16xi32>
        %add3A_250 = arith.addi %and3A_243, %add3A_249 : vector<16xi32>
        %and3A_251 = arith.constant 63 : i32
        %and3A_252 = vector.broadcast %and3A_251 : i32 to vector<16xi32>
        %and3A_253 = arith.andi %add3A_250, %and3A_252 : vector<16xi32>
        %gather3A_254 = tpu.vector_load_idx %arg9[%add3A_84, %and3A_253] : memref<64x64xf32, #tpu.memory_space<vmem>>[vector<16xi32>, vector<16xi32>], vector<16xf32>,
        %gather3A_255 = tpu.vector_load_idx %arg10[%add3A_84, %and3A_253] : memref<64x64xf32, #tpu.memory_space<vmem>>[vector<16xi32>, vector<16xi32>], vector<16xf32>,
        %mul3A_256 = arith.mulf %gather3A_254, %gather3A_255 : vector<16xf32>
        %add3A_257 = arith.addf %add3A_247, %mul3A_256 : vector<16xf32>
        %add3A_258 = arith.constant 1 : i32
        %add3A_259 = vector.broadcast %add3A_258 : i32 to vector<16xi32>
        %add3A_260 = arith.addi %and3A_253, %add3A_259 : vector<16xi32>
        %and3A_261 = arith.constant 63 : i32
        %and3A_262 = vector.broadcast %and3A_261 : i32 to vector<16xi32>
        %and3A_263 = arith.andi %add3A_260, %and3A_262 : vector<16xi32>
        %gather3A_264 = tpu.vector_load_idx %arg9[%add3A_84, %and3A_263] : memref<64x64xf32, #tpu.memory_space<vmem>>[vector<16xi32>, vector<16xi32>], vector<16xf32>,
        %gather3A_265 = tpu.vector_load_idx %arg10[%add3A_84, %and3A_263] : memref<64x64xf32, #tpu.memory_space<vmem>>[vector<16xi32>, vector<16xi32>], vector<16xf32>,
        %mul3A_266 = arith.mulf %gather3A_264, %gather3A_265 : vector<16xf32>
        %add3A_267 = arith.addf %add3A_257, %mul3A_266 : vector<16xf32>
        %add3A_268 = arith.constant 1 : i32
        %add3A_269 = vector.broadcast %add3A_268 : i32 to vector<16xi32>
        %add3A_270 = arith.addi %and3A_263, %add3A_269 : vector<16xi32>
        %and3A_271 = arith.constant 63 : i32
        %and3A_272 = vector.broadcast %and3A_271 : i32 to vector<16xi32>
        %and3A_273 = arith.andi %add3A_270, %and3A_272 : vector<16xi32>
        %gather3A_274 = tpu.vector_load_idx %arg9[%add3A_84, %and3A_273] : memref<64x64xf32, #tpu.memory_space<vmem>>[vector<16xi32>, vector<16xi32>], vector<16xf32>,
        %gather3A_275 = tpu.vector_load_idx %arg10[%add3A_84, %and3A_273] : memref<64x64xf32, #tpu.memory_space<vmem>>[vector<16xi32>, vector<16xi32>], vector<16xf32>,
        %mul3A_276 = arith.mulf %gather3A_274, %gather3A_275 : vector<16xf32>
        %add3A_277 = arith.addf %add3A_267, %mul3A_276 : vector<16xf32>
        %add3A_278 = arith.constant 1 : i32
        %add3A_279 = vector.broadcast %add3A_278 : i32 to vector<16xi32>
        %add3A_280 = arith.addi %and3A_273, %add3A_279 : vector<16xi32>
        %and3A_281 = arith.constant 63 : i32
        %and3A_282 = vector.broadcast %and3A_281 : i32 to vector<16xi32>
        %and3A_283 = arith.andi %add3A_280, %and3A_282 : vector<16xi32>
        %gather3A_284 = tpu.vector_load_idx %arg9[%add3A_84, %and3A_283] : memref<64x64xf32, #tpu.memory_space<vmem>>[vector<16xi32>, vector<16xi32>], vector<16xf32>,
        %gather3A_285 = tpu.vector_load_idx %arg10[%add3A_84, %and3A_283] : memref<64x64xf32, #tpu.memory_space<vmem>>[vector<16xi32>, vector<16xi32>], vector<16xf32>,
        %mul3A_286 = arith.mulf %gather3A_284, %gather3A_285 : vector<16xf32>
        %add3A_287 = arith.addf %add3A_277, %mul3A_286 : vector<16xf32>
        %add3A_288 = arith.constant 1 : i32
        %add3A_289 = vector.broadcast %add3A_288 : i32 to vector<16xi32>
        %add3A_290 = arith.addi %and3A_283, %add3A_289 : vector<16xi32>
        %and3A_291 = arith.constant 63 : i32
        %and3A_292 = vector.broadcast %and3A_291 : i32 to vector<16xi32>
        %and3A_293 = arith.andi %add3A_290, %and3A_292 : vector<16xi32>
        %gather3A_294 = tpu.vector_load_idx %arg9[%add3A_84, %and3A_293] : memref<64x64xf32, #tpu.memory_space<vmem>>[vector<16xi32>, vector<16xi32>], vector<16xf32>,
        %gather3A_295 = tpu.vector_load_idx %arg10[%add3A_84, %and3A_293] : memref<64x64xf32, #tpu.memory_space<vmem>>[vector<16xi32>, vector<16xi32>], vector<16xf32>,
        %mul3A_296 = arith.mulf %gather3A_294, %gather3A_295 : vector<16xf32>
        %add3A_297 = arith.addf %add3A_287, %mul3A_296 : vector<16xf32>
        %add3A_298 = arith.constant 1 : i32
        %add3A_299 = vector.broadcast %add3A_298 : i32 to vector<16xi32>
        %add3A_300 = arith.addi %and3A_293, %add3A_299 : vector<16xi32>
        %and3A_301 = arith.constant 63 : i32
        %and3A_302 = vector.broadcast %and3A_301 : i32 to vector<16xi32>
        %and3A_303 = arith.andi %add3A_300, %and3A_302 : vector<16xi32>
        %gather3A_304 = tpu.vector_load_idx %arg9[%add3A_84, %and3A_303] : memref<64x64xf32, #tpu.memory_space<vmem>>[vector<16xi32>, vector<16xi32>], vector<16xf32>,
        %gather3A_305 = tpu.vector_load_idx %arg10[%add3A_84, %and3A_303] : memref<64x64xf32, #tpu.memory_space<vmem>>[vector<16xi32>, vector<16xi32>], vector<16xf32>,
        %mul3A_306 = arith.mulf %gather3A_304, %gather3A_305 : vector<16xf32>
        %add3A_307 = arith.addf %add3A_297, %mul3A_306 : vector<16xf32>
        %add3A_308 = arith.constant 1 : i32
        %add3A_309 = vector.broadcast %add3A_308 : i32 to vector<16xi32>
        %add3A_310 = arith.addi %and3A_303, %add3A_309 : vector<16xi32>
        %and3A_311 = arith.constant 63 : i32
        %and3A_312 = vector.broadcast %and3A_311 : i32 to vector<16xi32>
        %and3A_313 = arith.andi %add3A_310, %and3A_312 : vector<16xi32>
        %gather3A_314 = tpu.vector_load_idx %arg9[%add3A_84, %and3A_313] : memref<64x64xf32, #tpu.memory_space<vmem>>[vector<16xi32>, vector<16xi32>], vector<16xf32>,
        %gather3A_315 = tpu.vector_load_idx %arg10[%add3A_84, %and3A_313] : memref<64x64xf32, #tpu.memory_space<vmem>>[vector<16xi32>, vector<16xi32>], vector<16xf32>,
        %mul3A_316 = arith.mulf %gather3A_314, %gather3A_315 : vector<16xf32>
        %add3A_317 = arith.addf %add3A_307, %mul3A_316 : vector<16xf32>
        %add3A_318 = arith.constant 1 : i32
        %add3A_319 = vector.broadcast %add3A_318 : i32 to vector<16xi32>
        %add3A_320 = arith.addi %and3A_313, %add3A_319 : vector<16xi32>
        %and3A_321 = arith.constant 63 : i32
        %and3A_322 = vector.broadcast %and3A_321 : i32 to vector<16xi32>
        %and3A_323 = arith.andi %add3A_320, %and3A_322 : vector<16xi32>
        %gather3A_324 = tpu.vector_load_idx %arg9[%add3A_84, %and3A_323] : memref<64x64xf32, #tpu.memory_space<vmem>>[vector<16xi32>, vector<16xi32>], vector<16xf32>,
        %gather3A_325 = tpu.vector_load_idx %arg10[%add3A_84, %and3A_323] : memref<64x64xf32, #tpu.memory_space<vmem>>[vector<16xi32>, vector<16xi32>], vector<16xf32>,
        %mul3A_326 = arith.mulf %gather3A_324, %gather3A_325 : vector<16xf32>
        %add3A_327 = arith.addf %add3A_317, %mul3A_326 : vector<16xf32>
        %add3A_328 = arith.constant 1 : i32
        %add3A_329 = vector.broadcast %add3A_328 : i32 to vector<16xi32>
        %add3A_330 = arith.addi %and3A_323, %add3A_329 : vector<16xi32>
        %and3A_331 = arith.constant 63 : i32
        %and3A_332 = vector.broadcast %and3A_331 : i32 to vector<16xi32>
        %and3A_333 = arith.andi %add3A_330, %and3A_332 : vector<16xi32>
        %gather3A_334 = tpu.vector_load_idx %arg9[%add3A_84, %and3A_333] : memref<64x64xf32, #tpu.memory_space<vmem>>[vector<16xi32>, vector<16xi32>], vector<16xf32>,
        %gather3A_335 = tpu.vector_load_idx %arg10[%add3A_84, %and3A_333] : memref<64x64xf32, #tpu.memory_space<vmem>>[vector<16xi32>, vector<16xi32>], vector<16xf32>,
        %mul3A_336 = arith.mulf %gather3A_334, %gather3A_335 : vector<16xf32>
        %add3A_337 = arith.addf %add3A_327, %mul3A_336 : vector<16xf32>
        %add3A_338 = arith.constant 1 : i32
        %add3A_339 = vector.broadcast %add3A_338 : i32 to vector<16xi32>
        %add3A_340 = arith.addi %and3A_333, %add3A_339 : vector<16xi32>
        %and3A_341 = arith.constant 63 : i32
        %and3A_342 = vector.broadcast %and3A_341 : i32 to vector<16xi32>
        %and3A_343 = arith.andi %add3A_340, %and3A_342 : vector<16xi32>
        %gather3A_344 = tpu.vector_load_idx %arg9[%add3A_84, %and3A_343] : memref<64x64xf32, #tpu.memory_space<vmem>>[vector<16xi32>, vector<16xi32>], vector<16xf32>,
        %gather3A_345 = tpu.vector_load_idx %arg10[%add3A_84, %and3A_343] : memref<64x64xf32, #tpu.memory_space<vmem>>[vector<16xi32>, vector<16xi32>], vector<16xf32>,
        %mul3A_346 = arith.mulf %gather3A_344, %gather3A_345 : vector<16xf32>
        %add3A_347 = arith.addf %add3A_337, %mul3A_346 : vector<16xf32>
        %add3A_348 = arith.constant 1 : i32
        %add3A_349 = vector.broadcast %add3A_348 : i32 to vector<16xi32>
        %add3A_350 = arith.addi %and3A_343, %add3A_349 : vector<16xi32>
        %and3A_351 = arith.constant 63 : i32
        %and3A_352 = vector.broadcast %and3A_351 : i32 to vector<16xi32>
        %and3A_353 = arith.andi %add3A_350, %and3A_352 : vector<16xi32>
        %gather3A_354 = tpu.vector_load_idx %arg9[%add3A_84, %and3A_353] : memref<64x64xf32, #tpu.memory_space<vmem>>[vector<16xi32>, vector<16xi32>], vector<16xf32>,
        %gather3A_355 = tpu.vector_load_idx %arg10[%add3A_84, %and3A_353] : memref<64x64xf32, #tpu.memory_space<vmem>>[vector<16xi32>, vector<16xi32>], vector<16xf32>,
        %mul3A_356 = arith.mulf %gather3A_354, %gather3A_355 : vector<16xf32>
        %add3A_357 = arith.addf %add3A_347, %mul3A_356 : vector<16xf32>
        %add3A_358 = arith.constant 1 : i32
        %add3A_359 = vector.broadcast %add3A_358 : i32 to vector<16xi32>
        %add3A_360 = arith.addi %and3A_353, %add3A_359 : vector<16xi32>
        %and3A_361 = arith.constant 63 : i32
        %and3A_362 = vector.broadcast %and3A_361 : i32 to vector<16xi32>
        %and3A_363 = arith.andi %add3A_360, %and3A_362 : vector<16xi32>
        %gather3A_364 = tpu.vector_load_idx %arg9[%add3A_84, %and3A_363] : memref<64x64xf32, #tpu.memory_space<vmem>>[vector<16xi32>, vector<16xi32>], vector<16xf32>,
        %gather3A_365 = tpu.vector_load_idx %arg10[%add3A_84, %and3A_363] : memref<64x64xf32, #tpu.memory_space<vmem>>[vector<16xi32>, vector<16xi32>], vector<16xf32>,
        %mul3A_366 = arith.mulf %gather3A_364, %gather3A_365 : vector<16xf32>
        %add3A_367 = arith.addf %add3A_357, %mul3A_366 : vector<16xf32>
        %add3A_368 = arith.constant 1 : i32
        %add3A_369 = vector.broadcast %add3A_368 : i32 to vector<16xi32>
        %add3A_370 = arith.addi %and3A_363, %add3A_369 : vector<16xi32>
        %and3A_371 = arith.constant 63 : i32
        %and3A_372 = vector.broadcast %and3A_371 : i32 to vector<16xi32>
        %and3A_373 = arith.andi %add3A_370, %and3A_372 : vector<16xi32>
        %gather3A_374 = tpu.vector_load_idx %arg9[%add3A_84, %and3A_373] : memref<64x64xf32, #tpu.memory_space<vmem>>[vector<16xi32>, vector<16xi32>], vector<16xf32>,
        %gather3A_375 = tpu.vector_load_idx %arg10[%add3A_84, %and3A_373] : memref<64x64xf32, #tpu.memory_space<vmem>>[vector<16xi32>, vector<16xi32>], vector<16xf32>,
        %mul3A_376 = arith.mulf %gather3A_374, %gather3A_375 : vector<16xf32>
        %add3A_377 = arith.addf %add3A_367, %mul3A_376 : vector<16xf32>
        %add3A_378 = arith.constant 1 : i32
        %add3A_379 = vector.broadcast %add3A_378 : i32 to vector<16xi32>
        %add3A_380 = arith.addi %and3A_373, %add3A_379 : vector<16xi32>
        %and3A_381 = arith.constant 63 : i32
        %and3A_382 = vector.broadcast %and3A_381 : i32 to vector<16xi32>
        %and3A_383 = arith.andi %add3A_380, %and3A_382 : vector<16xi32>
        %gather3A_384 = tpu.vector_load_idx %arg9[%add3A_84, %and3A_383] : memref<64x64xf32, #tpu.memory_space<vmem>>[vector<16xi32>, vector<16xi32>], vector<16xf32>,
        %gather3A_385 = tpu.vector_load_idx %arg10[%add3A_84, %and3A_383] : memref<64x64xf32, #tpu.memory_space<vmem>>[vector<16xi32>, vector<16xi32>], vector<16xf32>,
        %mul3A_386 = arith.mulf %gather3A_384, %gather3A_385 : vector<16xf32>
        %add3A_387 = arith.addf %add3A_377, %mul3A_386 : vector<16xf32>
        %add3A_388 = arith.constant 1 : i32
        %add3A_389 = vector.broadcast %add3A_388 : i32 to vector<16xi32>
        %add3A_390 = arith.addi %and3A_383, %add3A_389 : vector<16xi32>
        %and3A_391 = arith.constant 63 : i32
        %and3A_392 = vector.broadcast %and3A_391 : i32 to vector<16xi32>
        %and3A_393 = arith.andi %add3A_390, %and3A_392 : vector<16xi32>
        %gather3A_394 = tpu.vector_load_idx %arg9[%add3A_84, %and3A_393] : memref<64x64xf32, #tpu.memory_space<vmem>>[vector<16xi32>, vector<16xi32>], vector<16xf32>,
        %gather3A_395 = tpu.vector_load_idx %arg10[%add3A_84, %and3A_393] : memref<64x64xf32, #tpu.memory_space<vmem>>[vector<16xi32>, vector<16xi32>], vector<16xf32>,
        %mul3A_396 = arith.mulf %gather3A_394, %gather3A_395 : vector<16xf32>
        %add3A_397 = arith.addf %add3A_387, %mul3A_396 : vector<16xf32>
        %add3A_398 = arith.constant 1 : i32
        %add3A_399 = vector.broadcast %add3A_398 : i32 to vector<16xi32>
        %add3A_400 = arith.addi %and3A_393, %add3A_399 : vector<16xi32>
        %and3A_401 = arith.constant 63 : i32
        %and3A_402 = vector.broadcast %and3A_401 : i32 to vector<16xi32>
        %and3A_403 = arith.andi %add3A_400, %and3A_402 : vector<16xi32>
        %gather3A_404 = tpu.vector_load_idx %arg9[%add3A_84, %and3A_403] : memref<64x64xf32, #tpu.memory_space<vmem>>[vector<16xi32>, vector<16xi32>], vector<16xf32>,
        %gather3A_405 = tpu.vector_load_idx %arg10[%add3A_84, %and3A_403] : memref<64x64xf32, #tpu.memory_space<vmem>>[vector<16xi32>, vector<16xi32>], vector<16xf32>,
        %mul3A_406 = arith.mulf %gather3A_404, %gather3A_405 : vector<16xf32>
        %add3A_407 = arith.addf %add3A_397, %mul3A_406 : vector<16xf32>
        %add3A_408 = arith.constant 1 : i32
        %add3A_409 = vector.broadcast %add3A_408 : i32 to vector<16xi32>
        %add3A_410 = arith.addi %and3A_403, %add3A_409 : vector<16xi32>
        %and3A_411 = arith.constant 63 : i32
        %and3A_412 = vector.broadcast %and3A_411 : i32 to vector<16xi32>
        %and3A_413 = arith.andi %add3A_410, %and3A_412 : vector<16xi32>
        %gather3A_414 = tpu.vector_load_idx %arg9[%add3A_84, %and3A_413] : memref<64x64xf32, #tpu.memory_space<vmem>>[vector<16xi32>, vector<16xi32>], vector<16xf32>,
        %gather3A_415 = tpu.vector_load_idx %arg10[%add3A_84, %and3A_413] : memref<64x64xf32, #tpu.memory_space<vmem>>[vector<16xi32>, vector<16xi32>], vector<16xf32>,
        %mul3A_416 = arith.mulf %gather3A_414, %gather3A_415 : vector<16xf32>
        %add3A_417 = arith.addf %add3A_407, %mul3A_416 : vector<16xf32>
        %add3A_418 = arith.constant 1 : i32
        %add3A_419 = vector.broadcast %add3A_418 : i32 to vector<16xi32>
        %add3A_420 = arith.addi %and3A_413, %add3A_419 : vector<16xi32>
        %and3A_421 = arith.constant 63 : i32
        %and3A_422 = vector.broadcast %and3A_421 : i32 to vector<16xi32>
        %and3A_423 = arith.andi %add3A_420, %and3A_422 : vector<16xi32>
        %gather3A_424 = tpu.vector_load_idx %arg9[%add3A_84, %and3A_423] : memref<64x64xf32, #tpu.memory_space<vmem>>[vector<16xi32>, vector<16xi32>], vector<16xf32>,
        %gather3A_425 = tpu.vector_load_idx %arg10[%add3A_84, %and3A_423] : memref<64x64xf32, #tpu.memory_space<vmem>>[vector<16xi32>, vector<16xi32>], vector<16xf32>,
        %mul3A_426 = arith.mulf %gather3A_424, %gather3A_425 : vector<16xf32>
        %add3A_427 = arith.addf %add3A_417, %mul3A_426 : vector<16xf32>
        %add3A_428 = arith.constant 1 : i32
        %add3A_429 = vector.broadcast %add3A_428 : i32 to vector<16xi32>
        %add3A_430 = arith.addi %and3A_423, %add3A_429 : vector<16xi32>
        %and3A_431 = arith.constant 63 : i32
        %and3A_432 = vector.broadcast %and3A_431 : i32 to vector<16xi32>
        %and3A_433 = arith.andi %add3A_430, %and3A_432 : vector<16xi32>
        %gather3A_434 = tpu.vector_load_idx %arg9[%add3A_84, %and3A_433] : memref<64x64xf32, #tpu.memory_space<vmem>>[vector<16xi32>, vector<16xi32>], vector<16xf32>,
        %gather3A_435 = tpu.vector_load_idx %arg10[%add3A_84, %and3A_433] : memref<64x64xf32, #tpu.memory_space<vmem>>[vector<16xi32>, vector<16xi32>], vector<16xf32>,
        %mul3A_436 = arith.mulf %gather3A_434, %gather3A_435 : vector<16xf32>
        %add3A_437 = arith.addf %add3A_427, %mul3A_436 : vector<16xf32>
        %add3A_438 = arith.constant 1 : i32
        %add3A_439 = vector.broadcast %add3A_438 : i32 to vector<16xi32>
        %add3A_440 = arith.addi %and3A_433, %add3A_439 : vector<16xi32>
        %and3A_441 = arith.constant 63 : i32
        %and3A_442 = vector.broadcast %and3A_441 : i32 to vector<16xi32>
        %and3A_443 = arith.andi %add3A_440, %and3A_442 : vector<16xi32>
        %gather3A_444 = tpu.vector_load_idx %arg9[%add3A_84, %and3A_443] : memref<64x64xf32, #tpu.memory_space<vmem>>[vector<16xi32>, vector<16xi32>], vector<16xf32>,
        %gather3A_445 = tpu.vector_load_idx %arg10[%add3A_84, %and3A_443] : memref<64x64xf32, #tpu.memory_space<vmem>>[vector<16xi32>, vector<16xi32>], vector<16xf32>,
        %mul3A_446 = arith.mulf %gather3A_444, %gather3A_445 : vector<16xf32>
        %add3A_447 = arith.addf %add3A_437, %mul3A_446 : vector<16xf32>
        %add3A_448 = arith.constant 1 : i32
        %add3A_449 = vector.broadcast %add3A_448 : i32 to vector<16xi32>
        %add3A_450 = arith.addi %and3A_443, %add3A_449 : vector<16xi32>
        %and3A_451 = arith.constant 63 : i32
        %and3A_452 = vector.broadcast %and3A_451 : i32 to vector<16xi32>
        %and3A_453 = arith.andi %add3A_450, %and3A_452 : vector<16xi32>
        %gather3A_454 = tpu.vector_load_idx %arg9[%add3A_84, %and3A_453] : memref<64x64xf32, #tpu.memory_space<vmem>>[vector<16xi32>, vector<16xi32>], vector<16xf32>,
        %gather3A_455 = tpu.vector_load_idx %arg10[%add3A_84, %and3A_453] : memref<64x64xf32, #tpu.memory_space<vmem>>[vector<16xi32>, vector<16xi32>], vector<16xf32>,
        %mul3A_456 = arith.mulf %gather3A_454, %gather3A_455 : vector<16xf32>
        %add3A_457 = arith.addf %add3A_447, %mul3A_456 : vector<16xf32>
        %add3A_458 = arith.constant 1 : i32
        %add3A_459 = vector.broadcast %add3A_458 : i32 to vector<16xi32>
        %add3A_460 = arith.addi %and3A_453, %add3A_459 : vector<16xi32>
        %and3A_461 = arith.constant 63 : i32
        %and3A_462 = vector.broadcast %and3A_461 : i32 to vector<16xi32>
        %and3A_463 = arith.andi %add3A_460, %and3A_462 : vector<16xi32>
        %gather3A_464 = tpu.vector_load_idx %arg9[%add3A_84, %and3A_463] : memref<64x64xf32, #tpu.memory_space<vmem>>[vector<16xi32>, vector<16xi32>], vector<16xf32>,
        %gather3A_465 = tpu.vector_load_idx %arg10[%add3A_84, %and3A_463] : memref<64x64xf32, #tpu.memory_space<vmem>>[vector<16xi32>, vector<16xi32>], vector<16xf32>,
        %mul3A_466 = arith.mulf %gather3A_464, %gather3A_465 : vector<16xf32>
        %add3A_467 = arith.addf %add3A_457, %mul3A_466 : vector<16xf32>
        %add3A_468 = arith.constant 1 : i32
        %add3A_469 = vector.broadcast %add3A_468 : i32 to vector<16xi32>
        %add3A_470 = arith.addi %and3A_463, %add3A_469 : vector<16xi32>
        %and3A_471 = arith.constant 63 : i32
        %and3A_472 = vector.broadcast %and3A_471 : i32 to vector<16xi32>
        %and3A_473 = arith.andi %add3A_470, %and3A_472 : vector<16xi32>
        %gather3A_474 = tpu.vector_load_idx %arg9[%add3A_84, %and3A_473] : memref<64x64xf32, #tpu.memory_space<vmem>>[vector<16xi32>, vector<16xi32>], vector<16xf32>,
        %gather3A_475 = tpu.vector_load_idx %arg10[%add3A_84, %and3A_473] : memref<64x64xf32, #tpu.memory_space<vmem>>[vector<16xi32>, vector<16xi32>], vector<16xf32>,
        %mul3A_476 = arith.mulf %gather3A_474, %gather3A_475 : vector<16xf32>
        %add3A_477 = arith.addf %add3A_467, %mul3A_476 : vector<16xf32>
        %add3A_478 = arith.constant 1 : i32
        %add3A_479 = vector.broadcast %add3A_478 : i32 to vector<16xi32>
        %add3A_480 = arith.addi %and3A_473, %add3A_479 : vector<16xi32>
        %and3A_481 = arith.constant 63 : i32
        %and3A_482 = vector.broadcast %and3A_481 : i32 to vector<16xi32>
        %and3A_483 = arith.andi %add3A_480, %and3A_482 : vector<16xi32>
        %gather3A_484 = tpu.vector_load_idx %arg9[%add3A_84, %and3A_483] : memref<64x64xf32, #tpu.memory_space<vmem>>[vector<16xi32>, vector<16xi32>], vector<16xf32>,
        %gather3A_485 = tpu.vector_load_idx %arg10[%add3A_84, %and3A_483] : memref<64x64xf32, #tpu.memory_space<vmem>>[vector<16xi32>, vector<16xi32>], vector<16xf32>,
        %mul3A_486 = arith.mulf %gather3A_484, %gather3A_485 : vector<16xf32>
        %add3A_487 = arith.addf %add3A_477, %mul3A_486 : vector<16xf32>
        %add3A_488 = arith.constant 1 : i32
        %add3A_489 = vector.broadcast %add3A_488 : i32 to vector<16xi32>
        %add3A_490 = arith.addi %and3A_483, %add3A_489 : vector<16xi32>
        %and3A_491 = arith.constant 63 : i32
        %and3A_492 = vector.broadcast %and3A_491 : i32 to vector<16xi32>
        %and3A_493 = arith.andi %add3A_490, %and3A_492 : vector<16xi32>
        %gather3A_494 = tpu.vector_load_idx %arg9[%add3A_84, %and3A_493] : memref<64x64xf32, #tpu.memory_space<vmem>>[vector<16xi32>, vector<16xi32>], vector<16xf32>,
        %gather3A_495 = tpu.vector_load_idx %arg10[%add3A_84, %and3A_493] : memref<64x64xf32, #tpu.memory_space<vmem>>[vector<16xi32>, vector<16xi32>], vector<16xf32>,
        %mul3A_496 = arith.mulf %gather3A_494, %gather3A_495 : vector<16xf32>
        %add3A_497 = arith.addf %add3A_487, %mul3A_496 : vector<16xf32>
        %add3A_498 = arith.constant 1 : i32
        %add3A_499 = vector.broadcast %add3A_498 : i32 to vector<16xi32>
        %add3A_500 = arith.addi %and3A_493, %add3A_499 : vector<16xi32>
        %and3A_501 = arith.constant 63 : i32
        %and3A_502 = vector.broadcast %and3A_501 : i32 to vector<16xi32>
        %and3A_503 = arith.andi %add3A_500, %and3A_502 : vector<16xi32>
        %gather3A_504 = tpu.vector_load_idx %arg9[%add3A_84, %and3A_503] : memref<64x64xf32, #tpu.memory_space<vmem>>[vector<16xi32>, vector<16xi32>], vector<16xf32>,
        %gather3A_505 = tpu.vector_load_idx %arg10[%add3A_84, %and3A_503] : memref<64x64xf32, #tpu.memory_space<vmem>>[vector<16xi32>, vector<16xi32>], vector<16xf32>,
        %mul3A_506 = arith.mulf %gather3A_504, %gather3A_505 : vector<16xf32>
        %add3A_507 = arith.addf %add3A_497, %mul3A_506 : vector<16xf32>
        %add3A_508 = arith.constant 1 : i32
        %add3A_509 = vector.broadcast %add3A_508 : i32 to vector<16xi32>
        %add3A_510 = arith.addi %and3A_503, %add3A_509 : vector<16xi32>
        %and3A_511 = arith.constant 63 : i32
        %and3A_512 = vector.broadcast %and3A_511 : i32 to vector<16xi32>
        %and3A_513 = arith.andi %add3A_510, %and3A_512 : vector<16xi32>
        %gather3A_514 = tpu.vector_load_idx %arg9[%add3A_84, %and3A_513] : memref<64x64xf32, #tpu.memory_space<vmem>>[vector<16xi32>, vector<16xi32>], vector<16xf32>,
        %gather3A_515 = tpu.vector_load_idx %arg10[%add3A_84, %and3A_513] : memref<64x64xf32, #tpu.memory_space<vmem>>[vector<16xi32>, vector<16xi32>], vector<16xf32>,
        %mul3A_516 = arith.mulf %gather3A_514, %gather3A_515 : vector<16xf32>
        %add3A_517 = arith.addf %add3A_507, %mul3A_516 : vector<16xf32>
        %add3A_518 = arith.constant 1 : i32
        %add3A_519 = vector.broadcast %add3A_518 : i32 to vector<16xi32>
        %add3A_520 = arith.addi %and3A_513, %add3A_519 : vector<16xi32>
        %and3A_521 = arith.constant 63 : i32
        %and3A_522 = vector.broadcast %and3A_521 : i32 to vector<16xi32>
        %and3A_523 = arith.andi %add3A_520, %and3A_522 : vector<16xi32>
        %gather3A_524 = tpu.vector_load_idx %arg9[%add3A_84, %and3A_523] : memref<64x64xf32, #tpu.memory_space<vmem>>[vector<16xi32>, vector<16xi32>], vector<16xf32>,
        %gather3A_525 = tpu.vector_load_idx %arg10[%add3A_84, %and3A_523] : memref<64x64xf32, #tpu.memory_space<vmem>>[vector<16xi32>, vector<16xi32>], vector<16xf32>,
        %mul3A_526 = arith.mulf %gather3A_524, %gather3A_525 : vector<16xf32>
        %add3A_527 = arith.addf %add3A_517, %mul3A_526 : vector<16xf32>
        %add3A_528 = arith.constant 1 : i32
        %add3A_529 = vector.broadcast %add3A_528 : i32 to vector<16xi32>
        %add3A_530 = arith.addi %and3A_523, %add3A_529 : vector<16xi32>
        %and3A_531 = arith.constant 63 : i32
        %and3A_532 = vector.broadcast %and3A_531 : i32 to vector<16xi32>
        %and3A_533 = arith.andi %add3A_530, %and3A_532 : vector<16xi32>
        %gather3A_534 = tpu.vector_load_idx %arg9[%add3A_84, %and3A_533] : memref<64x64xf32, #tpu.memory_space<vmem>>[vector<16xi32>, vector<16xi32>], vector<16xf32>,
        %gather3A_535 = tpu.vector_load_idx %arg10[%add3A_84, %and3A_533] : memref<64x64xf32, #tpu.memory_space<vmem>>[vector<16xi32>, vector<16xi32>], vector<16xf32>,
        %mul3A_536 = arith.mulf %gather3A_534, %gather3A_535 : vector<16xf32>
        %add3A_537 = arith.addf %add3A_527, %mul3A_536 : vector<16xf32>
        %add3A_538 = arith.constant 1 : i32
        %add3A_539 = vector.broadcast %add3A_538 : i32 to vector<16xi32>
        %add3A_540 = arith.addi %and3A_533, %add3A_539 : vector<16xi32>
        %and3A_541 = arith.constant 63 : i32
        %and3A_542 = vector.broadcast %and3A_541 : i32 to vector<16xi32>
        %and3A_543 = arith.andi %add3A_540, %and3A_542 : vector<16xi32>
        %gather3A_544 = tpu.vector_load_idx %arg9[%add3A_84, %and3A_543] : memref<64x64xf32, #tpu.memory_space<vmem>>[vector<16xi32>, vector<16xi32>], vector<16xf32>,
        %gather3A_545 = tpu.vector_load_idx %arg10[%add3A_84, %and3A_543] : memref<64x64xf32, #tpu.memory_space<vmem>>[vector<16xi32>, vector<16xi32>], vector<16xf32>,
        %mul3A_546 = arith.mulf %gather3A_544, %gather3A_545 : vector<16xf32>
        %add3A_547 = arith.addf %add3A_537, %mul3A_546 : vector<16xf32>
        %add3A_548 = arith.constant 1 : i32
        %add3A_549 = vector.broadcast %add3A_548 : i32 to vector<16xi32>
        %add3A_550 = arith.addi %and3A_543, %add3A_549 : vector<16xi32>
        %and3A_551 = arith.constant 63 : i32
        %and3A_552 = vector.broadcast %and3A_551 : i32 to vector<16xi32>
        %and3A_553 = arith.andi %add3A_550, %and3A_552 : vector<16xi32>
        %gather3A_554 = tpu.vector_load_idx %arg9[%add3A_84, %and3A_553] : memref<64x64xf32, #tpu.memory_space<vmem>>[vector<16xi32>, vector<16xi32>], vector<16xf32>,
        %gather3A_555 = tpu.vector_load_idx %arg10[%add3A_84, %and3A_553] : memref<64x64xf32, #tpu.memory_space<vmem>>[vector<16xi32>, vector<16xi32>], vector<16xf32>,
        %mul3A_556 = arith.mulf %gather3A_554, %gather3A_555 : vector<16xf32>
        %add3A_557 = arith.addf %add3A_547, %mul3A_556 : vector<16xf32>
        %add3A_558 = arith.constant 1 : i32
        %add3A_559 = vector.broadcast %add3A_558 : i32 to vector<16xi32>
        %add3A_560 = arith.addi %and3A_553, %add3A_559 : vector<16xi32>
        %and3A_561 = arith.constant 63 : i32
        %and3A_562 = vector.broadcast %and3A_561 : i32 to vector<16xi32>
        %and3A_563 = arith.andi %add3A_560, %and3A_562 : vector<16xi32>
        %gather3A_564 = tpu.vector_load_idx %arg9[%add3A_84, %and3A_563] : memref<64x64xf32, #tpu.memory_space<vmem>>[vector<16xi32>, vector<16xi32>], vector<16xf32>,
        %gather3A_565 = tpu.vector_load_idx %arg10[%add3A_84, %and3A_563] : memref<64x64xf32, #tpu.memory_space<vmem>>[vector<16xi32>, vector<16xi32>], vector<16xf32>,
        %mul3A_566 = arith.mulf %gather3A_564, %gather3A_565 : vector<16xf32>
        %add3A_567 = arith.addf %add3A_557, %mul3A_566 : vector<16xf32>
        %add3A_568 = arith.constant 1 : i32
        %add3A_569 = vector.broadcast %add3A_568 : i32 to vector<16xi32>
        %add3A_570 = arith.addi %and3A_563, %add3A_569 : vector<16xi32>
        %and3A_571 = arith.constant 63 : i32
        %and3A_572 = vector.broadcast %and3A_571 : i32 to vector<16xi32>
        %and3A_573 = arith.andi %add3A_570, %and3A_572 : vector<16xi32>
        %gather3A_574 = tpu.vector_load_idx %arg9[%add3A_84, %and3A_573] : memref<64x64xf32, #tpu.memory_space<vmem>>[vector<16xi32>, vector<16xi32>], vector<16xf32>,
        %gather3A_575 = tpu.vector_load_idx %arg10[%add3A_84, %and3A_573] : memref<64x64xf32, #tpu.memory_space<vmem>>[vector<16xi32>, vector<16xi32>], vector<16xf32>,
        %mul3A_576 = arith.mulf %gather3A_574, %gather3A_575 : vector<16xf32>
        %add3A_577 = arith.addf %add3A_567, %mul3A_576 : vector<16xf32>
        %add3A_578 = arith.constant 1 : i32
        %add3A_579 = vector.broadcast %add3A_578 : i32 to vector<16xi32>
        %add3A_580 = arith.addi %and3A_573, %add3A_579 : vector<16xi32>
        %and3A_581 = arith.constant 63 : i32
        %and3A_582 = vector.broadcast %and3A_581 : i32 to vector<16xi32>
        %and3A_583 = arith.andi %add3A_580, %and3A_582 : vector<16xi32>
        %gather3A_584 = tpu.vector_load_idx %arg9[%add3A_84, %and3A_583] : memref<64x64xf32, #tpu.memory_space<vmem>>[vector<16xi32>, vector<16xi32>], vector<16xf32>,
        %gather3A_585 = tpu.vector_load_idx %arg10[%add3A_84, %and3A_583] : memref<64x64xf32, #tpu.memory_space<vmem>>[vector<16xi32>, vector<16xi32>], vector<16xf32>,
        %mul3A_586 = arith.mulf %gather3A_584, %gather3A_585 : vector<16xf32>
        %add3A_587 = arith.addf %add3A_577, %mul3A_586 : vector<16xf32>
        %add3A_588 = arith.constant 1 : i32
        %add3A_589 = vector.broadcast %add3A_588 : i32 to vector<16xi32>
        %add3A_590 = arith.addi %and3A_583, %add3A_589 : vector<16xi32>
        %and3A_591 = arith.constant 63 : i32
        %and3A_592 = vector.broadcast %and3A_591 : i32 to vector<16xi32>
        %and3A_593 = arith.andi %add3A_590, %and3A_592 : vector<16xi32>
        %gather3A_594 = tpu.vector_load_idx %arg9[%add3A_84, %and3A_593] : memref<64x64xf32, #tpu.memory_space<vmem>>[vector<16xi32>, vector<16xi32>], vector<16xf32>,
        %gather3A_595 = tpu.vector_load_idx %arg10[%add3A_84, %and3A_593] : memref<64x64xf32, #tpu.memory_space<vmem>>[vector<16xi32>, vector<16xi32>], vector<16xf32>,
        %mul3A_596 = arith.mulf %gather3A_594, %gather3A_595 : vector<16xf32>
        %add3A_597 = arith.addf %add3A_587, %mul3A_596 : vector<16xf32>
        %add3A_598 = arith.constant 1 : i32
        %add3A_599 = vector.broadcast %add3A_598 : i32 to vector<16xi32>
        %add3A_600 = arith.addi %and3A_593, %add3A_599 : vector<16xi32>
        %and3A_601 = arith.constant 63 : i32
        %and3A_602 = vector.broadcast %and3A_601 : i32 to vector<16xi32>
        %and3A_603 = arith.andi %add3A_600, %and3A_602 : vector<16xi32>
        %gather3A_604 = tpu.vector_load_idx %arg9[%add3A_84, %and3A_603] : memref<64x64xf32, #tpu.memory_space<vmem>>[vector<16xi32>, vector<16xi32>], vector<16xf32>,
        %gather3A_605 = tpu.vector_load_idx %arg10[%add3A_84, %and3A_603] : memref<64x64xf32, #tpu.memory_space<vmem>>[vector<16xi32>, vector<16xi32>], vector<16xf32>,
        %mul3A_606 = arith.mulf %gather3A_604, %gather3A_605 : vector<16xf32>
        %add3A_607 = arith.addf %add3A_597, %mul3A_606 : vector<16xf32>
        %add3A_608 = arith.constant 1 : i32
        %add3A_609 = vector.broadcast %add3A_608 : i32 to vector<16xi32>
        %add3A_610 = arith.addi %and3A_603, %add3A_609 : vector<16xi32>
        %and3A_611 = arith.constant 63 : i32
        %and3A_612 = vector.broadcast %and3A_611 : i32 to vector<16xi32>
        %and3A_613 = arith.andi %add3A_610, %and3A_612 : vector<16xi32>
        %gather3A_614 = tpu.vector_load_idx %arg9[%add3A_84, %and3A_613] : memref<64x64xf32, #tpu.memory_space<vmem>>[vector<16xi32>, vector<16xi32>], vector<16xf32>,
        %gather3A_615 = tpu.vector_load_idx %arg10[%add3A_84, %and3A_613] : memref<64x64xf32, #tpu.memory_space<vmem>>[vector<16xi32>, vector<16xi32>], vector<16xf32>,
        %mul3A_616 = arith.mulf %gather3A_614, %gather3A_615 : vector<16xf32>
        %add3A_617 = arith.addf %add3A_607, %mul3A_616 : vector<16xf32>
        %add3A_618 = arith.constant 1 : i32
        %add3A_619 = vector.broadcast %add3A_618 : i32 to vector<16xi32>
        %add3A_620 = arith.addi %and3A_613, %add3A_619 : vector<16xi32>
        %and3A_621 = arith.constant 63 : i32
        %and3A_622 = vector.broadcast %and3A_621 : i32 to vector<16xi32>
        %and3A_623 = arith.andi %add3A_620, %and3A_622 : vector<16xi32>
        %gather3A_624 = tpu.vector_load_idx %arg9[%add3A_84, %and3A_623] : memref<64x64xf32, #tpu.memory_space<vmem>>[vector<16xi32>, vector<16xi32>], vector<16xf32>,
        %gather3A_625 = tpu.vector_load_idx %arg10[%add3A_84, %and3A_623] : memref<64x64xf32, #tpu.memory_space<vmem>>[vector<16xi32>, vector<16xi32>], vector<16xf32>,
        %mul3A_626 = arith.mulf %gather3A_624, %gather3A_625 : vector<16xf32>
        %add3A_627 = arith.addf %add3A_617, %mul3A_626 : vector<16xf32>
        %add3A_628 = arith.constant 1 : i32
        %add3A_629 = vector.broadcast %add3A_628 : i32 to vector<16xi32>
        %add3A_630 = arith.addi %and3A_623, %add3A_629 : vector<16xi32>
        %and3A_631 = arith.constant 63 : i32
        %and3A_632 = vector.broadcast %and3A_631 : i32 to vector<16xi32>
        %and3A_633 = arith.andi %add3A_630, %and3A_632 : vector<16xi32>
        %gather3A_634 = tpu.vector_load_idx %arg9[%add3A_84, %and3A_633] : memref<64x64xf32, #tpu.memory_space<vmem>>[vector<16xi32>, vector<16xi32>], vector<16xf32>,
        %gather3A_635 = tpu.vector_load_idx %arg10[%add3A_84, %and3A_633] : memref<64x64xf32, #tpu.memory_space<vmem>>[vector<16xi32>, vector<16xi32>], vector<16xf32>,
        %mul3A_636 = arith.mulf %gather3A_634, %gather3A_635 : vector<16xf32>
        %add3A_637 = arith.addf %add3A_627, %mul3A_636 : vector<16xf32>
        %add3A_638 = arith.constant 1 : i32
        %add3A_639 = vector.broadcast %add3A_638 : i32 to vector<16xi32>
        %add3A_640 = arith.addi %and3A_633, %add3A_639 : vector<16xi32>
        %and3A_641 = arith.constant 63 : i32
        %and3A_642 = vector.broadcast %and3A_641 : i32 to vector<16xi32>
        %and3A_643 = arith.andi %add3A_640, %and3A_642 : vector<16xi32>
        %gather3A_644 = tpu.vector_load_idx %arg9[%add3A_84, %and3A_643] : memref<64x64xf32, #tpu.memory_space<vmem>>[vector<16xi32>, vector<16xi32>], vector<16xf32>,
        %gather3A_645 = tpu.vector_load_idx %arg10[%add3A_84, %and3A_643] : memref<64x64xf32, #tpu.memory_space<vmem>>[vector<16xi32>, vector<16xi32>], vector<16xf32>,
        %mul3A_646 = arith.mulf %gather3A_644, %gather3A_645 : vector<16xf32>
        %add3A_647 = arith.addf %add3A_637, %mul3A_646 : vector<16xf32>
        %add3A_648 = arith.constant 1 : i32
        %add3A_649 = vector.broadcast %add3A_648 : i32 to vector<16xi32>
        %add3A_650 = arith.addi %and3A_643, %add3A_649 : vector<16xi32>
        %and3A_651 = arith.constant 63 : i32
        %and3A_652 = vector.broadcast %and3A_651 : i32 to vector<16xi32>
        %and3A_653 = arith.andi %add3A_650, %and3A_652 : vector<16xi32>
        %gather3A_654 = tpu.vector_load_idx %arg9[%add3A_84, %and3A_653] : memref<64x64xf32, #tpu.memory_space<vmem>>[vector<16xi32>, vector<16xi32>], vector<16xf32>,
        %gather3A_655 = tpu.vector_load_idx %arg10[%add3A_84, %and3A_653] : memref<64x64xf32, #tpu.memory_space<vmem>>[vector<16xi32>, vector<16xi32>], vector<16xf32>,
        %mul3A_656 = arith.mulf %gather3A_654, %gather3A_655 : vector<16xf32>
        %add3A_657 = arith.addf %add3A_647, %mul3A_656 : vector<16xf32>
        %add3A_658 = arith.constant 1 : i32
        %add3A_659 = vector.broadcast %add3A_658 : i32 to vector<16xi32>
        %add3A_660 = arith.addi %and3A_653, %add3A_659 : vector<16xi32>
        %and3A_661 = arith.constant 63 : i32
        %and3A_662 = vector.broadcast %and3A_661 : i32 to vector<16xi32>
        %and3A_663 = arith.andi %add3A_660, %and3A_662 : vector<16xi32>
        %gather3A_664 = tpu.vector_load_idx %arg9[%add3A_84, %and3A_663] : memref<64x64xf32, #tpu.memory_space<vmem>>[vector<16xi32>, vector<16xi32>], vector<16xf32>,
        %gather3A_665 = tpu.vector_load_idx %arg10[%add3A_84, %and3A_663] : memref<64x64xf32, #tpu.memory_space<vmem>>[vector<16xi32>, vector<16xi32>], vector<16xf32>,
        %mul3A_666 = arith.mulf %gather3A_664, %gather3A_665 : vector<16xf32>
        %add3A_667 = arith.addf %add3A_657, %mul3A_666 : vector<16xf32>
        %add3A_668 = arith.constant 1 : i32
        %add3A_669 = vector.broadcast %add3A_668 : i32 to vector<16xi32>
        %add3A_670 = arith.addi %and3A_663, %add3A_669 : vector<16xi32>
        %and3A_671 = arith.constant 63 : i32
        %and3A_672 = vector.broadcast %and3A_671 : i32 to vector<16xi32>
        %and3A_673 = arith.andi %add3A_670, %and3A_672 : vector<16xi32>
        %gather3A_674 = tpu.vector_load_idx %arg9[%add3A_84, %and3A_673] : memref<64x64xf32, #tpu.memory_space<vmem>>[vector<16xi32>, vector<16xi32>], vector<16xf32>,
        %gather3A_675 = tpu.vector_load_idx %arg10[%add3A_84, %and3A_673] : memref<64x64xf32, #tpu.memory_space<vmem>>[vector<16xi32>, vector<16xi32>], vector<16xf32>,
        %mul3A_676 = arith.mulf %gather3A_674, %gather3A_675 : vector<16xf32>
        %add3A_677 = arith.addf %add3A_667, %mul3A_676 : vector<16xf32>
        %add3A_678 = arith.constant 1 : i32
        %add3A_679 = vector.broadcast %add3A_678 : i32 to vector<16xi32>
        %add3A_680 = arith.addi %and3A_673, %add3A_679 : vector<16xi32>
        %and3A_681 = arith.constant 63 : i32
        %and3A_682 = vector.broadcast %and3A_681 : i32 to vector<16xi32>
        %and3A_683 = arith.andi %add3A_680, %and3A_682 : vector<16xi32>
        %gather3A_684 = tpu.vector_load_idx %arg9[%add3A_84, %and3A_683] : memref<64x64xf32, #tpu.memory_space<vmem>>[vector<16xi32>, vector<16xi32>], vector<16xf32>,
        %gather3A_685 = tpu.vector_load_idx %arg10[%add3A_84, %and3A_683] : memref<64x64xf32, #tpu.memory_space<vmem>>[vector<16xi32>, vector<16xi32>], vector<16xf32>,
        %mul3A_686 = arith.mulf %gather3A_684, %gather3A_685 : vector<16xf32>
        %add3A_687 = arith.addf %add3A_677, %mul3A_686 : vector<16xf32>
        %add3A_688 = arith.constant 1 : i32
        %add3A_689 = vector.broadcast %add3A_688 : i32 to vector<16xi32>
        %add3A_690 = arith.addi %and3A_683, %add3A_689 : vector<16xi32>
        %and3A_691 = arith.constant 63 : i32
        %and3A_692 = vector.broadcast %and3A_691 : i32 to vector<16xi32>
        %and3A_693 = arith.andi %add3A_690, %and3A_692 : vector<16xi32>
        %gather3A_694 = tpu.vector_load_idx %arg9[%add3A_84, %and3A_693] : memref<64x64xf32, #tpu.memory_space<vmem>>[vector<16xi32>, vector<16xi32>], vector<16xf32>,
        %gather3A_695 = tpu.vector_load_idx %arg10[%add3A_84, %and3A_693] : memref<64x64xf32, #tpu.memory_space<vmem>>[vector<16xi32>, vector<16xi32>], vector<16xf32>,
        %mul3A_696 = arith.mulf %gather3A_694, %gather3A_695 : vector<16xf32>
        %add3A_697 = arith.addf %add3A_687, %mul3A_696 : vector<16xf32>
        %add3A_698 = arith.constant 1 : i32
        %add3A_699 = vector.broadcast %add3A_698 : i32 to vector<16xi32>
        %add3A_700 = arith.addi %and3A_693, %add3A_699 : vector<16xi32>
        %and3A_701 = arith.constant 63 : i32
        %and3A_702 = vector.broadcast %and3A_701 : i32 to vector<16xi32>
        %and3A_703 = arith.andi %add3A_700, %and3A_702 : vector<16xi32>
        %gather3A_704 = tpu.vector_load_idx %arg9[%add3A_84, %and3A_703] : memref<64x64xf32, #tpu.memory_space<vmem>>[vector<16xi32>, vector<16xi32>], vector<16xf32>,
        %gather3A_705 = tpu.vector_load_idx %arg10[%add3A_84, %and3A_703] : memref<64x64xf32, #tpu.memory_space<vmem>>[vector<16xi32>, vector<16xi32>], vector<16xf32>,
        %mul3A_706 = arith.mulf %gather3A_704, %gather3A_705 : vector<16xf32>
        %add3A_707 = arith.addf %add3A_697, %mul3A_706 : vector<16xf32>
        %add3A_708 = arith.constant 1 : i32
        %add3A_709 = vector.broadcast %add3A_708 : i32 to vector<16xi32>
        %add3A_710 = arith.addi %and3A_703, %add3A_709 : vector<16xi32>
        %and3A_711 = arith.constant 63 : i32
        %and3A_712 = vector.broadcast %and3A_711 : i32 to vector<16xi32>
        %and3A_713 = arith.andi %add3A_710, %and3A_712 : vector<16xi32>
        %gather3A_714 = tpu.vector_load_idx %arg9[%add3A_84, %and3A_713] : memref<64x64xf32, #tpu.memory_space<vmem>>[vector<16xi32>, vector<16xi32>], vector<16xf32>,
        %gather3A_715 = tpu.vector_load_idx %arg10[%add3A_84, %and3A_713] : memref<64x64xf32, #tpu.memory_space<vmem>>[vector<16xi32>, vector<16xi32>], vector<16xf32>,
        %mul3A_716 = arith.mulf %gather3A_714, %gather3A_715 : vector<16xf32>
        %add3A_717 = arith.addf %add3A_707, %mul3A_716 : vector<16xf32>
        %add3A_718 = arith.constant 1 : i32
        %add3A_719 = vector.broadcast %add3A_718 : i32 to vector<16xi32>
        %add3A_720 = arith.addi %and3A_713, %add3A_719 : vector<16xi32>
        %and3A_721 = arith.constant 63 : i32
        %and3A_722 = vector.broadcast %and3A_721 : i32 to vector<16xi32>
        %and3A_723 = arith.andi %add3A_720, %and3A_722 : vector<16xi32>
        %mul3A_724 = arith.constant 16 : i32
        %mul3A_725 = arith.muli %scan3A_79, %mul3A_724 : i32
        %add3A_726 = arith.addi %mul3A_16, %mul3A_725 : i32
        %swap3A = arith.index_cast %add3A_726 : i32 to index
        %swap3A_727 = tpu.vector_load %arg11[%swap3A] {strides = array<i32>} : memref<512xf32, #tpu.memory_space<vmem>>, vector<16xf32>,
        tpu.vector_store %arg11[%swap3A], %add3A_717 {strides = array<i32>} : memref<512xf32, #tpu.memory_space<vmem>>, vector<16xf32>,
        %scan3A_728 = arith.constant 0 : i32
        scf.yield %scan3A_728 : i32
      }
      %scan3A_77 = arith.constant 4 : i32
      %scan3A_78 = arith.constant 0 : i32
      scf.yield %scan3A_78 : i32
    }
    %scan3A_10 = arith.constant 8 : i32
    %mul3A_11 = arith.constant 512 : i32
    %mul3A_12 = arith.muli %add3A, %mul3A_11 : i32
    "tpu.region"() ({
      %run_scoped3A = tpu.sem_alloc : memref<!tpu.dma_semaphore, #tpu.memory_space<semaphore_mem>>
      %dma_start3A = tpu.memref_slice %arg6[%mul3A_12] : memref<16384xf32, #tpu.memory_space<hbm>> -> memref<512xf32, #tpu.memory_space<hbm>>
      %dma_start3A_13 = tpu.memref_slice %arg6[%mul3A_12] : memref<16384xf32, #tpu.memory_space<hbm>> -> memref<512xf32, #tpu.memory_space<hbm>>
      tpu.enqueue_dma source(%arg11 : memref<512xf32, #tpu.memory_space<vmem>>) target(%dma_start3A_13 : memref<512xf32, #tpu.memory_space<hbm>>) target_semaphore(%run_scoped3A : memref<!tpu.dma_semaphore, #tpu.memory_space<semaphore_mem>>)
      %dma_wait3A = tpu.memref_slice %arg6[%mul3A_12] : memref<16384xf32, #tpu.memory_space<hbm>> -> memref<512xf32, #tpu.memory_space<hbm>>
      %dma_wait3A_14 = tpu.memref_slice %arg6[%mul3A_12] : memref<16384xf32, #tpu.memory_space<hbm>> -> memref<512xf32, #tpu.memory_space<hbm>>
      tpu.wait_dma2 semaphore(%run_scoped3A : memref<!tpu.dma_semaphore, #tpu.memory_space<semaphore_mem>>) src(%arg11 : memref<512xf32, #tpu.memory_space<vmem>>) dst(%dma_wait3A_14 : memref<512xf32, #tpu.memory_space<hbm>>)
      tpu.yield
    }) : () -> ()
    return
  }
}

</mosaic_0001>

<sc_bundles>
// kernel: kernel.3.cloned.1.call-start
scs
__scs_entry_jumppad:
0x0: {  	(pc) =	sbr.rel $0x88, $3  }
0x1: {  	(tag) =	ssettag $0x0;
	lr =	simm.s32 $0x1  }
0x2: {  	[smem:$0x3F9D] =	sst lr;
	_ =	strace $0xD0000000  }
0x3: {  	_ = 	snop  }
0x4: {  	_ = 	snop  }
0x5: {  	_ = 	snop  }
0x6: {  	_ = 	snop  }
0x7: {  	_ = 	snop  }
__scs_overlays_trampoline_lowered:
0x8: {  	[smem:$0x3FAC] =	sst s0  }
0x9: {  	[smem:$0x3FAD] =	sst s1  }
0xa: {  	[smem:$0x3FAE] =	sst s2  }
0xb: {  	[smem:$0x3FAF] =	sst s3  }
0xc: {  	[smem:$0x3FB0] =	sst s4  }
0xd: {  	[smem:$0x3FB1] =	sst s5  }
0xe: {  	[smem:$0x3FB2] =	sst s6  }
0xf: {  	[smem:$0x3FB3] =	sst s7  }
0x10: {  	[smem:$0x3FB4] =	sst s8  }
0x11: {  	[smem:$0x3FB5] =	sst s9;
	s0 =	simm.s32 @!p0 $0x0  }
0x12: {  	s1 =	sld [smem:$0x3F9B];
	s0 =	simm.s32 @p0 $0x1  }
0x13: {  	[smem:$0x3FB6] =	sst s0;
	s0 =	simm.s32 @!p1 $0x0  }
0x14: {  	s2 =	sld [smem:$0x3F9A];
	s0 =	simm.s32 @p1 $0x1  }
0x15: {  	[smem:$0x3FB7] =	sst s0;
	s0 =	simm.s32 @!p2 $0x0  }
0x16: {  	s3 =	sld [smem:$0x3FDB];
	s0 =	simm.s32 @p2 $0x1  }
0x17: {  	s4 =	simm.s32 $0x1BF5;
	[smem:$0x3FB9] =	sst s0  }
0x18: {  	s0 =	sld [smem:$0x3F9C];
	_ =	swait.ge [sflag:s4], $0x0  }
0x19: {  	s7 =	sld [smem:$0x3F9D]  }
0x1a: {  	s8 =	sadd.s32 $0xFFFFE003, lr  }
0x1b: {  	s9 =	sadd.s32 $0xFFFFFEF7, lr;
	s5 =	simm.s32 $0xFFFFFFFF;
	p2 =	slt.u32 s8, $0xFFFFF086  }
0x1c: {  	p1 =	slt.u32 s9, $0xF7A;
	s5 =	simm.s32 @!p2 $0x0  }
0x1d: {  	s5 =	simm.s32 @p1 $0x1;
	p0 =	seq.s32 s7, s2  }
0x1e: {  	s7 =	smul.u32 @!p0 $0xF7A, s2;
	p2 =	seq.s32 @!p0 s5, $0x0  }
0x1f: {  	s9 =	smul.u32 $0xF7A, s1;
	s8 =	simm.s32 @!p0 $0x1BF5;
	p2 =	por !p2, p0  }
0x20: {  	[sflag:s8] =	ssyncset.s32 @!p0 $0xFFFFF086;
	s6 =	sadd.s32 @!p0 s3, s7;
	s7 =	simm.s32 @!p0 $0x108  }
0x21: {  	s3 =	sadd.s32 s3, s9;
	s6 =	sadd.s32 @!p0 $0x88, s6;
	s7 =	simm.s32 @p2 $0x1082  }
0x22: {  	[simem:s7], [sflag:s8] =	dma.local @!p0 [hbm:s6], $0xF7A  }
0x23: {  	s9 =	sor.u32 $0xD0000000, s2;
	s6 =	simm.s32 $0x108;
	_ =	swait.ge @!p0 [sflag:s8], $0x0  }
0x24: {  	s3 =	sadd.s32 $0x88, s3;
	s6 =	simm.s32 @!p1 $0x1082;
	[sflag:s4] =	ssyncset.s32 $0xFFFFF086  }
0x25: {  	[simem:s6], [sflag:s4] =	dma.local [hbm:s3], $0xF7A  }
0x26: {  	[smem:$0x3F9D] =	sst s1;
	(tag) =	ssettag s2;
	_ =	strace s9  }
0x27: {  	s1 =	sld [smem:$0x3FAD]  }
0x28: {  	s2 =	sld [smem:$0x3FAE]  }
0x29: {  	s4 =	sld [smem:$0x3FB0]  }
0x2a: {  	p0 =	seq.s32 s5, $0x0;
	s5 =	sld [smem:$0x3FB1]  }
0x2b: {  	s6 =	sld [smem:$0x3FB2]  }
0x2c: {  	s7 =	sld [smem:$0x3FB3]  }
0x2d: {  	s3 =	simm.s32 $0x108;
	s8 =	sld [smem:$0x3FB4]  }
0x2e: {  	s3 =	simm.s32 @!p0 $0x1082;
	s9 =	sld [smem:$0x3FB5]  }
0x2f: {  	lr =	sadd.s32 s0, s3;
	s0 =	sld [smem:$0x3FAC]  }
0x30: {  	s3 =	sld [smem:$0x3FAF]  }
0x31: {  	[smem:$0x3FB8] =	sst s10  }
0x32: {  	s10 =	sld [smem:$0x3FB6];
	_ =	sdelay $0x3  }
0x33: {  	p0 =	seq.s32 s10, $0x1;
	s10 =	sld [smem:$0x3FB8];
	_ =	sdelay $0x3  }
0x34: {  	[smem:$0x3FB8] =	sst s10  }
0x35: {  	s10 =	sld [smem:$0x3FB7];
	_ =	sdelay $0x3  }
0x36: {  	p1 =	seq.s32 s10, $0x1;
	s10 =	sld [smem:$0x3FB8];
	_ =	sdelay $0x3  }
0x37: {  	[smem:$0x3FB8] =	sst s10  }
0x38: {  	s10 =	sld [smem:$0x3FB9]  }
0x39: {  	_ = 	snop;
	(pc) =	sbr.ind lr, $3  }
0x3a: {  	_ = 	snop  }
0x3b: {  	_ = 	snop  }
0x3c: {  	p2 =	seq.s32 s10, $0x1;
	s10 =	sld [smem:$0x3FB8]  }
0x3d: {  	_ =	shalt  }
0x3e: {  	_ =	shalt  }
0x3f: {  	_ =	shalt  }
0x40: {  	_ =	shalt  }
0x41: {  	_ =	shalt  }
0x42: {  	_ =	shalt  }
0x43: {  	_ =	shalt  }
0x44: {  	_ =	shalt  }
0x45: {  	_ =	shalt  }
0x46: {  	_ =	shalt  }
0x47: {  	_ =	shalt  }
0x48: {  	_ =	shalt  }
0x49: {  	_ =	shalt  }
0x4a: {  	_ =	shalt  }
0x4b: {  	_ =	shalt  }
0x4c: {  	_ =	shalt  }
0x4d: {  	_ =	shalt  }
0x4e: {  	_ =	shalt  }
0x4f: {  	_ =	shalt  }
0x50: {  	_ =	shalt  }
0x51: {  	_ =	shalt  }
0x52: {  	_ =	shalt  }
0x53: {  	_ =	shalt  }
0x54: {  	_ =	shalt  }
0x55: {  	_ =	shalt  }
0x56: {  	_ =	shalt  }
0x57: {  	_ =	shalt  }
0x58: {  	_ =	shalt  }
0x59: {  	_ =	shalt  }
0x5a: {  	_ =	shalt  }
0x5b: {  	_ =	shalt  }
0x5c: {  	_ =	shalt  }
0x5d: {  	_ =	shalt  }
0x5e: {  	_ =	shalt  }
0x5f: {  	_ =	shalt  }
0x60: {  	_ =	shalt  }
0x61: {  	_ =	shalt  }
0x62: {  	_ =	shalt  }
0x63: {  	_ =	shalt  }
0x64: {  	_ =	shalt  }
0x65: {  	_ =	shalt  }
0x66: {  	_ =	shalt  }
0x67: {  	_ =	shalt  }
0x68: {  	_ =	shalt  }
0x69: {  	_ =	shalt  }
0x6a: {  	_ =	shalt  }
0x6b: {  	_ =	shalt  }
0x6c: {  	_ =	shalt  }
0x6d: {  	_ =	shalt  }
0x6e: {  	_ =	shalt  }
0x6f: {  	_ =	shalt  }
0x70: {  	_ =	shalt  }
0x71: {  	_ =	shalt  }
0x72: {  	_ =	shalt  }
0x73: {  	_ =	shalt  }
0x74: {  	_ =	shalt  }
0x75: {  	_ =	shalt  }
0x76: {  	_ =	shalt  }
0x77: {  	_ =	shalt  }
0x78: {  	_ =	shalt  }
0x79: {  	_ =	shalt  }
0x7a: {  	_ =	shalt  }
0x7b: {  	_ =	shalt  }
0x7c: {  	_ =	shalt  }
0x7d: {  	_ =	shalt  }
0x7e: {  	_ =	shalt  }
0x7f: {  	_ =	shalt  }
0x80: {  	_ =	shalt  }
0x81: {  	_ =	shalt  }
0x82: {  	_ =	shalt  }
0x83: {  	_ =	shalt  }
0x84: {  	_ =	shalt  }
0x85: {  	_ =	shalt  }
0x86: {  	_ =	shalt  }
0x87: {  	_ =	shalt  }
.Lfunc_end0:
.L_simem_size_0:
called_computation_lowered:
.L_overlay_start_0:
0x88: {  	s2 =	sld [smem:$0x3FD9]  }
0x89: {  	s3 =	sld [smem:$0x3FFE];
	_ =	sdelay $0x1  }
0x8a: {  	s1 =	srdreg.scid  }
0x8b: {  	s0 =	sand.u32 $0x1, s1  }
0x8c: {  	s17 =	sshll.u32 s0, $0xA;
	s2 =	sadd.s32 s3, s2  }
0x8d: {  	s2 =	sadd.s32 s2, s17  }
0x8e: {  	[smem:$0x3FC4] =	sst s2  }
0x8f: {  	_ = 	snop  }
0x90: {  	s2 =	sld [smem:$0x3FC9]  }
0x91: {  	s18 =	sld [smem:$0x3FC8]  }
0x92: {  	s4 =	sld [smem:$0x3FD0];
	(tm) =	ssettm $0x1  }
0x93: {  	s5 =	sld [smem:$0x3FFB];
	_ =	sdelay $0x3  }
0x94: {  	_ =	strace s5  }
0x95: {  	s5 =	sld [smem:$0x3FFC];
	_ =	sdelay $0x3  }
0x96: {  	_ =	strace s5  }
0x97: {  	s5 =	sld [smem:$0x3FFD];
	_ =	sdelay $0x3  }
0x98: {  	_ =	strace s5  }
0x99: {  	_ =	strace $0x8FFFFFFF  }
0x9a: {  	s19 =	sld [smem:$0x3FDB];
	_ =	sdelay $0x1  }
0x9b: {  	s6 =	simm.s32 $_scs_section_size  }
0x9c: {  	s7 =	simm.s32 $_size__tile_overlayer_lowered;
	s8 =	simm.s32 $_tile_overlayer_lowered  }
0x9d: {  	s22 =	simm.s32 $0x1BFF;
	s21 =	sshll.u32 s8, $0x1;
	s5 =	sadd.s32 s6, s19  }
0x9e: {  	s9 =	simm.s32 $0x0;
	s20 =	sshll.u32 s7, $0x1;
	s7 =	sadd.s32 s21, s5  }
0x9f: {  	[timem:s9], [sflag:s22] =	dma.local [hbm:s7], s20  }
0xa0: {  	_ =	swait.ge [sflag:s22], s20  }
0xa1: {  	s6 =	ssub.s32 $0x0, s20;
	[sflag:s22] =	ssyncset.done $0x0  }
0xa2: {  	[sflag:s22] =	ssyncadd.s32 s6;
	_ =	sdelay $0x1  }
0xa3: {  	s23 =	simm.s32 $0x1B8B  }
0xa4: {  	_ =	swait.ge [sflag:s23], $0x1  }
0xa5: {  	[sflag:s23] =	ssyncset.done $0x0  }
0xa6: {  	s25 =	simm.s32 $0x1B8E;
	s24 =	sld [smem:$0x3FFE];
	[sflag:s23] =	ssyncadd.s32 $0xFFFFFFFF  }
0xa7: {  	s26 =	simm.s32 $execute0_lowered;
	[smem:$0x3FD2] =	sst s25  }
0xa8: {  	s7 =	sshll.u32 s26, $0x1;
	_ =	strace $0x80000046;
	[dreg:$0x1] =	wrdreg $0xFFFFFFFF  }
0xa9: {  	s28 =	simm.s32 $_size_execute0_lowered;
	s5 =	sadd.s32 s5, s7;
	[dreg:$0x0] =	wrdreg $0x0  }
0xaa: {  	s7 =	sshll.u32 s28, $0x1;
	[dreg:$0x2] =	wrdreg s5  }
0xab: {  	[dreg:$0x3] =	wrdreg s7  }
0xac: {  	[dreg:$0x4] =	wrdreg $0xC0  }
0xad: {  	_ =	task [dreg:s9], $0x5FFFF  }
0xae: {  	[dreg:$0x1] =	wrdreg $0xFFFFFFFF  }
0xaf: {  	[dreg:$0x0] =	wrdreg $0x60  }
0xb0: {  	[dreg:$0x2] =	wrdreg s2  }
0xb1: {  	[dreg:$0x3] =	wrdreg s18  }
0xb2: {  	[dreg:$0x4] =	wrdreg s24  }
0xb3: {  	[dreg:$0x5] =	wrdreg s4  }
0xb4: {  	[dreg:$0x6] =	wrdreg $0x9  }
0xb5: {  	_ =	task.clear_ibuf [dreg:s9], $0x7FFFF;
	_ =	strace $0x90000046  }
0xb6: {  	s29 =	simm.s32 $0x9;
	_ =	strace $0x80000048  }
0xb7: {  	_ =	swait.ge [sflag:s29], $0x1  }
0xb8: {  	[sflag:s29] =	ssyncadd.s32 $0xFFFFFFFF  }
0xb9: {  	_ =	strace $0x90000048  }
0xba: {  	_ =	sfence  }
0xbb: {  	s30 =	sld [smem:$0x0];
	_ =	sdelay $0x2  }
0xbc: {  	s31 =	sshll.u32 s1, $0xD;
	s1 =	sshrl.u32 s1, $0x2  }
0xbd: {  	s3 =	sand.u32 $0x4000, s31;
	s1 =	sadd.s32 s1, s30  }
0xbe: {  	s0 =	sor.u32 s3, s0;
	s1 =	sshll.u32 s1, $0x11  }
0xbf: {  	s0 =	sor.u32 s1, s0  }
0xc0: {  	s0 =	sadd.s32 $0x8F2B, s0  }
0xc1: {  	[sflag:s0] =	ssyncadd.remote.s32 $0x1  }
0xc2: {  	_ =	sfence.sel $0xFFFF  }
0xc3: {  	[dreg:$0x0] =	wrdreg $0xFFFFFFFF;
	(pc) =	sbr.abs _section_cstart, $3  }
0xc4: {  	[dreg:$0x1] =	wrdreg $0xFFFFFFFF  }
0xc5: {  	_ =	task.clear_ibuf [dreg:s9], $0x2FFFF;
	_ =	strace $0x9FFFFFFF  }
0xc6: {  	(tm) =	ssettm $0x7FFFFFFF  }
0xc7: {  	_ =	shalt  }
tec
execute0_lowered:
.L_overlay_start_1:
0x0: {  	(tag) =	ssettag $0x1  }
0x1: {  	v7 =	vlaneseq.u32;
	v0 =	vimm.s32 $0x34333231;
	v1 =	vimm.s32 $0x38373635  }
0x2: {  	v2 =	vimm.s32 $0x3C3B3A39;
	v3 =	vimm.s32 $0x3F3E3D;
	vm0 =	vcmask $0x1F10  }
0x3: {  	v60 =	vimm.s32 $0x35343332;
	v37 =	vimm.s32 $0x1003F3E;
	v62 =	vimm.s32 $0x3A393837  }
0x4: {  	v38 =	vimm.s32 $0x201003F;
	v40 =	vimm.s32 $0x3F3E3D3C;
	v41 =	vimm.s32 $0x37363534  }
0x5: {  	v46 =	vimm.s32 $0x3B3A3938;
	v51 =	vimm.s32 $0x87654321;
	v59 =	vimm.s32 $0x32107654  }
0x6: {  	vm1 =	vcmask $0x2F10;
	vm2 =	vcmask $0x3F30;
	v8 =	vmul.u32 $0x80, v7  }
0x7: {  	v9 =	vadd.s32 $0x1, v7;
	v10 =	vadd.s32 $0x2, v7;
	v11 =	vadd.s32 $0x3, v7  }
0x8: {  	v12 =	vadd.s32 $0x4, v7;
	v13 =	vadd.s32 $0x5, v7;
	v14 =	vadd.s32 $0x6, v7  }
0x9: {  	v15 =	vadd.s32 $0x7, v7;
	v22 =	vadd.s32 $0x8, v7;
	v23 =	vadd.s32 $0x9, v7  }
0xa: {  	v24 =	vadd.s32 $0xA, v7;
	v25 =	vadd.s32 $0xB, v7;
	v26 =	vadd.s32 $0xC, v7  }
0xb: {  	v27 =	vadd.s32 $0xD, v7;
	v28 =	vadd.s32 $0xE, v7;
	v29 =	vadd.s32 $0xF, v7  }
0xc: {  	v30 =	vor.u32 $0x10, v7;
	v31 =	vadd.s32 $0x11, v7;
	v32 =	vadd.s32 $0x12, v7  }
0xd: {  	v33 =	vadd.s32 $0x13, v7;
	v34 =	vadd.s32 $0x14, v7;
	v35 =	vadd.s32 $0x15, v7  }
0xe: {  	v36 =	vadd.s32 $0x16, v7;
	v0 =	vunpack.c.0.s8.s32 v0;
	v4 =	vunpack.c.0.s8.s32 v1  }
0xf: {  	v39 =	vadd.s32 $0x17, v7;
	v5 =	vunpack.c.0.s8.s32 v2;
	v1 =	vunpack.c.0.s8.s32 v3  }
0x10: {  	v42 =	vadd.s32 $0x18, v7;
	v2 =	vunpack.c.0.s8.s32 v60;
	[tilespmem:$0x1FE30] =	vst v4;
	v0 =	vsel vm0, v4, v0  }
0x11: {  	[tilespmem:$0x1FE40] =	vst v5;
	v3 =	vsel vm0, v1, v5;
	v4 =	vimm.s32 $0x39383736;
	v5 =	vimm.s32 $0x3D3C3B3A  }
0x12: {  	v17 =	vunpack.c.0.s8.s32 v4;
	v5 =	vunpack.c.0.s8.s32 v5;
	v4 =	vunpack.c.0.s8.s32 v37  }
0x13: {  	v43 =	vadd.s32 $0x19, v7;
	v44 =	vadd.s32 $0x1A, v7;
	v20 =	vunpack.c.0.s8.s32 v40  }
0x14: {  	v61 =	vsel vm0, v17, v2;
	[tilespmem:$0x1FE60] =	vst v5;
	v2 =	vsel vm0, v4, v5;
	v5 =	vimm.s32 $0x36353433  }
0x15: {  	v47 =	vcombine.low v0, v3;
	v0 =	vunpack.c.0.s8.s32 v5;
	v5 =	vimm.s32 $0x3020100  }
0x16: {  	v63 =	vunpack.c.0.s8.s32 v41;
	v21 =	vunpack.c.0.s8.s32 v46;
	v5 =	vunpack.c.0.s8.s32 v5  }
0x17: {  	v45 =	vadd.s32 $0x1B, v7;
	v50 =	vadd.s32 $0x1C, v7;
	v48 =	vunpack.c.0.s8.s32 v38  }
0x18: {  	v60 =	vimm.s32 $0x5040302;
	v52 =	vsel vm0, v21, v63;
	v5 =	vsel vm0, v5, v20  }
0x19: {  	v37 =	vunpack.c.l.s4.s8 v51;
	v49 =	vcombine.low v52, v5;
	v5 =	vimm.s32 $0x4030201  }
0x1a: {  	v38 =	vunpack.c.l.s4.s8 v59;
	v40 =	vunpack.c.0.s8.s32 v60;
	[tilespmem:$0x1FE70] =	vst v21;
	v5 =	vunpack.c.0.s8.s32 v5  }
0x1b: {  	s0 =	rddreg [dreg:$0x0];
	[tilespmem:$0x1FE50] =	vst v17;
	v37 =	vunpack.c.0.s8.s32 v37;
	v17 =	vcombine.low v61, v2;
	v61 =	vimm.s32 $0x98765432  }
0x1c: {  	s1 =	rddreg [dreg:$0x1];
	v63 =	vimm.s32 $0x43218765;
	[tilespmem:$0x1FEA0] =	vst v20;
	v41 =	vunpack.c.l.s4.s8 v61;
	v5 =	vsel vm0, v5, v1  }
0x1d: {  	s2 =	rddreg [dreg:$0x2];
	s18 =	simm.s32 $0x0;
	v37 =	vand.u32 $0xF, v37;
	v46 =	vmovc v17;
	v17 =	vunpack.c.0.s8.s32 v62;
	[tilespmem:$0x1FE80] =	vst v5;
	v5 =	vsel vm0, v40, v4  }
0x1e: {  	[smem:$0x7FF] =	sst s18;
	v62 =	vunpack.c.0.s8.s32 v41;
	v52 =	vcombine.low v3, v37;
	v37 =	vunpack.c.l.s4.s8 v63;
	[tilespmem:$0x1FE90] =	vst v5  }
0x1f: {  	s3 =	rddreg [dreg:$0x3];
	v38 =	vunpack.c.0.s8.s32 v38;
	v51 =	vimm.s32 $0x54329876;
	v0 =	vsel vm0, v17, v0;
	_ =	strace $0x80000047;
	[tilespmem:$0x1FEB0] =	vst v17  }
0x20: {  	v51 =	vunpack.c.l.s4.s8 v51;
	v3 =	vand.u32 $0xF, v62;
	v37 =	vunpack.c.0.s8.s32 v37;
	[tilespmem:$0x1FEC0] =	vst v0  }
0x21: {  	v62 =	vimm.s32 $0x6543A987;
	v59 =	vcombine.low v2, v3;
	v3 =	vimm.s32 $0xA9876543;
	[tilespmem:$0x1FEE0] =	vst v48  }
0x22: {  	v2 =	vunpack.c.0.s8.s32 v51;
	v3 =	vunpack.c.l.s4.s8 v3;
	v60 =	vand.u32 $0xF, v37;
	[tilespmem:$0x1FF80] =	vst v52  }
0x23: {  	v1 =	vsel vm1, v60, v1;
	v60 =	vimm.s32 $0x3E3D3C3B;
	v0 =	vadd.s32 $0x2C, v7;
	[tilespmem:$0x1FF90] =	vst v59  }
0x24: {  	v40 =	vimm.s32 $0xB0A0908;
	v60 =	vunpack.c.0.s8.s32 v60;
	v17 =	vadd.s32 $0x2B, v7;
	[tilespmem:$0x1FF20] =	vst v0  }
0x25: {  	v37 =	vunpack.c.l.s4.s8 v62;
	v5 =	vand.u32 $0xF, v38;
	v38 =	vunpack.c.0.s8.s32 v40;
	[tilespmem:$0x1FFE0] =	vst v17  }
0x26: {  	v3 =	vunpack.c.0.s8.s32 v3;
	v5 =	vsel vm1, v5, v20;
	v0 =	vadd.s32 $0x2D, v7;
	[tilespmem:$0x1FED0] =	vst v60  }
0x27: {  	v53 =	vadd.s32 $0x1D, v7;
	v63 =	vand.u32 $0xF, v2;
	v61 =	vsel vm2, v38, v5;
	[tilespmem:$0x1FF30] =	vst v0  }
0x28: {  	v51 =	vunpack.c.0.s8.s32 v37;
	v5 =	vimm.s32 $0xC0B0A09;
	v60 =	vand.u32 $0xF, v3;
	[tilespmem:$0x1FFA0] =	vst v61  }
0x29: {  	v38 =	vimm.s32 $0x6050403;
	v5 =	vunpack.c.0.s8.s32 v5;
	v0 =	vadd.s32 $0x2E, v7;
	[tilespmem:$0x1FF10] =	vst v60  }
0x2a: {  	v37 =	vunpack.c.0.s8.s32 v38;
	v60 =	vadd.s32 $0x29, v7;
	[tilespmem:$0x1FF40] =	vst v0;
	v0 =	vadd.s32 $0x2F, v7  }
0x2b: {  	s4 =	srdreg.scid;
	v62 =	vsel vm2, v5, v1;
	v1 =	vsel vm1, v63, v4;
	v4 =	vimm.s32 $0xD0C0B0A;
	[tilespmem:$0x1FF50] =	vst v0  }
0x2c: {  	s6 =	stileid.u32;
	v54 =	vadd.s32 $0x1E, v7;
	s4 =	sand.u32 $0x1, s4;
	v37 =	vsel vm0, v37, v48;
	[tilespmem:$0x1FF70] =	vst v60;
	v4 =	vunpack.c.0.s8.s32 v4  }
0x2d: {  	v55 =	vadd.s32 $0x1F, v7;
	v56 =	vor.u32 $0x20, v7;
	s6 =	sshll.u32 s6, $0x7;
	s5 =	ssub.s32 $0x2, s4;
	s4 =	sshll.u32 s4, $0x6;
	v0 =	vor.u32 $0x30, v7;
	[tilespmem:$0x1FEF0] =	vst v37  }
0x2e: {  	s14 =	simm.s32 $0x400;
	v16 =	vadd.s32 $0x24, v7;
	s4 =	sor.u32 s4, s6;
	[tilespmem:$0x1FF60] =	vst v0;
	v63 =	vsel vm2, v4, v1;
	v1 =	vimm.s32 $0x76543210  }
0x2f: {  	s15 =	simm.s32 $0x2400;
	s12 =	sadd.s32 $0x400, s2;
	s0 =	sadd.s32 s0, s4;
	v2 =	vand.u32 $0xF, v51;
	v38 =	vmovc v16;
	v16 =	vadd.s32 $0x28, v7;
	[tilespmem:$0x1FFB0] =	vst v62;
	v1 =	vunpack.c.l.s4.s8 v1  }
0x30: {  	v6 =	vadd.s32 $0x23, v7;
	s7 =	sshrl.u32 s5, $0x1;
	s29 =	sadd.s32 s1, s4;
	[dreg:$0x10] =	wrdreg s0;
	v2 =	vsel vm1, v2, v48;
	v5 =	vimm.s32 $0xE0D0C0B;
	[tilespmem:$0x1FFF0] =	vst v16  }
0x31: {  	s28 =	ssub.s32 s5, s7;
	s30 =	sadd.s32 s3, s4;
	[dreg:$0x11] =	wrdreg s29;
	v5 =	vunpack.c.0.s8.s32 v5;
	v37 =	vmovc v6;
	v6 =	vadd.s32 $0x2A, v7;
	[tilespmem:$0x1FFC0] =	vst v63;
	v48 =	vunpack.c.0.s8.s32 v1  }
0x32: {  	v57 =	vadd.s32 $0x21, v7;
	v18 =	vadd.s32 $0x25, v7;
	v19 =	vadd.s32 $0x26, v7;
	s13 =	sadd.s32 $0xF42800, s2;
	s31 =	smax.u32 s28, $0x1;
	[dreg:$0x12] =	wrdreg s30;
	[tilespmem:$0x1FFD0] =	vst v6  }
0x33: {  	v58 =	vadd.s32 $0x22, v7;
	s2 =	simm.s32 $0x0;
	s1 =	simm.s32 $0x5;
	v41 =	vmovc v19;
	[dreg:$0x13] =	wrdreg s31;
	v40 =	vmovc v18;
	v51 =	vsel vm2, v5, v2;
	[tilespmem:$0x1FF00] =	vst v48;
	v48 =	vadd.s32 $0x27, v7  }
.LBB2_1:
0x34: {  	[dreg:$0x14] =	wrdreg s2  }
0x35: {  	s0 =	rddreg [dreg:$0x10]  }
0x36: {  	[tilespmem:s18], [sflag:$0x5] =	stream.linear.gather [hbm4b:s0+s18], $0x200, $0x38;
	[tilespmem:$0x4600] =	vst v63  }
0x37: {  	_ =	swait.ge [sflag:s1], $0x200  }
0x38: {  	[sflag:s1] =	ssyncset.done $0x0  }
0x39: {  	s16 =	simm.s32 $0x200;
	s31 =	rddreg [dreg:$0x11];
	[sflag:s1] =	ssyncadd.s32 $0xFFFFFE00  }
0x3a: {  	[tilespmem:s16], [sflag:$0x5] =	stream.linear.gather [hbm4b:s31+s18], $0x200, $0x38;
	[tilespmem:$0x4600] =	vst v63  }
0x3b: {  	_ =	swait.ge [sflag:s1], $0x200  }
0x3c: {  	s17 =	simm.s32 $0x0;
	[sflag:s1] =	ssyncset.done $0x0  }
0x3d: {  	s2 =	simm.s32 $0x0;
	[sflag:s1] =	ssyncadd.s32 $0xFFFFFE00;
	s1 =	simm.s32 $0x4400  }
.LBB2_2:
0x3e: {  	v0 =	vld [tilespmem:s17+$0x0]  }
0x3f: {  	v2 =	vld [tilespmem:s16+$0x0];
	_ =	sdelay $0x3  }
0x40: {  	v1 =	vshll.u32 v0, $0x4  }
0x41: {  	v63 =	vshll.u32 v2, $0x4;
	(v2sf) =	vpush v1, $0x0  }
0x42: {  	(v2sf) =	vpush v63, $0x0  }
0x43: {  	(v2sf) =	vpush v1, $0x1;
	_ =	sdelay $0x1  }
0x44: {  	(v2sf) =	vpush v63, $0x1;
	_ =	sdelay $0x2  }
0x45: {  	(v2sf) =	vpush v1, $0x2  }
0x46: {  	[dreg:$0x18] =	wrdreg s2  }
0x47: {  	[dreg:$0x16] =	wrdreg s1;
	(v2sf) =	vpush v63, $0x2  }
0x48: {  	s23 =	simm.s32 $0x2000;
	s22 =	simm.s32 $0x0;
	s3 =	simm.s32 $0x2400  }
0x49: {  	s2 =	simm.s32 $0x680;
	s1 =	simm.s32 $0x880;
	s4 =	simm.s32 $0x400;
	(v2sf) =	vpush v1, $0x3  }
0x4a: {  	s6 =	simm.s32 $0x600;
	s0 =	simm.s32 $0x2900;
	s10 =	simm.s32 $0x580  }
0x4b: {  	s11 =	simm.s32 $0x480;
	s21 =	simm.s32 $0x2480;
	s25 =	simm.s32 $0x500  }
0x4c: {  	s30 =	simm.s32 $0x2A00;
	[dreg:$0x17] =	wrdreg s17;
	s28 =	sadd.s32 $0x10, s17  }
0x4d: {  	[dreg:$0x15] =	wrdreg s16;
	s29 =	sadd.s32 $0x10, s16;
	s5 =	spop (v2sf);
	(v2sf) =	vpush v63, $0x3  }
0x4e: {  	s31 =	simm.s32 $0xB00;
	s5 =	sand.u32 $0x1FFFFFF0, s5;
	s8 =	spop (v2sf)  }
0x4f: {  	(v2sf) =	vpush v1, $0x4;
	s5 =	sadd.s32 s12, s5;
	s8 =	sand.u32 $0x1FFFFFF0, s8;
	s9 =	spop (v2sf)  }
0x50: {  	(v2sf) =	vpush v63, $0x4;
	[tilespmem:s4], [sflag:$0x1] =	stream.linear.gather [hbm4b:s5+s18], $0x80, $0x38;
	[tilespmem:$0x4600] =	vst v63  }
0x51: {  	s5 =	sadd.s32 s13, s8;
	s8 =	sand.u32 $0x1FFFFFF0, s9;
	s9 =	spop (v2sf)  }
0x52: {  	s4 =	simm.s32 $0x2580;
	(v2sf) =	vpush v1, $0x5;
	s19 =	sadd.s32 s12, s8;
	s20 =	sand.u32 $0x1FFFFFF0, s9  }
0x53: {  	(v2sf) =	vpush v63, $0x5;
	[tilespmem:s3], [sflag:$0x1] =	stream.linear.gather [hbm4b:s5+s18], $0x80, $0x38;
	[tilespmem:$0x4600] =	vst v63  }
0x54: {  	s24 =	spop (v2sf);
	s9 =	simm.s32 $0x2680;
	s8 =	sadd.s32 s13, s20  }
0x55: {  	(v2sf) =	vpush v1, $0x6;
	[tilespmem:s11], [sflag:$0x2] =	stream.linear.gather [hbm4b:s19+s18], $0x80, $0x38;
	[tilespmem:$0x4600] =	vst v63  }
0x56: {  	s5 =	sand.u32 $0x1FFFFFF0, s24;
	s26 =	spop (v2sf);
	s24 =	simm.s32 $0x2600  }
0x57: {  	(v2sf) =	vpush v63, $0x6;
	[tilespmem:s21], [sflag:$0x2] =	stream.linear.gather [hbm4b:s8+s18], $0x80, $0x38;
	[tilespmem:$0x4600] =	vst v63  }
0x58: {  	s5 =	sadd.s32 s12, s5;
	s7 =	spop (v2sf);
	s8 =	sand.u32 $0x1FFFFFF0, s26  }
0x59: {  	[tilespmem:s25], [sflag:$0x3] =	stream.linear.gather [hbm4b:s5+s18], $0x80, $0x38;
	[tilespmem:$0x4600] =	vst v63  }
0x5a: {  	s11 =	simm.s32 $0x2500;
	s7 =	sand.u32 $0x1FFFFFF0, s7;
	s19 =	sadd.s32 s13, s8  }
0x5b: {  	[tilespmem:s11], [sflag:$0x3] =	stream.linear.gather [hbm4b:s19+s18], $0x80, $0x38;
	[tilespmem:$0x4600] =	vst v63  }
0x5c: {  	s21 =	sadd.s32 s12, s7;
	s19 =	simm.s32 $0x700;
	s20 =	spop (v2sf)  }
0x5d: {  	(v2sf) =	vpush v1, $0x7;
	[tilespmem:s10], [sflag:$0x4] =	stream.linear.gather [hbm4b:s21+s18], $0x80, $0x38;
	[tilespmem:$0x4600] =	vst v63  }
0x5e: {  	s10 =	simm.s32 $0xA80;
	s3 =	sand.u32 $0x1FFFFFF0, s20;
	s25 =	spop (v2sf)  }
0x5f: {  	(v2sf) =	vpush v63, $0x7;
	s3 =	sadd.s32 s13, s3;
	s7 =	sand.u32 $0x1FFFFFF0, s25;
	s26 =	spop (v2sf)  }
0x60: {  	(v2sf) =	vpush v1, $0x8;
	[tilespmem:s4], [sflag:$0x4] =	stream.linear.gather [hbm4b:s3+s18], $0x80, $0x38;
	[tilespmem:$0x4600] =	vst v63  }
0x61: {  	s7 =	sadd.s32 s12, s7;
	s8 =	sand.u32 $0x1FFFFFF0, s26;
	s11 =	spop (v2sf)  }
0x62: {  	(v2sf) =	vpush v63, $0x8;
	s4 =	sadd.s32 s13, s8;
	s20 =	spop (v2sf);
	s8 =	simm.s32 $0x2700  }
0x63: {  	(v2sf) =	vpush v1, $0x9;
	[tilespmem:s6], [sflag:$0x1] =	stream.linear.gather [hbm4b:s7+s18], $0x80, $0x38;
	[tilespmem:$0x4600] =	vst v63  }
0x64: {  	s6 =	sand.u32 $0x1FFFFFF0, s11;
	s5 =	sand.u32 $0x1FFFFFF0, s20;
	s21 =	spop (v2sf)  }
0x65: {  	[tilespmem:s24], [sflag:$0x1] =	stream.linear.gather [hbm4b:s4+s18], $0x80, $0x38;
	[tilespmem:$0x4600] =	vst v63  }
0x66: {  	s7 =	simm.s32 $0x2A80;
	s6 =	sadd.s32 s12, s6;
	s26 =	spop (v2sf)  }
0x67: {  	(v2sf) =	vpush v63, $0x9;
	[tilespmem:s2], [sflag:$0x2] =	stream.linear.gather [hbm4b:s6+s18], $0x80, $0x38;
	[tilespmem:$0x4600] =	vst v63  }
0x68: {  	s25 =	sand.u32 $0x1FFFFFF0, s21;
	s24 =	sadd.s32 s13, s5;
	s3 =	sand.u32 $0x1FFFFFF0, s26  }
0x69: {  	(v2sf) =	vpush v1, $0xA;
	[tilespmem:s9], [sflag:$0x2] =	stream.linear.gather [hbm4b:s24+s18], $0x80, $0x38;
	[tilespmem:$0x4600] =	vst v63  }
0x6a: {  	s5 =	sadd.s32 s12, s25;
	s26 =	simm.s32 $0x800;
	s3 =	sadd.s32 s13, s3  }
0x6b: {  	(v2sf) =	vpush v63, $0xA;
	[tilespmem:s19], [sflag:$0x3] =	stream.linear.gather [hbm4b:s5+s18], $0x80, $0x38;
	[tilespmem:$0x4600] =	vst v63  }
0x6c: {  	s2 =	simm.s32 $0x2980;
	s24 =	simm.s32 $0x2780;
	s9 =	spop (v2sf)  }
0x6d: {  	(v2sf) =	vpush v1, $0xB;
	[tilespmem:s8], [sflag:$0x3] =	stream.linear.gather [hbm4b:s3+s18], $0x80, $0x38;
	[tilespmem:$0x4600] =	vst v63  }
0x6e: {  	s19 =	simm.s32 $0x780;
	s6 =	sand.u32 $0x1FFFFFF0, s9;
	s11 =	spop (v2sf)  }
0x6f: {  	(v2sf) =	vpush v63, $0xB;
	s20 =	sadd.s32 s12, s6;
	s21 =	sand.u32 $0x1FFFFFF0, s11;
	s25 =	spop (v2sf)  }
0x70: {  	[tilespmem:s19], [sflag:$0x4] =	stream.linear.gather [hbm4b:s20+s18], $0x80, $0x38;
	[tilespmem:$0x4600] =	vst v63  }
0x71: {  	s9 =	simm.s32 $0x2800;
	s6 =	sadd.s32 s13, s21;
	s5 =	spop (v2sf)  }
0x72: {  	s4 =	sand.u32 $0x1FFFFFF0, s25;
	s20 =	simm.s32 $0x2880;
	s8 =	spop (v2sf)  }
0x73: {  	(v2sf) =	vpush v1, $0xC;
	[tilespmem:s24], [sflag:$0x4] =	stream.linear.gather [hbm4b:s6+s18], $0x80, $0x38;
	[tilespmem:$0x4600] =	vst v63  }
0x74: {  	s4 =	sadd.s32 s12, s4;
	s6 =	sand.u32 $0x1FFFFFF0, s5;
	s19 =	sand.u32 $0x1FFFFFF0, s8  }
0x75: {  	(v2sf) =	vpush v63, $0xC;
	[tilespmem:s26], [sflag:$0x1] =	stream.linear.gather [hbm4b:s4+s18], $0x80, $0x38;
	[tilespmem:$0x4600] =	vst v63  }
0x76: {  	s21 =	spop (v2sf);
	s24 =	simm.s32 $0x900;
	s11 =	sadd.s32 s13, s6  }
0x77: {  	[tilespmem:s9], [sflag:$0x1] =	stream.linear.gather [hbm4b:s11+s18], $0x80, $0x38;
	[tilespmem:$0x4600] =	vst v63  }
0x78: {  	s6 =	sadd.s32 s12, s19;
	s25 =	spop (v2sf);
	s4 =	sand.u32 $0x1FFFFFF0, s21  }
0x79: {  	[tilespmem:s1], [sflag:$0x2] =	stream.linear.gather [hbm4b:s6+s18], $0x80, $0x38;
	[tilespmem:$0x4600] =	vst v63  }
0x7a: {  	s26 =	spop (v2sf);
	s4 =	sadd.s32 s13, s4;
	s6 =	sand.u32 $0x1FFFFFF0, s25  }
0x7b: {  	[tilespmem:s20], [sflag:$0x2] =	stream.linear.gather [hbm4b:s4+s18], $0x80, $0x38;
	[tilespmem:$0x4600] =	vst v63  }
0x7c: {  	s4 =	sadd.s32 s12, s6;
	s6 =	sand.u32 $0x1FFFFFF0, s26;
	s8 =	spop (v2sf)  }
0x7d: {  	[tilespmem:s24], [sflag:$0x3] =	stream.linear.gather [hbm4b:s4+s18], $0x80, $0x38;
	[tilespmem:$0x4600] =	vst v63  }
0x7e: {  	s9 =	sadd.s32 s13, s6;
	s11 =	sand.u32 $0x1FFFFFF0, s8;
	s19 =	spop (v2sf)  }
0x7f: {  	(v2sf) =	vpush v1, $0xD;
	[tilespmem:s0], [sflag:$0x3] =	stream.linear.gather [hbm4b:s9+s18], $0x80, $0x38;
	[tilespmem:$0x4600] =	vst v63  }
0x80: {  	s20 =	simm.s32 $0x980;
	(v2sf) =	vpush v63, $0xD;
	s21 =	sadd.s32 s12, s11;
	s24 =	sand.u32 $0x1FFFFFF0, s19  }
0x81: {  	(v2sf) =	vpush v1, $0xE;
	[tilespmem:s20], [sflag:$0x4] =	stream.linear.gather [hbm4b:s21+s18], $0x80, $0x38;
	[tilespmem:$0x4600] =	vst v63  }
0x82: {  	s0 =	simm.s32 $0xA00;
	s25 =	sadd.s32 s13, s24;
	(v2sf) =	vpush v63, $0xE;
	s26 =	spop (v2sf)  }
0x83: {  	(v2sf) =	vpush v1, $0xF;
	[tilespmem:s2], [sflag:$0x4] =	stream.linear.gather [hbm4b:s25+s18], $0x80, $0x38;
	[tilespmem:$0x4600] =	vst v63  }
0x84: {  	s11 =	simm.s32 $0x2B00;
	s1 =	sand.u32 $0x1FFFFFF0, s26;
	(v2sf) =	vpush v63, $0xF;
	s2 =	spop (v2sf)  }
.LBB2_3:
0x85: {  	_ =	sdelay $0x4  }
0x86: {  	s1 =	sadd.s32 s12, s1;
	s2 =	sand.u32 $0x1FFFFFF0, s2  }
0x87: {  	[tilespmem:s0], [sflag:$0x1] =	stream.linear.gather [hbm4b:s1+s18], $0x80, $0x38;
	[tilespmem:$0x4600] =	vst v63  }
0x88: {  	s24 =	sadd.s32 s13, s2  }
0x89: {  	[tilespmem:s30], [sflag:$0x1] =	stream.linear.gather [hbm4b:s24+s18], $0x80, $0x38;
	[tilespmem:$0x4600] =	vst v63  }
0x8a: {  	s3 =	spop (v2sf)  }
0x8b: {  	s25 =	sand.u32 $0x1FFFFFF0, s3;
	s26 =	spop (v2sf)  }
0x8c: {  	s1 =	sadd.s32 s12, s25;
	s2 =	sand.u32 $0x1FFFFFF0, s26;
	s3 =	spop (v2sf)  }
0x8d: {  	[tilespmem:s10], [sflag:$0x2] =	stream.linear.gather [hbm4b:s1+s18], $0x80, $0x38;
	[tilespmem:$0x4600] =	vst v63  }
0x8e: {  	s4 =	sadd.s32 s13, s2;
	s5 =	sand.u32 $0x1FFFFFF0, s3;
	s6 =	spop (v2sf)  }
0x8f: {  	[tilespmem:s7], [sflag:$0x2] =	stream.linear.gather [hbm4b:s4+s18], $0x80, $0x38;
	[tilespmem:$0x4600] =	vst v63  }
0x90: {  	s8 =	sand.u32 $0x1FFFFFF0, s6;
	s9 =	spop (v2sf);
	s7 =	sadd.s32 s12, s5  }
0x91: {  	[tilespmem:s31], [sflag:$0x3] =	stream.linear.gather [hbm4b:s7+s18], $0x80, $0x38;
	[tilespmem:$0x4600] =	vst v63  }
0x92: {  	s10 =	sadd.s32 s13, s8;
	s16 =	sand.u32 $0x1FFFFFF0, s9;
	s17 =	spop (v2sf)  }
0x93: {  	[tilespmem:s11], [sflag:$0x3] =	stream.linear.gather [hbm4b:s10+s18], $0x80, $0x38;
	[tilespmem:$0x4600] =	vst v63  }
0x94: {  	s19 =	sadd.s32 $0xB80, s22;
	s1 =	sadd.s32 s12, s16;
	s2 =	sand.u32 $0x1FFFFFF0, s17  }
0x95: {  	[tilespmem:s19], [sflag:$0x4] =	stream.linear.gather [hbm4b:s1+s18], $0x80, $0x38;
	[tilespmem:$0x4600] =	vst v63  }
0x96: {  	s20 =	sadd.s32 $0x2B80, s22;
	s21 =	sadd.s32 s13, s2  }
0x97: {  	[tilespmem:s20], [sflag:$0x4] =	stream.linear.gather [hbm4b:s21+s18], $0x80, $0x38;
	[tilespmem:$0x4600] =	vst v63  }
0x98: {  	v0 =	vld [tilespmem:s28+$0x0]  }
0x99: {  	v2 =	vld [tilespmem:s29+$0x0];
	_ =	sdelay $0x3  }
0x9a: {  	v1 =	vshll.u32 v0, $0x4  }
0x9b: {  	s22 =	smov.u32 s23;
	v63 =	vshll.u32 v2, $0x4;
	(v2sf) =	vpush v1, $0x0  }
0x9c: {  	s22 =	sshra.s32 s22, $0x2;
	(v2sf) =	vpush v63, $0x0  }
0x9d: {  	p0 =	sne.s32 s23, $0x6000;
	s23 =	sadd.s32 $0x2000, s23;
	s0 =	sadd.s32 $0x680, s22;
	(v2sf) =	vpush v1, $0x1  }
0x9e: {  	[dreg:$0xd] =	wrdreg s0;
	s24 =	sadd.s32 $0x880, s22;
	s30 =	sadd.s32 $0x2A00, s22  }
0x9f: {  	s0 =	sadd.s32 $0xA00, s22;
	[dreg:$0x7] =	wrdreg s24;
	s25 =	sadd.s32 $0x2900, s22;
	(v2sf) =	vpush v63, $0x1  }
0xa0: {  	s24 =	sadd.s32 $0x2480, s22;
	s26 =	sadd.s32 $0xA80, s22;
	[dreg:$0x5] =	wrdreg s25  }
0xa1: {  	s3 =	sadd.s32 $0x500, s22;
	[dreg:$0xb] =	wrdreg s26;
	s25 =	sadd.s32 $0x800, s22;
	(v2sf) =	vpush v1, $0x2  }
0xa2: {  	s6 =	sadd.s32 $0x2980, s22;
	[dreg:$0xc] =	wrdreg s25;
	s4 =	sadd.s32 $0x2400, s22  }
0xa3: {  	s5 =	sadd.s32 $0x400, s22;
	[dreg:$0x6] =	wrdreg s6;
	s8 =	sadd.s32 $0x900, s22;
	(v2sf) =	vpush v63, $0x2  }
0xa4: {  	s9 =	sadd.s32 $0x780, s22;
	s6 =	sadd.s32 $0x2780, s22;
	[dreg:$0x8] =	wrdreg s8;
	(v2sf) =	vpush v1, $0x3  }
0xa5: {  	s16 =	sadd.s32 $0x2500, s22;
	s17 =	sadd.s32 $0x2A80, s22;
	[dreg:$0xf] =	wrdreg s9  }
0xa6: {  	s9 =	simm.s32 $0x0;
	[dreg:$0xe] =	wrdreg s6;
	s6 =	sadd.s32 $0x980, s22  }
0xa7: {  	s2 =	sadd.s32 $0x580, s22;
	s7 =	sadd.s32 $0x2880, s22;
	s31 =	sadd.s32 $0xB00, s22  }
0xa8: {  	[dreg:$0x9] =	wrdreg s7;
	s7 =	sadd.s32 $0x480, s22;
	s11 =	sadd.s32 $0x2800, s22;
	(v2sf) =	vpush v63, $0x3  }
0xa9: {  	s10 =	sadd.s32 $0x2700, s22;
	[dreg:$0xa] =	wrdreg s11;
	s11 =	sadd.s32 $0x2B00, s22  }
0xaa: {  	s1 =	sadd.s32 $0x2580, s22;
	s19 =	sadd.s32 $0x2600, s22;
	(v2sf) =	vpush v1, $0x4;
	s26 =	spop (v2sf)  }
0xab: {  	s18 =	sadd.s32 $0x600, s22;
	s8 =	sand.u32 $0x1FFFFFF0, s26;
	s25 =	spop (v2sf)  }
0xac: {  	(v2sf) =	vpush v63, $0x4;
	s8 =	sadd.s32 s12, s8;
	s25 =	sand.u32 $0x1FFFFFF0, s25;
	s26 =	spop (v2sf)  }
0xad: {  	[tilespmem:s5], [sflag:$0x1] =	stream.linear.gather [hbm4b:s8+s9], $0x80, $0x38;
	[tilespmem:$0x4600] =	vst v63  }
0xae: {  	s8 =	sadd.s32 s13, s25;
	s25 =	sand.u32 $0x1FFFFFF0, s26;
	s26 =	spop (v2sf)  }
0xaf: {  	(v2sf) =	vpush v1, $0x5;
	[tilespmem:s4], [sflag:$0x1] =	stream.linear.gather [hbm4b:s8+s9], $0x80, $0x38;
	[tilespmem:$0x4600] =	vst v63  }
0xb0: {  	s8 =	sadd.s32 s12, s25;
	s25 =	sand.u32 $0x1FFFFFF0, s26;
	s26 =	spop (v2sf)  }
0xb1: {  	(v2sf) =	vpush v63, $0x5;
	[tilespmem:s7], [sflag:$0x2] =	stream.linear.gather [hbm4b:s8+s9], $0x80, $0x38;
	[tilespmem:$0x4600] =	vst v63  }
0xb2: {  	s7 =	sadd.s32 s13, s25;
	s25 =	sand.u32 $0x1FFFFFF0, s26;
	s26 =	spop (v2sf)  }
0xb3: {  	s20 =	sadd.s32 $0x2680, s22;
	s21 =	sadd.s32 $0x700, s22;
	(v2sf) =	vpush v1, $0x6;
	s8 =	spop (v2sf)  }
0xb4: {  	[tilespmem:s24], [sflag:$0x2] =	stream.linear.gather [hbm4b:s7+s9], $0x80, $0x38;
	[tilespmem:$0x4600] =	vst v63  }
0xb5: {  	(v2sf) =	vpush v63, $0x6;
	s5 =	sadd.s32 s12, s25;
	s7 =	sand.u32 $0x1FFFFFF0, s26;
	s25 =	sand.u32 $0x1FFFFFF0, s8  }
0xb6: {  	[tilespmem:s3], [sflag:$0x3] =	stream.linear.gather [hbm4b:s5+s9], $0x80, $0x38;
	[tilespmem:$0x4600] =	vst v63  }
0xb7: {  	(v2sf) =	vpush v1, $0x7;
	s26 =	spop (v2sf);
	s24 =	sadd.s32 s13, s7;
	s7 =	smov.u32 s17  }
0xb8: {  	[tilespmem:s16], [sflag:$0x3] =	stream.linear.gather [hbm4b:s24+s9], $0x80, $0x38;
	[tilespmem:$0x4600] =	vst v63  }
0xb9: {  	s8 =	sadd.s32 s12, s25;
	s17 =	spop (v2sf);
	s16 =	sand.u32 $0x1FFFFFF0, s26  }
0xba: {  	(v2sf) =	vpush v63, $0x7;
	[tilespmem:s2], [sflag:$0x4] =	stream.linear.gather [hbm4b:s8+s9], $0x80, $0x38;
	[tilespmem:$0x4600] =	vst v63  }
0xbb: {  	s28 =	sadd.s32 $0x10, s28;
	(v2sf) =	vpush v1, $0x8;
	s24 =	sadd.s32 s13, s16;
	s26 =	spop (v2sf)  }
0xbc: {  	[tilespmem:s1], [sflag:$0x4] =	stream.linear.gather [hbm4b:s24+s9], $0x80, $0x38;
	[tilespmem:$0x4600] =	vst v63  }
0xbd: {  	s29 =	sadd.s32 $0x10, s29;
	s25 =	sand.u32 $0x1FFFFFF0, s17;
	s5 =	sand.u32 $0x1FFFFFF0, s26  }
0xbe: {  	s3 =	sadd.s32 s12, s25;
	s8 =	spop (v2sf);
	s16 =	sadd.s32 s13, s5  }
0xbf: {  	(v2sf) =	vpush v63, $0x8;
	[tilespmem:s18], [sflag:$0x1] =	stream.linear.gather [hbm4b:s3+s9], $0x80, $0x38;
	[tilespmem:$0x4600] =	vst v63  }
0xc0: {  	s17 =	sand.u32 $0x1FFFFFF0, s8;
	s5 =	rddreg [dreg:$0xd];
	s18 =	spop (v2sf)  }
0xc1: {  	(v2sf) =	vpush v1, $0x9;
	[tilespmem:s19], [sflag:$0x1] =	stream.linear.gather [hbm4b:s16+s9], $0x80, $0x38;
	[tilespmem:$0x4600] =	vst v63  }
0xc2: {  	s24 =	sadd.s32 s12, s17;
	s25 =	sand.u32 $0x1FFFFFF0, s18;
	s26 =	spop (v2sf)  }
0xc3: {  	[tilespmem:s5], [sflag:$0x2] =	stream.linear.gather [hbm4b:s24+s9], $0x80, $0x38;
	[tilespmem:$0x4600] =	vst v63  }
0xc4: {  	(v2sf) =	vpush v63, $0x9;
	s8 =	sadd.s32 s13, s25;
	s16 =	sand.u32 $0x1FFFFFF0, s26;
	s17 =	spop (v2sf)  }
0xc5: {  	[tilespmem:s20], [sflag:$0x2] =	stream.linear.gather [hbm4b:s8+s9], $0x80, $0x38;
	[tilespmem:$0x4600] =	vst v63  }
0xc6: {  	(v2sf) =	vpush v1, $0xA;
	s18 =	sadd.s32 s12, s16;
	s19 =	sand.u32 $0x1FFFFFF0, s17;
	s20 =	spop (v2sf)  }
0xc7: {  	s24 =	sadd.s32 s13, s19;
	s8 =	rddreg [dreg:$0xf];
	s25 =	sand.u32 $0x1FFFFFF0, s20  }
0xc8: {  	(v2sf) =	vpush v63, $0xA;
	[tilespmem:s21], [sflag:$0x3] =	stream.linear.gather [hbm4b:s18+s9], $0x80, $0x38;
	[tilespmem:$0x4600] =	vst v63  }
0xc9: {  	s26 =	spop (v2sf);
	s20 =	rddreg [dreg:$0xe];
	s2 =	sadd.s32 s12, s25  }
0xca: {  	(v2sf) =	vpush v1, $0xB;
	s3 =	sand.u32 $0x1FFFFFF0, s26;
	s5 =	spop (v2sf);
	s18 =	simm.s32 $0x0  }
0xcb: {  	[tilespmem:s10], [sflag:$0x3] =	stream.linear.gather [hbm4b:s24+s9], $0x80, $0x38;
	[tilespmem:$0x4600] =	vst v63  }
0xcc: {  	(v2sf) =	vpush v63, $0xB;
	s26 =	rddreg [dreg:$0xc];
	s16 =	sadd.s32 s13, s3;
	s17 =	sand.u32 $0x1FFFFFF0, s5  }
0xcd: {  	[tilespmem:s8], [sflag:$0x4] =	stream.linear.gather [hbm4b:s2+s9], $0x80, $0x38;
	[tilespmem:$0x4600] =	vst v63  }
0xce: {  	s10 =	rddreg [dreg:$0xb];
	s21 =	sadd.s32 s12, s17;
	s19 =	spop (v2sf)  }
0xcf: {  	(v2sf) =	vpush v1, $0xC;
	[tilespmem:s20], [sflag:$0x4] =	stream.linear.gather [hbm4b:s16+s9], $0x80, $0x38;
	[tilespmem:$0x4600] =	vst v63  }
0xd0: {  	s24 =	sand.u32 $0x1FFFFFF0, s19;
	s25 =	spop (v2sf);
	s9 =	rddreg [dreg:$0xa]  }
0xd1: {  	(v2sf) =	vpush v63, $0xC;
	s4 =	sadd.s32 s13, s24;
	s5 =	sand.u32 $0x1FFFFFF0, s25;
	s20 =	rddreg [dreg:$0x7]  }
0xd2: {  	[tilespmem:s26], [sflag:$0x1] =	stream.linear.gather [hbm4b:s21+s18], $0x80, $0x38;
	[tilespmem:$0x4600] =	vst v63  }
0xd3: {  	s8 =	spop (v2sf);
	s16 =	sadd.s32 s12, s5;
	s26 =	rddreg [dreg:$0x9]  }
0xd4: {  	[tilespmem:s9], [sflag:$0x1] =	stream.linear.gather [hbm4b:s4+s18], $0x80, $0x38;
	[tilespmem:$0x4600] =	vst v63  }
0xd5: {  	s17 =	sand.u32 $0x1FFFFFF0, s8;
	s19 =	spop (v2sf);
	s8 =	rddreg [dreg:$0x8]  }
0xd6: {  	[tilespmem:s20], [sflag:$0x2] =	stream.linear.gather [hbm4b:s16+s18], $0x80, $0x38;
	[tilespmem:$0x4600] =	vst v63  }
0xd7: {  	s21 =	sadd.s32 s13, s17;
	s24 =	sand.u32 $0x1FFFFFF0, s19;
	s25 =	spop (v2sf)  }
0xd8: {  	[tilespmem:s26], [sflag:$0x2] =	stream.linear.gather [hbm4b:s21+s18], $0x80, $0x38;
	[tilespmem:$0x4600] =	vst v63  }
0xd9: {  	s2 =	sadd.s32 s12, s24;
	s3 =	sand.u32 $0x1FFFFFF0, s25;
	s5 =	spop (v2sf)  }
0xda: {  	[tilespmem:s8], [sflag:$0x3] =	stream.linear.gather [hbm4b:s2+s18], $0x80, $0x38;
	[tilespmem:$0x4600] =	vst v63  }
0xdb: {  	s19 =	rddreg [dreg:$0x5];
	s9 =	sadd.s32 s13, s3;
	s17 =	spop (v2sf)  }
0xdc: {  	(v2sf) =	vpush v1, $0xD;
	[tilespmem:s19], [sflag:$0x3] =	stream.linear.gather [hbm4b:s9+s18], $0x80, $0x38;
	[tilespmem:$0x4600] =	vst v63  }
.Ltmp0:
0xdd: {  	(v2sf) =	vpush v63, $0xD;
	s16 =	sand.u32 $0x1FFFFFF0, s5;
	s26 =	rddreg [dreg:$0x6];
	(pc) =	sbr.rel @p0 .LBB2_3-.Ltmp0, $4  }
0xde: {  	(v2sf) =	vpush v1, $0xE;
	s20 =	sadd.s32 s12, s16;
	s21 =	sand.u32 $0x1FFFFFF0, s17;
	s24 =	spop (v2sf)  }
0xdf: {  	(v2sf) =	vpush v63, $0xE;
	[tilespmem:s6], [sflag:$0x4] =	stream.linear.gather [hbm4b:s20+s18], $0x80, $0x38;
	[tilespmem:$0x4600] =	vst v63  }
0xe0: {  	(v2sf) =	vpush v1, $0xF;
	s25 =	sadd.s32 s13, s21;
	s1 =	sand.u32 $0x1FFFFFF0, s24;
	s2 =	spop (v2sf)  }
0xe1: {  	(v2sf) =	vpush v63, $0xF;
	[tilespmem:s26], [sflag:$0x4] =	stream.linear.gather [hbm4b:s25+s18], $0x80, $0x38;
	[tilespmem:$0x4600] =	vst v63  }
0xe2: {  	_ =	sdelay $0x4  }
0xe3: {  	s1 =	sadd.s32 s12, s1;
	s2 =	sand.u32 $0x1FFFFFF0, s2  }
0xe4: {  	[tilespmem:s0], [sflag:$0x1] =	stream.linear.gather [hbm4b:s1+s18], $0x80, $0x38;
	[tilespmem:$0x4600] =	vst v63  }
0xe5: {  	s26 =	sadd.s32 s13, s2  }
0xe6: {  	[tilespmem:s30], [sflag:$0x1] =	stream.linear.gather [hbm4b:s26+s18], $0x80, $0x38;
	[tilespmem:$0x4600] =	vst v63  }
0xe7: {  	s3 =	spop (v2sf)  }
0xe8: {  	s28 =	sand.u32 $0x1FFFFFF0, s3;
	s29 =	spop (v2sf)  }
0xe9: {  	s1 =	sadd.s32 s12, s28;
	s3 =	sand.u32 $0x1FFFFFF0, s29;
	s4 =	spop (v2sf)  }
0xea: {  	[tilespmem:s10], [sflag:$0x2] =	stream.linear.gather [hbm4b:s1+s18], $0x80, $0x38;
	[tilespmem:$0x4600] =	vst v63  }
0xeb: {  	s5 =	sadd.s32 s13, s3;
	s6 =	sand.u32 $0x1FFFFFF0, s4;
	s8 =	spop (v2sf)  }
0xec: {  	[tilespmem:s7], [sflag:$0x2] =	stream.linear.gather [hbm4b:s5+s18], $0x80, $0x38;
	[tilespmem:$0x4600] =	vst v63  }
0xed: {  	s9 =	sadd.s32 s12, s6;
	s10 =	sand.u32 $0x1FFFFFF0, s8;
	s16 =	spop (v2sf)  }
0xee: {  	[tilespmem:s31], [sflag:$0x3] =	stream.linear.gather [hbm4b:s9+s18], $0x80, $0x38;
	[tilespmem:$0x4600] =	vst v63  }
0xef: {  	s17 =	sadd.s32 s13, s10;
	s19 =	sand.u32 $0x1FFFFFF0, s16;
	s20 =	spop (v2sf)  }
0xf0: {  	[tilespmem:s11], [sflag:$0x3] =	stream.linear.gather [hbm4b:s17+s18], $0x80, $0x38;
	[tilespmem:$0x4600] =	vst v63  }
0xf1: {  	s21 =	sadd.s32 $0xB80, s22;
	s1 =	sadd.s32 s12, s19;
	s2 =	sand.u32 $0x1FFFFFF0, s20  }
0xf2: {  	[tilespmem:s21], [sflag:$0x4] =	stream.linear.gather [hbm4b:s1+s18], $0x80, $0x38;
	[tilespmem:$0x4600] =	vst v63  }
0xf3: {  	s23 =	sadd.s32 $0x2B80, s22;
	s25 =	simm.s32 $0x1;
	s24 =	sadd.s32 s13, s2  }
0xf4: {  	[tilespmem:s23], [sflag:$0x4] =	stream.linear.gather [hbm4b:s24+s18], $0x80, $0x38;
	[tilespmem:$0x4600] =	vst v63  }
0xf5: {  	_ =	swait.ge [sflag:s25], $0x1000  }
0xf6: {  	[sflag:s25] =	ssyncset.done $0x0  }
0xf7: {  	s26 =	simm.s32 $0x2;
	[sflag:s25] =	ssyncadd.s32 $0xFFFFF000  }
0xf8: {  	s28 =	simm.s32 $0x0;
	_ =	swait.ge [sflag:s26], $0x1000  }
0xf9: {  	v0 =	vmov s28;
	[sflag:s26] =	ssyncset.done $0x0  }
0xfa: {  	s29 =	simm.s32 $0x3;
	v0 =	vshll.u32 v0, $0x7;
	[sflag:s26] =	ssyncadd.s32 $0xFFFFF000  }
0xfb: {  	v1 =	vor.u32 v8, v0;
	_ =	swait.ge [sflag:s29], $0x1000  }
0xfc: {  	v0 =	vor.u32 v7, v1;
	[sflag:s29] =	ssyncset.done $0x0  }
0xfd: {  	s30 =	simm.s32 $0x4;
	[sflag:s29] =	ssyncadd.s32 $0xFFFFF000  }
0xfe: {  	v2 =	vor.u32 v9, v1;
	_ =	swait.ge [sflag:s30], $0x1000  }
0xff: {  	[sflag:s30] =	ssyncset.done $0x0  }
0x100: {  	v3 =	vor.u32 v10, v1;
	v21 =	vld [tilespmem:$0x1FF70];
	[sflag:s30] =	ssyncadd.s32 $0xFFFFF000  }
0x101: {  	v4 =	vld.idx.msk [tilespmem:v0+s14+$0x0], $0xffff  }
0x102: {  	v5 =	vor.u32 v11, v1;
	v0 =	vld.idx.msk [tilespmem:v0+s15+$0x0], $0xffff  }
0x103: {  	v59 =	vld.idx.msk [tilespmem:v2+s14+$0x0], $0xffff  }
0x104: {  	v60 =	vor.u32 v12, v1;
	v2 =	vld.idx.msk [tilespmem:v2+s15+$0x0], $0xffff  }
0x105: {  	v61 =	vld.idx.msk [tilespmem:v3+s14+$0x0], $0xffff  }
0x106: {  	v62 =	vor.u32 v13, v1;
	v3 =	vld.idx.msk [tilespmem:v3+s15+$0x0], $0xffff  }
0x107: {  	v63 =	vld.idx.msk [tilespmem:v5+s14+$0x0], $0xffff;
	v0 =	vmul.f32 v0, v4  }
0x108: {  	v4 =	vld.idx.msk [tilespmem:v5+s15+$0x0], $0xffff;
	v5 =	vor.u32 v14, v1  }
0x109: {  	v18 =	vld.idx.msk [tilespmem:v60+s14+$0x0], $0xffff;
	v2 =	vmul.f32 v2, v59;
	v0 =	vadd.f32 $0.0e+00, v0  }
0x10a: {  	v59 =	vld.idx.msk [tilespmem:v60+s15+$0x0], $0xffff;
	v60 =	vor.u32 v15, v1  }
0x10b: {  	v19 =	vld.idx.msk [tilespmem:v62+s14+$0x0], $0xffff;
	v0 =	vadd.f32 v2, v0;
	v2 =	vmul.f32 v3, v61  }
0x10c: {  	v52 =	vor.u32 v22, v1;
	v3 =	vld.idx.msk [tilespmem:v62+s15+$0x0], $0xffff  }
0x10d: {  	v62 =	vld.idx.msk [tilespmem:v5+s14+$0x0], $0xffff;
	v0 =	vadd.f32 v2, v0;
	v2 =	vmul.f32 v4, v63  }
0x10e: {  	v4 =	vld.idx.msk [tilespmem:v5+s15+$0x0], $0xffff;
	v5 =	vor.u32 v23, v1  }
0x10f: {  	v63 =	vld.idx.msk [tilespmem:v60+s14+$0x0], $0xffff;
	v0 =	vadd.f32 v2, v0;
	v2 =	vmul.f32 v59, v18  }
0x110: {  	v59 =	vld.idx.msk [tilespmem:v60+s15+$0x0], $0xffff;
	v60 =	vor.u32 v24, v1  }
0x111: {  	v18 =	vld.idx.msk [tilespmem:v52+s14+$0x0], $0xffff;
	v0 =	vadd.f32 v2, v0;
	v2 =	vmul.f32 v3, v19  }
0x112: {  	v3 =	vld.idx.msk [tilespmem:v52+s15+$0x0], $0xffff;
	v52 =	vor.u32 v25, v1  }
0x113: {  	v19 =	vld.idx.msk [tilespmem:v5+s14+$0x0], $0xffff;
	v0 =	vadd.f32 v2, v0;
	v2 =	vmul.f32 v4, v62  }
0x114: {  	v4 =	vld.idx.msk [tilespmem:v5+s15+$0x0], $0xffff;
	v5 =	vor.u32 v26, v1  }
0x115: {  	v62 =	vld.idx.msk [tilespmem:v60+s14+$0x0], $0xffff;
	v0 =	vadd.f32 v2, v0;
	v2 =	vmul.f32 v59, v63  }
0x116: {  	v59 =	vld.idx.msk [tilespmem:v60+s15+$0x0], $0xffff;
	v60 =	vor.u32 v27, v1  }
0x117: {  	v63 =	vld.idx.msk [tilespmem:v52+s14+$0x0], $0xffff;
	v0 =	vadd.f32 v2, v0;
	v2 =	vmul.f32 v3, v18  }
0x118: {  	v3 =	vld.idx.msk [tilespmem:v52+s15+$0x0], $0xffff;
	v52 =	vor.u32 v28, v1  }
0x119: {  	v18 =	vld.idx.msk [tilespmem:v5+s14+$0x0], $0xffff;
	v0 =	vadd.f32 v2, v0;
	v2 =	vmul.f32 v4, v19  }
0x11a: {  	v4 =	vld.idx.msk [tilespmem:v5+s15+$0x0], $0xffff;
	v5 =	vor.u32 v29, v1  }
0x11b: {  	v19 =	vld.idx.msk [tilespmem:v60+s14+$0x0], $0xffff;
	v0 =	vadd.f32 v2, v0;
	v2 =	vmul.f32 v59, v62  }
0x11c: {  	v59 =	vld.idx.msk [tilespmem:v60+s15+$0x0], $0xffff;
	v60 =	vor.u32 v30, v1  }
0x11d: {  	v62 =	vld.idx.msk [tilespmem:v52+s14+$0x0], $0xffff;
	v0 =	vadd.f32 v2, v0;
	v2 =	vmul.f32 v3, v63  }
0x11e: {  	v3 =	vld.idx.msk [tilespmem:v52+s15+$0x0], $0xffff;
	v52 =	vor.u32 v31, v1  }
0x11f: {  	v63 =	vld.idx.msk [tilespmem:v5+s14+$0x0], $0xffff;
	v0 =	vadd.f32 v2, v0;
	v2 =	vmul.f32 v4, v18  }
0x120: {  	v4 =	vld.idx.msk [tilespmem:v5+s15+$0x0], $0xffff;
	v5 =	vor.u32 v32, v1  }
0x121: {  	v18 =	vld.idx.msk [tilespmem:v60+s14+$0x0], $0xffff;
	v0 =	vadd.f32 v2, v0;
	v2 =	vmul.f32 v59, v19  }
0x122: {  	v59 =	vld.idx.msk [tilespmem:v60+s15+$0x0], $0xffff;
	v60 =	vor.u32 v33, v1  }
0x123: {  	v19 =	vld.idx.msk [tilespmem:v52+s14+$0x0], $0xffff;
	v0 =	vadd.f32 v2, v0;
	v2 =	vmul.f32 v3, v62  }
0x124: {  	v3 =	vld.idx.msk [tilespmem:v52+s15+$0x0], $0xffff;
	v52 =	vor.u32 v34, v1  }
0x125: {  	v62 =	vld.idx.msk [tilespmem:v5+s14+$0x0], $0xffff;
	v0 =	vadd.f32 v2, v0;
	v2 =	vmul.f32 v4, v63  }
0x126: {  	v4 =	vld.idx.msk [tilespmem:v5+s15+$0x0], $0xffff;
	v5 =	vor.u32 v35, v1  }
0x127: {  	v63 =	vld.idx.msk [tilespmem:v60+s14+$0x0], $0xffff;
	v0 =	vadd.f32 v2, v0;
	v2 =	vmul.f32 v59, v18  }
0x128: {  	v59 =	vld.idx.msk [tilespmem:v60+s15+$0x0], $0xffff;
	v60 =	vor.u32 v36, v1  }
0x129: {  	v18 =	vld.idx.msk [tilespmem:v52+s14+$0x0], $0xffff;
	v0 =	vadd.f32 v2, v0;
	v2 =	vmul.f32 v3, v19  }
0x12a: {  	v3 =	vld.idx.msk [tilespmem:v52+s15+$0x0], $0xffff;
	v52 =	vor.u32 v39, v1  }
0x12b: {  	v19 =	vld.idx.msk [tilespmem:v5+s14+$0x0], $0xffff;
	v0 =	vadd.f32 v2, v0;
	v2 =	vmul.f32 v4, v62  }
0x12c: {  	v4 =	vld.idx.msk [tilespmem:v5+s15+$0x0], $0xffff;
	v5 =	vor.u32 v42, v1  }
0x12d: {  	v62 =	vld.idx.msk [tilespmem:v60+s15+$0x0], $0xffff;
	v0 =	vadd.f32 v2, v0;
	v2 =	vmul.f32 v59, v63  }
0x12e: {  	v59 =	vld.idx.msk [tilespmem:v60+s14+$0x0], $0xffff;
	v60 =	vor.u32 v43, v1  }
0x12f: {  	v63 =	vld.idx.msk [tilespmem:v52+s15+$0x0], $0xffff;
	v0 =	vadd.f32 v2, v0;
	v2 =	vmul.f32 v3, v18  }
0x130: {  	v3 =	vld.idx.msk [tilespmem:v52+s14+$0x0], $0xffff;
	v52 =	vor.u32 v44, v1  }
0x131: {  	v18 =	vld.idx.msk [tilespmem:v5+s15+$0x0], $0xffff;
	v0 =	vadd.f32 v2, v0;
	v2 =	vmul.f32 v4, v19  }
0x132: {  	v4 =	vld.idx.msk [tilespmem:v5+s14+$0x0], $0xffff;
	v5 =	vor.u32 v45, v1  }
0x133: {  	v19 =	vld.idx.msk [tilespmem:v60+s15+$0x0], $0xffff;
	v0 =	vadd.f32 v2, v0;
	v2 =	vmul.f32 v62, v59  }
0x134: {  	v59 =	vld.idx.msk [tilespmem:v60+s14+$0x0], $0xffff;
	v60 =	vor.u32 v50, v1  }
0x135: {  	v62 =	vld.idx.msk [tilespmem:v52+s15+$0x0], $0xffff;
	v0 =	vadd.f32 v2, v0;
	v2 =	vmul.f32 v63, v3  }
0x136: {  	v3 =	vld.idx.msk [tilespmem:v52+s14+$0x0], $0xffff;
	v52 =	vor.u32 v53, v1  }
0x137: {  	v63 =	vld.idx.msk [tilespmem:v5+s15+$0x0], $0xffff;
	v0 =	vadd.f32 v2, v0;
	v2 =	vmul.f32 v18, v4  }
0x138: {  	v4 =	vld.idx.msk [tilespmem:v5+s14+$0x0], $0xffff;
	v5 =	vor.u32 v54, v1  }
0x139: {  	v18 =	vld.idx.msk [tilespmem:v60+s15+$0x0], $0xffff;
	v0 =	vadd.f32 v2, v0;
	v2 =	vmul.f32 v19, v59  }
0x13a: {  	v59 =	vld.idx.msk [tilespmem:v60+s14+$0x0], $0xffff;
	v60 =	vor.u32 v55, v1  }
0x13b: {  	v19 =	vld.idx.msk [tilespmem:v52+s15+$0x0], $0xffff;
	v0 =	vadd.f32 v2, v0;
	v2 =	vmul.f32 v62, v3  }
0x13c: {  	v3 =	vld.idx.msk [tilespmem:v52+s14+$0x0], $0xffff;
	v52 =	vor.u32 v56, v1  }
0x13d: {  	v62 =	vld.idx.msk [tilespmem:v5+s15+$0x0], $0xffff;
	v0 =	vadd.f32 v2, v0;
	v2 =	vmul.f32 v63, v4  }
0x13e: {  	v4 =	vld.idx.msk [tilespmem:v5+s14+$0x0], $0xffff;
	v5 =	vor.u32 v57, v1  }
0x13f: {  	v63 =	vld.idx.msk [tilespmem:v60+s15+$0x0], $0xffff;
	v0 =	vadd.f32 v2, v0;
	v2 =	vmul.f32 v18, v59  }
0x140: {  	v59 =	vld.idx.msk [tilespmem:v60+s14+$0x0], $0xffff;
	v60 =	vor.u32 v58, v1  }
0x141: {  	v18 =	vld.idx.msk [tilespmem:v52+s15+$0x0], $0xffff;
	v0 =	vadd.f32 v2, v0;
	v2 =	vmul.f32 v19, v3  }
0x142: {  	v3 =	vld.idx.msk [tilespmem:v52+s14+$0x0], $0xffff;
	v52 =	vor.u32 v37, v1  }
0x143: {  	v19 =	vld.idx.msk [tilespmem:v5+s15+$0x0], $0xffff;
	v0 =	vadd.f32 v2, v0;
	v2 =	vmul.f32 v62, v4  }
0x144: {  	v4 =	vld.idx.msk [tilespmem:v5+s14+$0x0], $0xffff;
	v5 =	vor.u32 v38, v1  }
0x145: {  	v62 =	vld.idx.msk [tilespmem:v60+s15+$0x0], $0xffff;
	v0 =	vadd.f32 v2, v0;
	v2 =	vmul.f32 v63, v59  }
0x146: {  	v59 =	vld.idx.msk [tilespmem:v60+s14+$0x0], $0xffff;
	v60 =	vor.u32 v40, v1  }
0x147: {  	v63 =	vld.idx.msk [tilespmem:v52+s15+$0x0], $0xffff;
	v0 =	vadd.f32 v2, v0;
	v2 =	vmul.f32 v18, v3  }
0x148: {  	v61 =	vor.u32 v41, v1;
	v3 =	vld.idx.msk [tilespmem:v52+s14+$0x0], $0xffff  }
0x149: {  	v52 =	vld.idx.msk [tilespmem:v5+s15+$0x0], $0xffff;
	v0 =	vadd.f32 v2, v0;
	v2 =	vmul.f32 v19, v4  }
0x14a: {  	v4 =	vld.idx.msk [tilespmem:v5+s14+$0x0], $0xffff;
	v5 =	vor.u32 v48, v1  }
0x14b: {  	v19 =	vld.idx.msk [tilespmem:v60+s15+$0x0], $0xffff;
	v0 =	vadd.f32 v2, v0;
	v2 =	vmul.f32 v62, v59  }
0x14c: {  	v59 =	vld.idx.msk [tilespmem:v60+s14+$0x0], $0xffff;
	v60 =	vor.u32 v16, v1  }
0x14d: {  	v62 =	vld.idx.msk [tilespmem:v61+s15+$0x0], $0xffff;
	v0 =	vadd.f32 v2, v0;
	v2 =	vmul.f32 v63, v3  }
0x14e: {  	v3 =	vld.idx.msk [tilespmem:v61+s14+$0x0], $0xffff;
	v61 =	vor.u32 v21, v1  }
0x14f: {  	v63 =	vld.idx.msk [tilespmem:v5+s15+$0x0], $0xffff;
	v0 =	vadd.f32 v2, v0;
	v2 =	vmul.f32 v52, v4  }
0x150: {  	v4 =	vld.idx.msk [tilespmem:v5+s14+$0x0], $0xffff  }
0x151: {  	v52 =	vld.idx.msk [tilespmem:v60+s15+$0x0], $0xffff;
	v0 =	vadd.f32 v2, v0;
	v2 =	vmul.f32 v19, v59  }
0x152: {  	v59 =	vld.idx.msk [tilespmem:v60+s14+$0x0], $0xffff  }
0x153: {  	v18 =	vld.idx.msk [tilespmem:v61+s15+$0x0], $0xffff;
	v0 =	vadd.f32 v2, v0;
	v2 =	vmul.f32 v62, v3  }
0x154: {  	v62 =	vld [tilespmem:$0x1FF20]  }
0x155: {  	v5 =	vor.u32 v6, v1;
	v0 =	vadd.f32 v2, v0;
	v2 =	vmul.f32 v63, v4  }
0x156: {  	v20 =	vld [tilespmem:$0x1FF30]  }
0x157: {  	v16 =	vld [tilespmem:$0x1FF50];
	v60 =	vor.u32 v17, v1;
	v0 =	vadd.f32 v2, v0;
	v2 =	vmul.f32 v52, v59  }
0x158: {  	v3 =	vld.idx.msk [tilespmem:v61+s14+$0x0], $0xffff;
	[tilespmem:$0x1F890] =	vst v18  }
0x159: {  	v61 =	vor.u32 v62, v1;
	v0 =	vadd.f32 v2, v0;
	v2 =	vld [tilespmem:$0x1F890]  }
0x15a: {  	v4 =	vld.idx.msk [tilespmem:v5+s14+$0x0], $0xffff  }
0x15b: {  	v62 =	vld.idx.msk [tilespmem:v5+s15+$0x0], $0xffff;
	v5 =	vor.u32 v20, v1  }
0x15c: {  	v63 =	vld.idx.msk [tilespmem:v60+s15+$0x0], $0xffff  }
0x15d: {  	v59 =	vld.idx.msk [tilespmem:v60+s14+$0x0], $0xffff  }
0x15e: {  	v19 =	vld.idx.msk [tilespmem:v61+s15+$0x0], $0xffff;
	v2 =	vmul.f32 v2, v3  }
0x15f: {  	v3 =	vld.idx.msk [tilespmem:v61+s14+$0x0], $0xffff  }
0x160: {  	v61 =	vor.u32 v16, v1;
	v16 =	vld.idx.msk [tilespmem:v5+s15+$0x0], $0xffff;
	v0 =	vadd.f32 v2, v0;
	v2 =	vmul.f32 v62, v4  }
0x161: {  	v52 =	vld [tilespmem:$0x1FF60]  }
0x162: {  	v6 =	vld [tilespmem:$0x1FEE0];
	v0 =	vadd.f32 v2, v0;
	v2 =	vmul.f32 v63, v59  }
0x163: {  	v17 =	vld [tilespmem:$0x1FED0]  }
0x164: {  	v4 =	vld.idx.msk [tilespmem:v5+s14+$0x0], $0xffff;
	v0 =	vadd.f32 v2, v0;
	v2 =	vmul.f32 v19, v3  }
0x165: {  	[tilespmem:$0x1F8A0] =	vst v16;
	v16 =	vld.idx.msk [tilespmem:v61+s15+$0x0], $0xffff  }
0x166: {  	v5 =	vor.u32 v52, v1;
	v0 =	vadd.f32 v2, v0;
	v2 =	vld [tilespmem:$0x1F8A0];
	_ =	sdelay $0x3  }
0x167: {  	[tilespmem:$0x1F8B0] =	vst v16;
	v16 =	vsel vm0, v6, v17;
	v6 =	vld [tilespmem:$0x1FEC0]  }
0x168: {  	v63 =	vor.u32 v47, v1;
	v2 =	vmul.f32 v2, v4;
	v4 =	vld.idx.msk [tilespmem:v5+s14+$0x0], $0xffff;
	_ =	sdelay $0x2  }
0x169: {  	v62 =	vld.idx.msk [tilespmem:v61+s14+$0x0], $0xffff  }
0x16a: {  	v61 =	vcombine.low v6, v16;
	v6 =	vld.idx.msk [tilespmem:v5+s15+$0x0], $0xffff  }
0x16b: {  	[tilespmem:$0x1F8D0] =	vst v4;
	v4 =	vld.idx.msk [tilespmem:v63+s15+$0x0], $0xffff;
	_ =	sdelay $0x2  }
0x16c: {  	v60 =	vld [tilespmem:$0x1FF40]  }
0x16d: {  	[tilespmem:$0x1F8C0] =	vst v6;
	v6 =	vld [tilespmem:$0x1FE40]  }
0x16e: {  	[tilespmem:$0x1F8E0] =	vst v4;
	v4 =	vld [tilespmem:$0x1FE30];
	_ =	sdelay $0x2  }
0x16f: {  	v60 =	vor.u32 v60, v1;
	_ =	sdelay $0x1  }
0x170: {  	v59 =	vsel vm0, v6, v4;
	v4 =	vld.idx.msk [tilespmem:v63+s14+$0x0], $0xffff;
	_ =	sdelay $0x2  }
0x171: {  	v18 =	vld.idx.msk [tilespmem:v60+s15+$0x0], $0xffff  }
0x172: {  	v60 =	vld.idx.msk [tilespmem:v60+s14+$0x0], $0xffff  }
0x173: {  	v3 =	vor.u32 v46, v1;
	[tilespmem:$0x1F8F0] =	vst v4;
	v4 =	vld [tilespmem:$0x1FE80];
	_ =	sdelay $0x3  }
0x174: {  	v0 =	vadd.f32 v2, v0;
	v2 =	vmul.f32 v18, v60  }
0x175: {  	v19 =	vmov v16;
	v16 =	vcombine.low v59, v4;
	v4 =	vld.idx.msk [tilespmem:v3+s15+$0x0], $0xffff  }
0x176: {  	v60 =	vadd.f32 v2, v0;
	v2 =	vld.idx.msk [tilespmem:v3+s14+$0x0], $0xffff;
	_ =	sdelay $0x2  }
0x177: {  	v6 =	vld [tilespmem:$0x1FE60]  }
0x178: {  	[tilespmem:$0x1F900] =	vst v4;
	v4 =	vld [tilespmem:$0x1FE50]  }
0x179: {  	[tilespmem:$0x1F910] =	vst v2;
	v2 =	vld [tilespmem:$0x1FE90];
	_ =	sdelay $0x3  }
0x17a: {  	v59 =	vsel vm0, v6, v4  }
0x17b: {  	v5 =	vor.u32 v61, v1;
	v3 =	vcombine.low v59, v2;
	v2 =	vld [tilespmem:$0x1FEB0];
	_ =	sdelay $0x1  }
0x17c: {  	v0 =	vld [tilespmem:$0x1F8B0];
	_ =	sdelay $0x2  }
0x17d: {  	v59 =	vsel vm0, v17, v2;
	v2 =	vld.idx.msk [tilespmem:v5+s15+$0x0], $0xffff;
	_ =	sdelay $0x1  }
0x17e: {  	v0 =	vmul.f32 v0, v62;
	_ =	sdelay $0x1  }
0x17f: {  	v4 =	vadd.f32 v0, v60;
	v0 =	vld [tilespmem:$0x1F8C0]  }
0x180: {  	[tilespmem:$0x1F920] =	vst v2;
	v2 =	vld [tilespmem:$0x1F8D0];
	_ =	sdelay $0x4  }
0x181: {  	v60 =	vmul.f32 v0, v2;
	v0 =	vld [tilespmem:$0x1FEF0];
	_ =	sdelay $0x3  }
0x182: {  	[tilespmem:$0x1FD20] =	vst v16;
	v2 =	vld [tilespmem:$0x1FEA0]  }
0x183: {  	v62 =	vor.u32 v16, v1;
	[tilespmem:$0x1FD50] =	vst v3;
	v16 =	vcombine.low v59, v0;
	v0 =	vor.u32 v3, v1;
	v3 =	vld [tilespmem:$0x1FE70];
	_ =	sdelay $0x2  }
0x184: {  	v59 =	vld.idx.msk [tilespmem:v5+s14+$0x0], $0xffff  }
0x185: {  	v5 =	vld [tilespmem:$0x1F8F0]  }
0x186: {  	v2 =	vsel vm0, v2, v3;
	v3 =	vld [tilespmem:$0x1F8E0];
	_ =	sdelay $0x3  }
0x187: {  	v18 =	vor.u32 v49, v1  }
0x188: {  	v17 =	vmov v18;
	v3 =	vmul.f32 v3, v5;
	v5 =	vld [tilespmem:$0x1FF00];
	_ =	sdelay $0x4  }
0x189: {  	v6 =	vcombine.low v2, v5;
	v5 =	vld.idx.msk [tilespmem:v17+s14+$0x0], $0xffff;
	_ =	sdelay $0x2  }
0x18a: {  	v4 =	vadd.f32 v60, v4;
	_ =	sdelay $0x1  }
0x18b: {  	[tilespmem:$0x1F940] =	vst v5;
	v5 =	vadd.f32 v3, v4;
	v3 =	vld [tilespmem:$0x1F900]  }
0x18c: {  	v4 =	vld [tilespmem:$0x1F910];
	_ =	sdelay $0x2  }
0x18d: {  	v63 =	vld.idx.msk [tilespmem:v62+s15+$0x0], $0xffff  }
0x18e: {  	v17 =	vld.idx.msk [tilespmem:v62+s14+$0x0], $0xffff  }
0x18f: {  	v62 =	vld.idx.msk [tilespmem:v0+s14+$0x0], $0xffff;
	v4 =	vmul.f32 v3, v4  }
0x190: {  	v0 =	vld.idx.msk [tilespmem:v0+s15+$0x0], $0xffff  }
0x191: {  	v4 =	vadd.f32 v4, v5;
	_ =	sdelay $0x1  }
0x192: {  	[tilespmem:$0x1F930] =	vst v4;
	v4 =	vld [tilespmem:$0x1F920];
	_ =	sdelay $0x1  }
0x193: {  	[tilespmem:$0x1F960] =	vst v0;
	v0 =	vld [tilespmem:$0x1F930];
	_ =	sdelay $0x2  }
0x194: {  	v5 =	vmul.f32 v4, v59;
	_ =	sdelay $0x1  }
0x195: {  	v0 =	vadd.f32 v5, v0  }
0x196: {  	v18 =	vld.idx.msk [tilespmem:v18+s15+$0x0], $0xffff  }
0x197: {  	[tilespmem:$0x1F950] =	vst v0;
	v0 =	vld [tilespmem:$0x1F940]  }
0x198: {  	v2 =	vor.u32 v16, v1;
	_ =	sdelay $0x2  }
0x199: {  	v59 =	vld [tilespmem:$0x1F950]  }
0x19a: {  	v5 =	vmul.f32 v18, v0;
	v0 =	vld [tilespmem:$0x1FF10]  }
0x19b: {  	v60 =	vmov v21;
	v21 =	vld.idx.msk [tilespmem:v2+s14+$0x0], $0xffff;
	v3 =	vor.u32 v6, v1  }
0x19c: {  	v4 =	vld [tilespmem:$0x1FF80]  }
0x19d: {  	v18 =	vld.idx.msk [tilespmem:v2+s15+$0x0], $0xffff  }
0x19e: {  	v2 =	vld [tilespmem:$0x1FF90]  }
0x19f: {  	[tilespmem:$0x1FCD0] =	vst v61;
	v61 =	vcombine.low v19, v0;
	v19 =	vadd.f32 v5, v59;
	v5 =	vmul.f32 v63, v17  }
0x1a0: {  	v0 =	vld.idx.msk [tilespmem:v3+s15+$0x0], $0xffff  }
0x1a1: {  	v4 =	vor.u32 v4, v1;
	v19 =	vadd.f32 v5, v19;
	v5 =	vld [tilespmem:$0x1F960]  }
0x1a2: {  	v63 =	vld.idx.msk [tilespmem:v3+s14+$0x0], $0xffff  }
0x1a3: {  	v2 =	vor.u32 v2, v1;
	_ =	sdelay $0x2  }
0x1a4: {  	v17 =	vld.idx.msk [tilespmem:v4+s15+$0x0], $0xffff;
	v18 =	vmul.f32 v18, v21;
	v5 =	vmul.f32 v5, v62  }
0x1a5: {  	v4 =	vld.idx.msk [tilespmem:v4+s14+$0x0], $0xffff;
	v0 =	vmul.f32 v0, v63  }
0x1a6: {  	[tilespmem:$0x1F970] =	vst v18;
	v59 =	vld.idx.msk [tilespmem:v2+s15+$0x0], $0xffff;
	v5 =	vadd.f32 v5, v19  }
0x1a7: {  	v21 =	vld.idx.msk [tilespmem:v2+s14+$0x0], $0xffff;
	[tilespmem:$0x1F9A0] =	vst v0  }
0x1a8: {  	v0 =	vld [tilespmem:$0x1F970];
	[tilespmem:$0x1F980] =	vst v5  }
0x1a9: {  	v2 =	vld [tilespmem:$0x1F980];
	_ =	sdelay $0x1  }
0x1aa: {  	v3 =	vor.u32 v61, v1;
	[tilespmem:$0x1F990] =	vst v4;
	v4 =	vld [tilespmem:$0x1FFA0];
	_ =	sdelay $0x2  }
0x1ab: {  	v0 =	vadd.f32 v0, v2;
	_ =	sdelay $0x1  }
0x1ac: {  	v4 =	vor.u32 v4, v1;
	[tilespmem:$0x1F9B0] =	vst v0;
	v0 =	vld.idx.msk [tilespmem:v3+s14+$0x0], $0xffff  }
0x1ad: {  	v19 =	vld.idx.msk [tilespmem:v3+s15+$0x0], $0xffff  }
0x1ae: {  	v3 =	vld [tilespmem:$0x1F990]  }
0x1af: {  	v63 =	vld [tilespmem:$0x1FFC0]  }
0x1b0: {  	v62 =	vld [tilespmem:$0x1FFB0]  }
0x1b1: {  	[tilespmem:$0x1F9D0] =	vst v0;
	v0 =	vld.idx.msk [tilespmem:v4+s15+$0x0], $0xffff  }
0x1b2: {  	v4 =	vld.idx.msk [tilespmem:v4+s14+$0x0], $0xffff  }
0x1b3: {  	v3 =	vmul.f32 v17, v3  }
0x1b4: {  	v17 =	vld [tilespmem:$0x1F9B0]  }
0x1b5: {  	v2 =	vor.u32 v63, v1;
	[tilespmem:$0x1F9C0] =	vst v3;
	v3 =	vld [tilespmem:$0x1F9A0]  }
0x1b6: {  	v5 =	vor.u32 v62, v1  }
0x1b7: {  	[tilespmem:$0x1F9E0] =	vst v4;
	v4 =	vmul.f32 v59, v21;
	v59 =	vld [tilespmem:$0x1F9C0];
	_ =	sdelay $0x2  }
0x1b8: {  	v18 =	vld.idx.msk [tilespmem:v2+s15+$0x0], $0xffff;
	v3 =	vadd.f32 v3, v17  }
0x1b9: {  	v21 =	vld.idx.msk [tilespmem:v5+s14+$0x0], $0xffff  }
0x1ba: {  	v17 =	vld.idx.msk [tilespmem:v5+s15+$0x0], $0xffff;
	v3 =	vadd.f32 v59, v3  }
0x1bb: {  	v5 =	vld [tilespmem:$0x1F9D0]  }
0x1bc: {  	v3 =	vadd.f32 v4, v3;
	v4 =	vld.idx.msk [tilespmem:v2+s14+$0x0], $0xffff  }
0x1bd: {  	v1 =	vor.u32 v51, v1;
	v2 =	vld [tilespmem:$0x1F9E0];
	_ =	sdelay $0x2  }
0x1be: {  	v5 =	vmul.f32 v19, v5;
	_ =	sdelay $0x1  }
0x1bf: {  	v59 =	vld.idx.msk [tilespmem:v1+s15+$0x0], $0xffff;
	v3 =	vadd.f32 v5, v3;
	v2 =	vmul.f32 v0, v2  }
0x1c0: {  	v5 =	vld.idx.msk [tilespmem:v1+s14+$0x0], $0xffff  }
0x1c1: {  	s31 =	simm.s32 $0x10;
	v1 =	vmul.f32 v17, v21;
	v2 =	vadd.f32 v2, v3  }
0x1c2: {  	v3 =	vmov s31  }
0x1c3: {  	v4 =	vmul.f32 v18, v4;
	v3 =	vshll.u32 v3, $0x7;
	v2 =	vadd.f32 v1, v2  }
0x1c4: {  	v1 =	vor.u32 v8, v3  }
0x1c5: {  	v3 =	vmul.f32 v59, v5;
	v5 =	vor.u32 v7, v1;
	v2 =	vadd.f32 v4, v2;
	_ =	sdelay $0x1  }
0x1c6: {  	v2 =	vadd.f32 v3, v2  }
0x1c7: {  	s1 =	rddreg [dreg:$0x16]  }
0x1c8: {  	v4 =	vor.u32 v9, v1;
	[tilespmem:s1+$0x0] =	vst v2  }
0x1c9: {  	v18 =	vld.idx.msk [tilespmem:v5+s14+$0x0], $0xffff  }
0x1ca: {  	v5 =	vld.idx.msk [tilespmem:v5+s15+$0x0], $0xffff;
	_ =	sdelay $0x2  }
0x1cb: {  	v0 =	vld.idx.msk [tilespmem:v4+s15+$0x0], $0xffff;
	_ =	sdelay $0x1  }
0x1cc: {  	v5 =	vmul.f32 v5, v18  }
0x1cd: {  	v3 =	vor.u32 v10, v1  }
0x1ce: {  	v2 =	vor.u32 v11, v1;
	v5 =	vadd.f32 $0.0e+00, v5  }
0x1cf: {  	v59 =	vld.idx.msk [tilespmem:v4+s14+$0x0], $0xffff;
	[tilespmem:$0x1F9F0] =	vst v0  }
0x1d0: {  	[tilespmem:$0x1FA00] =	vst v5;
	v5 =	vld [tilespmem:$0x1F9F0];
	_ =	sdelay $0x1  }
0x1d1: {  	v21 =	vld.idx.msk [tilespmem:v3+s15+$0x0], $0xffff  }
0x1d2: {  	v17 =	vld.idx.msk [tilespmem:v2+s14+$0x0], $0xffff  }
0x1d3: {  	v0 =	vld.idx.msk [tilespmem:v3+s14+$0x0], $0xffff  }
0x1d4: {  	v5 =	vmul.f32 v5, v59;
	v59 =	vld [tilespmem:$0x1FA00]  }
0x1d5: {  	v4 =	vor.u32 v12, v1;
	v2 =	vld.idx.msk [tilespmem:v2+s15+$0x0], $0xffff;
	_ =	sdelay $0x3  }
0x1d6: {  	v59 =	vadd.f32 v5, v59;
	v5 =	vmul.f32 v21, v0  }
0x1d7: {  	v18 =	vld.idx.msk [tilespmem:v4+s14+$0x0], $0xffff;
	[tilespmem:$0x1FA10] =	vst v2  }
0x1d8: {  	v0 =	vadd.f32 v5, v59;
	v5 =	vld [tilespmem:$0x1FA10]  }
0x1d9: {  	v3 =	vor.u32 v13, v1;
	v4 =	vld.idx.msk [tilespmem:v4+s15+$0x0], $0xffff;
	_ =	sdelay $0x3  }
0x1da: {  	v5 =	vmul.f32 v5, v17  }
0x1db: {  	[tilespmem:$0x1FA20] =	vst v4;
	v19 =	vld.idx.msk [tilespmem:v3+s14+$0x0], $0xffff  }
0x1dc: {  	v2 =	vor.u32 v14, v1;
	v0 =	vadd.f32 v5, v0;
	v5 =	vld [tilespmem:$0x1FA20]  }
0x1dd: {  	v3 =	vld.idx.msk [tilespmem:v3+s15+$0x0], $0xffff;
	_ =	sdelay $0x3  }
0x1de: {  	v21 =	vld.idx.msk [tilespmem:v2+s14+$0x0], $0xffff;
	v5 =	vmul.f32 v5, v18  }
0x1df: {  	[tilespmem:$0x1FA30] =	vst v3;
	v2 =	vld.idx.msk [tilespmem:v2+s15+$0x0], $0xffff  }
0x1e0: {  	v4 =	vor.u32 v15, v1;
	v0 =	vadd.f32 v5, v0;
	v5 =	vld [tilespmem:$0x1FA30];
	_ =	sdelay $0x3  }
0x1e1: {  	[tilespmem:$0x1FA40] =	vst v21  }
0x1e2: {  	[tilespmem:$0x1FA50] =	vst v2;
	v21 =	vld.idx.msk [tilespmem:v4+s14+$0x0], $0xffff;
	v5 =	vmul.f32 v5, v19  }
0x1e3: {  	v17 =	vld [tilespmem:$0x1FA50]  }
0x1e4: {  	v0 =	vadd.f32 v5, v0;
	v5 =	vld [tilespmem:$0x1FA40]  }
0x1e5: {  	v3 =	vor.u32 v22, v1;
	v4 =	vld.idx.msk [tilespmem:v4+s15+$0x0], $0xffff;
	_ =	sdelay $0x3  }
0x1e6: {  	v5 =	vmul.f32 v17, v5  }
0x1e7: {  	[tilespmem:$0x1FA60] =	vst v4;
	v18 =	vld.idx.msk [tilespmem:v3+s14+$0x0], $0xffff  }
0x1e8: {  	v0 =	vadd.f32 v5, v0;
	v5 =	vld [tilespmem:$0x1FA60]  }
0x1e9: {  	v2 =	vor.u32 v23, v1;
	v3 =	vld.idx.msk [tilespmem:v3+s15+$0x0], $0xffff;
	_ =	sdelay $0x3  }
0x1ea: {  	v5 =	vmul.f32 v5, v21  }
0x1eb: {  	v59 =	vld.idx.msk [tilespmem:v2+s14+$0x0], $0xffff;
	[tilespmem:$0x1FA70] =	vst v3  }
0x1ec: {  	v4 =	vor.u32 v24, v1;
	v0 =	vadd.f32 v5, v0;
	v5 =	vld [tilespmem:$0x1FA70]  }
0x1ed: {  	v2 =	vld.idx.msk [tilespmem:v2+s15+$0x0], $0xffff;
	_ =	sdelay $0x3  }
0x1ee: {  	v17 =	vld.idx.msk [tilespmem:v4+s14+$0x0], $0xffff;
	v5 =	vmul.f32 v5, v18  }
0x1ef: {  	[tilespmem:$0x1FA80] =	vst v2;
	v4 =	vld.idx.msk [tilespmem:v4+s15+$0x0], $0xffff  }
0x1f0: {  	v3 =	vor.u32 v25, v1;
	v0 =	vadd.f32 v5, v0;
	v5 =	vld [tilespmem:$0x1FA80];
	_ =	sdelay $0x3  }
0x1f1: {  	[tilespmem:$0x1FA90] =	vst v17  }
0x1f2: {  	[tilespmem:$0x1FAA0] =	vst v4;
	v17 =	vld.idx.msk [tilespmem:v3+s14+$0x0], $0xffff;
	v5 =	vmul.f32 v5, v59  }
0x1f3: {  	v21 =	vld [tilespmem:$0x1FAA0]  }
0x1f4: {  	v0 =	vadd.f32 v5, v0;
	v5 =	vld [tilespmem:$0x1FA90]  }
0x1f5: {  	v2 =	vor.u32 v26, v1;
	v3 =	vld.idx.msk [tilespmem:v3+s15+$0x0], $0xffff;
	_ =	sdelay $0x3  }
0x1f6: {  	v5 =	vmul.f32 v21, v5  }
0x1f7: {  	[tilespmem:$0x1FAB0] =	vst v3;
	v18 =	vld.idx.msk [tilespmem:v2+s14+$0x0], $0xffff  }
0x1f8: {  	v0 =	vadd.f32 v5, v0;
	v5 =	vld [tilespmem:$0x1FAB0]  }
0x1f9: {  	v4 =	vor.u32 v27, v1;
	v2 =	vld.idx.msk [tilespmem:v2+s15+$0x0], $0xffff;
	_ =	sdelay $0x3  }
0x1fa: {  	v5 =	vmul.f32 v5, v17  }
0x1fb: {  	[tilespmem:$0x1FAC0] =	vst v2;
	v59 =	vld.idx.msk [tilespmem:v4+s14+$0x0], $0xffff  }
0x1fc: {  	v0 =	vadd.f32 v5, v0;
	v5 =	vld [tilespmem:$0x1FAC0]  }
0x1fd: {  	v3 =	vor.u32 v28, v1;
	v4 =	vld.idx.msk [tilespmem:v4+s15+$0x0], $0xffff;
	_ =	sdelay $0x3  }
0x1fe: {  	v5 =	vmul.f32 v5, v18  }
0x1ff: {  	[tilespmem:$0x1FAD0] =	vst v4;
	v21 =	vld.idx.msk [tilespmem:v3+s14+$0x0], $0xffff  }
0x200: {  	v0 =	vadd.f32 v5, v0;
	v5 =	vld [tilespmem:$0x1FAD0]  }
0x201: {  	v2 =	vor.u32 v29, v1;
	v3 =	vld.idx.msk [tilespmem:v3+s15+$0x0], $0xffff;
	_ =	sdelay $0x3  }
0x202: {  	v5 =	vmul.f32 v5, v59  }
0x203: {  	[tilespmem:$0x1FAE0] =	vst v3;
	v17 =	vld.idx.msk [tilespmem:v2+s14+$0x0], $0xffff  }
0x204: {  	v0 =	vadd.f32 v5, v0;
	v5 =	vld [tilespmem:$0x1FAE0]  }
0x205: {  	v4 =	vor.u32 v30, v1;
	v2 =	vld.idx.msk [tilespmem:v2+s15+$0x0], $0xffff;
	_ =	sdelay $0x3  }
0x206: {  	v5 =	vmul.f32 v5, v21  }
0x207: {  	[tilespmem:$0x1FAF0] =	vst v2;
	v18 =	vld.idx.msk [tilespmem:v4+s14+$0x0], $0xffff  }
0x208: {  	v0 =	vadd.f32 v5, v0;
	v5 =	vld [tilespmem:$0x1FAF0]  }
0x209: {  	v3 =	vor.u32 v31, v1;
	v4 =	vld.idx.msk [tilespmem:v4+s15+$0x0], $0xffff;
	_ =	sdelay $0x3  }
0x20a: {  	v5 =	vmul.f32 v5, v17  }
0x20b: {  	[tilespmem:$0x1FB00] =	vst v4;
	v59 =	vld.idx.msk [tilespmem:v3+s14+$0x0], $0xffff  }
0x20c: {  	v0 =	vadd.f32 v5, v0;
	v5 =	vld [tilespmem:$0x1FB00]  }
0x20d: {  	v2 =	vor.u32 v32, v1;
	v3 =	vld.idx.msk [tilespmem:v3+s15+$0x0], $0xffff;
	_ =	sdelay $0x3  }
0x20e: {  	v5 =	vmul.f32 v5, v18  }
0x20f: {  	[tilespmem:$0x1FB10] =	vst v3;
	v21 =	vld.idx.msk [tilespmem:v2+s14+$0x0], $0xffff  }
0x210: {  	v0 =	vadd.f32 v5, v0;
	v5 =	vld [tilespmem:$0x1FB10]  }
0x211: {  	v4 =	vor.u32 v33, v1;
	v2 =	vld.idx.msk [tilespmem:v2+s15+$0x0], $0xffff;
	_ =	sdelay $0x3  }
0x212: {  	v5 =	vmul.f32 v5, v59  }
0x213: {  	[tilespmem:$0x1FB20] =	vst v2;
	v17 =	vld.idx.msk [tilespmem:v4+s14+$0x0], $0xffff  }
0x214: {  	v0 =	vadd.f32 v5, v0;
	v5 =	vld [tilespmem:$0x1FB20]  }
0x215: {  	v3 =	vor.u32 v34, v1;
	v4 =	vld.idx.msk [tilespmem:v4+s15+$0x0], $0xffff;
	_ =	sdelay $0x3  }
0x216: {  	v5 =	vmul.f32 v5, v21  }
0x217: {  	[tilespmem:$0x1FB30] =	vst v4;
	v18 =	vld.idx.msk [tilespmem:v3+s14+$0x0], $0xffff  }
0x218: {  	v0 =	vadd.f32 v5, v0;
	v5 =	vld [tilespmem:$0x1FB30]  }
0x219: {  	v2 =	vor.u32 v35, v1;
	v3 =	vld.idx.msk [tilespmem:v3+s15+$0x0], $0xffff;
	_ =	sdelay $0x3  }
0x21a: {  	v5 =	vmul.f32 v5, v17  }
0x21b: {  	[tilespmem:$0x1FB40] =	vst v3;
	v59 =	vld.idx.msk [tilespmem:v2+s14+$0x0], $0xffff  }
0x21c: {  	v0 =	vadd.f32 v5, v0;
	v5 =	vld [tilespmem:$0x1FB40]  }
0x21d: {  	v4 =	vor.u32 v36, v1;
	v2 =	vld.idx.msk [tilespmem:v2+s15+$0x0], $0xffff;
	_ =	sdelay $0x3  }
0x21e: {  	v5 =	vmul.f32 v5, v18  }
0x21f: {  	[tilespmem:$0x1FB50] =	vst v2;
	v21 =	vld.idx.msk [tilespmem:v4+s15+$0x0], $0xffff  }
0x220: {  	v0 =	vadd.f32 v5, v0;
	v5 =	vld [tilespmem:$0x1FB50]  }
0x221: {  	v3 =	vor.u32 v39, v1;
	v4 =	vld.idx.msk [tilespmem:v4+s14+$0x0], $0xffff;
	_ =	sdelay $0x3  }
0x222: {  	v5 =	vmul.f32 v5, v59  }
0x223: {  	[tilespmem:$0x1FB60] =	vst v4;
	v17 =	vld.idx.msk [tilespmem:v3+s15+$0x0], $0xffff  }
0x224: {  	v0 =	vadd.f32 v5, v0;
	v5 =	vld [tilespmem:$0x1FB60]  }
0x225: {  	v2 =	vor.u32 v42, v1;
	v3 =	vld.idx.msk [tilespmem:v3+s14+$0x0], $0xffff;
	_ =	sdelay $0x3  }
0x226: {  	v5 =	vmul.f32 v21, v5  }
0x227: {  	[tilespmem:$0x1FB70] =	vst v3;
	v18 =	vld.idx.msk [tilespmem:v2+s15+$0x0], $0xffff  }
0x228: {  	v0 =	vadd.f32 v5, v0;
	v5 =	vld [tilespmem:$0x1FB70]  }
0x229: {  	v4 =	vor.u32 v43, v1;
	v2 =	vld.idx.msk [tilespmem:v2+s14+$0x0], $0xffff;
	_ =	sdelay $0x3  }
0x22a: {  	v5 =	vmul.f32 v17, v5  }
0x22b: {  	[tilespmem:$0x1FB80] =	vst v2;
	v59 =	vld.idx.msk [tilespmem:v4+s15+$0x0], $0xffff  }
0x22c: {  	v0 =	vadd.f32 v5, v0;
	v5 =	vld [tilespmem:$0x1FB80]  }
0x22d: {  	v3 =	vor.u32 v44, v1;
	v4 =	vld.idx.msk [tilespmem:v4+s14+$0x0], $0xffff;
	_ =	sdelay $0x3  }
0x22e: {  	v5 =	vmul.f32 v18, v5  }
0x22f: {  	[tilespmem:$0x1FB90] =	vst v4;
	v21 =	vld.idx.msk [tilespmem:v3+s15+$0x0], $0xffff  }
0x230: {  	v0 =	vadd.f32 v5, v0;
	v5 =	vld [tilespmem:$0x1FB90]  }
0x231: {  	v2 =	vor.u32 v45, v1;
	v3 =	vld.idx.msk [tilespmem:v3+s14+$0x0], $0xffff;
	_ =	sdelay $0x3  }
0x232: {  	v5 =	vmul.f32 v59, v5  }
0x233: {  	[tilespmem:$0x1FBA0] =	vst v3;
	v17 =	vld.idx.msk [tilespmem:v2+s15+$0x0], $0xffff  }
0x234: {  	v0 =	vadd.f32 v5, v0;
	v5 =	vld [tilespmem:$0x1FBA0]  }
0x235: {  	v4 =	vor.u32 v50, v1;
	v2 =	vld.idx.msk [tilespmem:v2+s14+$0x0], $0xffff;
	_ =	sdelay $0x3  }
0x236: {  	v5 =	vmul.f32 v21, v5  }
0x237: {  	[tilespmem:$0x1FBB0] =	vst v2;
	v18 =	vld.idx.msk [tilespmem:v4+s15+$0x0], $0xffff  }
0x238: {  	v0 =	vadd.f32 v5, v0;
	v5 =	vld [tilespmem:$0x1FBB0]  }
0x239: {  	v3 =	vor.u32 v53, v1;
	v4 =	vld.idx.msk [tilespmem:v4+s14+$0x0], $0xffff;
	_ =	sdelay $0x3  }
0x23a: {  	v5 =	vmul.f32 v17, v5  }
0x23b: {  	[tilespmem:$0x1FBC0] =	vst v4;
	v59 =	vld.idx.msk [tilespmem:v3+s15+$0x0], $0xffff  }
0x23c: {  	v0 =	vadd.f32 v5, v0;
	v5 =	vld [tilespmem:$0x1FBC0]  }
0x23d: {  	v2 =	vor.u32 v54, v1;
	v3 =	vld.idx.msk [tilespmem:v3+s14+$0x0], $0xffff;
	_ =	sdelay $0x3  }
0x23e: {  	v5 =	vmul.f32 v18, v5  }
0x23f: {  	[tilespmem:$0x1FBD0] =	vst v3;
	v21 =	vld.idx.msk [tilespmem:v2+s15+$0x0], $0xffff  }
0x240: {  	v0 =	vadd.f32 v5, v0;
	v5 =	vld [tilespmem:$0x1FBD0]  }
0x241: {  	v4 =	vor.u32 v55, v1;
	v2 =	vld.idx.msk [tilespmem:v2+s14+$0x0], $0xffff;
	_ =	sdelay $0x3  }
0x242: {  	v5 =	vmul.f32 v59, v5  }
0x243: {  	[tilespmem:$0x1FBE0] =	vst v2;
	v17 =	vld.idx.msk [tilespmem:v4+s15+$0x0], $0xffff  }
0x244: {  	v0 =	vadd.f32 v5, v0;
	v5 =	vld [tilespmem:$0x1FBE0]  }
0x245: {  	v3 =	vor.u32 v56, v1;
	v4 =	vld.idx.msk [tilespmem:v4+s14+$0x0], $0xffff;
	_ =	sdelay $0x3  }
0x246: {  	v5 =	vmul.f32 v21, v5  }
0x247: {  	[tilespmem:$0x1FBF0] =	vst v4;
	v18 =	vld.idx.msk [tilespmem:v3+s15+$0x0], $0xffff  }
0x248: {  	v0 =	vadd.f32 v5, v0;
	v5 =	vld [tilespmem:$0x1FBF0]  }
0x249: {  	v2 =	vor.u32 v57, v1;
	v3 =	vld.idx.msk [tilespmem:v3+s14+$0x0], $0xffff;
	_ =	sdelay $0x3  }
0x24a: {  	v5 =	vmul.f32 v17, v5  }
0x24b: {  	[tilespmem:$0x1FC00] =	vst v3;
	v59 =	vld.idx.msk [tilespmem:v2+s15+$0x0], $0xffff  }
0x24c: {  	v0 =	vadd.f32 v5, v0;
	v5 =	vld [tilespmem:$0x1FC00]  }
0x24d: {  	v4 =	vor.u32 v58, v1;
	v2 =	vld.idx.msk [tilespmem:v2+s14+$0x0], $0xffff;
	_ =	sdelay $0x3  }
0x24e: {  	v5 =	vmul.f32 v18, v5  }
0x24f: {  	[tilespmem:$0x1FC10] =	vst v2;
	v21 =	vld.idx.msk [tilespmem:v4+s15+$0x0], $0xffff  }
0x250: {  	v0 =	vadd.f32 v5, v0;
	v5 =	vld [tilespmem:$0x1FC10]  }
0x251: {  	v3 =	vor.u32 v37, v1;
	v4 =	vld.idx.msk [tilespmem:v4+s14+$0x0], $0xffff;
	_ =	sdelay $0x3  }
0x252: {  	v5 =	vmul.f32 v59, v5  }
0x253: {  	[tilespmem:$0x1FC20] =	vst v4;
	v17 =	vld.idx.msk [tilespmem:v3+s15+$0x0], $0xffff  }
0x254: {  	v0 =	vadd.f32 v5, v0;
	v5 =	vld [tilespmem:$0x1FC20]  }
0x255: {  	v2 =	vor.u32 v38, v1;
	v3 =	vld.idx.msk [tilespmem:v3+s14+$0x0], $0xffff;
	_ =	sdelay $0x3  }
0x256: {  	v5 =	vmul.f32 v21, v5  }
0x257: {  	[tilespmem:$0x1FC30] =	vst v3;
	v18 =	vld.idx.msk [tilespmem:v2+s15+$0x0], $0xffff  }
0x258: {  	v4 =	vor.u32 v40, v1;
	v0 =	vadd.f32 v5, v0;
	v5 =	vld [tilespmem:$0x1FC30]  }
0x259: {  	v2 =	vld.idx.msk [tilespmem:v2+s14+$0x0], $0xffff;
	_ =	sdelay $0x3  }
0x25a: {  	v59 =	vld.idx.msk [tilespmem:v4+s15+$0x0], $0xffff;
	v5 =	vmul.f32 v17, v5  }
0x25b: {  	[tilespmem:$0x1FC40] =	vst v2;
	v4 =	vld.idx.msk [tilespmem:v4+s14+$0x0], $0xffff  }
0x25c: {  	v0 =	vadd.f32 v5, v0;
	v5 =	vld [tilespmem:$0x1FC40]  }
0x25d: {  	v3 =	vor.u32 v41, v1;
	_ =	sdelay $0x3  }
0x25e: {  	[tilespmem:$0x1FC50] =	vst v4;
	v4 =	vld [tilespmem:$0x1FFF0];
	v5 =	vmul.f32 v18, v5  }
0x25f: {  	v21 =	vld.idx.msk [tilespmem:v3+s15+$0x0], $0xffff  }
0x260: {  	v0 =	vadd.f32 v5, v0;
	v5 =	vld [tilespmem:$0x1FC50]  }
0x261: {  	v2 =	vor.u32 v48, v1;
	v3 =	vld.idx.msk [tilespmem:v3+s14+$0x0], $0xffff;
	_ =	sdelay $0x3  }
0x262: {  	v5 =	vmul.f32 v59, v5  }
0x263: {  	v4 =	vor.u32 v4, v1;
	[tilespmem:$0x1FC60] =	vst v3;
	v17 =	vld.idx.msk [tilespmem:v2+s15+$0x0], $0xffff  }
0x264: {  	v0 =	vadd.f32 v5, v0;
	v5 =	vld [tilespmem:$0x1FC60]  }
0x265: {  	v3 =	vor.u32 v60, v1;
	v2 =	vld.idx.msk [tilespmem:v2+s14+$0x0], $0xffff;
	_ =	sdelay $0x2  }
0x266: {  	v18 =	vld.idx.msk [tilespmem:v4+s15+$0x0], $0xffff  }
0x267: {  	v4 =	vld.idx.msk [tilespmem:v4+s14+$0x0], $0xffff;
	v5 =	vmul.f32 v21, v5  }
0x268: {  	[tilespmem:$0x1FC70] =	vst v2;
	v59 =	vld.idx.msk [tilespmem:v3+s15+$0x0], $0xffff  }
0x269: {  	v0 =	vadd.f32 v5, v0;
	v5 =	vld [tilespmem:$0x1FC70]  }
0x26a: {  	v3 =	vld.idx.msk [tilespmem:v3+s14+$0x0], $0xffff  }
0x26b: {  	v2 =	vld [tilespmem:$0x1FFD0];
	_ =	sdelay $0x2  }
0x26c: {  	[tilespmem:$0x1FC80] =	vst v4;
	v5 =	vmul.f32 v17, v5  }
0x26d: {  	[tilespmem:$0x1FC90] =	vst v3;
	v3 =	vld [tilespmem:$0x1FF20]  }
0x26e: {  	v2 =	vor.u32 v2, v1;
	v0 =	vadd.f32 v5, v0;
	v5 =	vld [tilespmem:$0x1FC80];
	_ =	sdelay $0x2  }
0x26f: {  	v4 =	vld [tilespmem:$0x1FFE0];
	_ =	sdelay $0x1  }
0x270: {  	v21 =	vld.idx.msk [tilespmem:v2+s15+$0x0], $0xffff;
	v3 =	vor.u32 v3, v1;
	v5 =	vmul.f32 v18, v5  }
0x271: {  	v2 =	vld.idx.msk [tilespmem:v2+s14+$0x0], $0xffff  }
0x272: {  	v0 =	vadd.f32 v5, v0;
	v5 =	vld [tilespmem:$0x1FC90]  }
0x273: {  	v4 =	vor.u32 v4, v1;
	_ =	sdelay $0x1  }
0x274: {  	v18 =	vld.idx.msk [tilespmem:v3+s15+$0x0], $0xffff  }
0x275: {  	v3 =	vld.idx.msk [tilespmem:v3+s14+$0x0], $0xffff  }
0x276: {  	[tilespmem:$0x1FCA0] =	vst v2;
	v2 =	vor.u32 v20, v1;
	v5 =	vmul.f32 v59, v5  }
0x277: {  	v17 =	vld.idx.msk [tilespmem:v4+s15+$0x0], $0xffff  }
0x278: {  	v0 =	vadd.f32 v5, v0;
	v5 =	vld [tilespmem:$0x1FCA0]  }
0x279: {  	v4 =	vld.idx.msk [tilespmem:v4+s14+$0x0], $0xffff  }
0x27a: {  	[tilespmem:$0x1FCC0] =	vst v3;
	v3 =	vld [tilespmem:$0x1FF50]  }
0x27b: {  	v19 =	vld.idx.msk [tilespmem:v2+s15+$0x0], $0xffff  }
0x27c: {  	v2 =	vld.idx.msk [tilespmem:v2+s14+$0x0], $0xffff  }
0x27d: {  	v5 =	vmul.f32 v21, v5  }
0x27e: {  	[tilespmem:$0x1FCB0] =	vst v4  }
0x27f: {  	v3 =	vor.u32 v3, v1;
	v0 =	vadd.f32 v5, v0;
	v5 =	vld [tilespmem:$0x1FCB0];
	_ =	sdelay $0x1  }
0x280: {  	[tilespmem:$0x1FCE0] =	vst v2;
	v2 =	vor.u32 v52, v1;
	_ =	sdelay $0x2  }
0x281: {  	v21 =	vmul.f32 v17, v5;
	v17 =	vld.idx.msk [tilespmem:v3+s15+$0x0], $0xffff  }
0x282: {  	v3 =	vld.idx.msk [tilespmem:v3+s14+$0x0], $0xffff  }
0x283: {  	v59 =	vadd.f32 v21, v0;
	v21 =	vld.idx.msk [tilespmem:v2+s15+$0x0], $0xffff  }
0x284: {  	v2 =	vld.idx.msk [tilespmem:v2+s14+$0x0], $0xffff;
	_ =	sdelay $0x2  }
0x285: {  	[tilespmem:$0x1FD10] =	vst v3;
	v3 =	vld [tilespmem:$0x1FCC0]  }
0x286: {  	v4 =	vld [tilespmem:$0x1FF40]  }
0x287: {  	[tilespmem:$0x1FD30] =	vst v2;
	v2 =	vld [tilespmem:$0x1FCE0];
	_ =	sdelay $0x2  }
0x288: {  	v18 =	vmul.f32 v18, v3  }
0x289: {  	v5 =	vor.u32 v46, v1  }
0x28a: {  	v4 =	vor.u32 v4, v1;
	v18 =	vadd.f32 v18, v59;
	v2 =	vmul.f32 v19, v2;
	_ =	sdelay $0x1  }
0x28b: {  	v2 =	vadd.f32 v2, v18;
	_ =	sdelay $0x1  }
0x28c: {  	[tilespmem:$0x1FD00] =	vst v2;
	v2 =	vld.idx.msk [tilespmem:v5+s14+$0x0], $0xffff  }
0x28d: {  	v20 =	vld.idx.msk [tilespmem:v4+s15+$0x0], $0xffff  }
0x28e: {  	v52 =	vld.idx.msk [tilespmem:v4+s14+$0x0], $0xffff;
	v4 =	vor.u32 v47, v1;
	_ =	sdelay $0x1  }
0x28f: {  	v0 =	vld [tilespmem:$0x1FCD0]  }
0x290: {  	[tilespmem:$0x1FD60] =	vst v2;
	v2 =	vld [tilespmem:$0x1FD00];
	_ =	sdelay $0x1  }
0x291: {  	v19 =	vld.idx.msk [tilespmem:v4+s15+$0x0], $0xffff  }
0x292: {  	v59 =	vld.idx.msk [tilespmem:v4+s14+$0x0], $0xffff;
	v4 =	vmul.f32 v20, v52  }
0x293: {  	v52 =	vld.idx.msk [tilespmem:v5+s15+$0x0], $0xffff  }
0x294: {  	v3 =	vor.u32 v0, v1;
	v5 =	vadd.f32 v4, v2;
	v2 =	vld [tilespmem:$0x1FD10];
	_ =	sdelay $0x3  }
0x295: {  	v0 =	vor.u32 v49, v1  }
0x296: {  	v4 =	vmul.f32 v17, v2;
	v17 =	vld.idx.msk [tilespmem:v3+s15+$0x0], $0xffff  }
0x297: {  	v3 =	vld.idx.msk [tilespmem:v3+s14+$0x0], $0xffff;
	_ =	sdelay $0x2  }
0x298: {  	v20 =	vld.idx.msk [tilespmem:v0+s15+$0x0], $0xffff  }
0x299: {  	[tilespmem:$0x1FCF0] =	vst v6;
	v18 =	vor.u32 v6, v1;
	v6 =	vadd.f32 v4, v5;
	v5 =	vmov v0;
	v0 =	vld [tilespmem:$0x1FD50]  }
0x29a: {  	[tilespmem:$0x1FD70] =	vst v3;
	v3 =	vld [tilespmem:$0x1FD30];
	_ =	sdelay $0x1  }
0x29b: {  	v2 =	vld [tilespmem:$0x1FD20];
	_ =	sdelay $0x2  }
0x29c: {  	v4 =	vmul.f32 v21, v3;
	v3 =	vor.u32 v0, v1;
	v0 =	vld.idx.msk [tilespmem:v5+s14+$0x0], $0xffff;
	_ =	sdelay $0x1  }
0x29d: {  	v2 =	vor.u32 v2, v1;
	_ =	sdelay $0x2  }
0x29e: {  	[tilespmem:$0x1FD80] =	vst v0;
	v0 =	vadd.f32 v4, v6;
	v4 =	vmul.f32 v19, v59;
	_ =	sdelay $0x1  }
0x29f: {  	v5 =	vadd.f32 v4, v0;
	v0 =	vld.idx.msk [tilespmem:v2+s15+$0x0], $0xffff;
	_ =	sdelay $0x4  }
0x2a0: {  	[tilespmem:$0x1FDB0] =	vst v0;
	v0 =	vld [tilespmem:$0x1FD70];
	_ =	sdelay $0x4  }
0x2a1: {  	v17 =	vmul.f32 v17, v0;
	v0 =	vld.idx.msk [tilespmem:v3+s14+$0x0], $0xffff  }
0x2a2: {  	v4 =	vld [tilespmem:$0x1FD60];
	_ =	sdelay $0x3  }
0x2a3: {  	[tilespmem:$0x1FDC0] =	vst v0;
	v0 =	vld.idx.msk [tilespmem:v3+s15+$0x0], $0xffff  }
0x2a4: {  	v4 =	vmul.f32 v52, v4;
	_ =	sdelay $0x1  }
0x2a5: {  	v4 =	vadd.f32 v4, v5;
	_ =	sdelay $0x1  }
0x2a6: {  	[tilespmem:$0x1FDD0] =	vst v0;
	v0 =	vadd.f32 v17, v4;
	_ =	sdelay $0x1  }
0x2a7: {  	[tilespmem:$0x1FDA0] =	vst v0;
	v0 =	vld [tilespmem:$0x1FD80];
	_ =	sdelay $0x4  }
0x2a8: {  	v4 =	vmul.f32 v20, v0;
	v0 =	vld [tilespmem:$0x1FDA0]  }
0x2a9: {  	v52 =	vld [tilespmem:$0x1FF80]  }
0x2aa: {  	v6 =	vld.idx.msk [tilespmem:v18+s15+$0x0], $0xffff  }
0x2ab: {  	v19 =	vld.idx.msk [tilespmem:v2+s14+$0x0], $0xffff  }
0x2ac: {  	v17 =	vld.idx.msk [tilespmem:v18+s14+$0x0], $0xffff  }
0x2ad: {  	v21 =	vor.u32 v16, v1;
	v18 =	vadd.f32 v4, v0;
	v4 =	vld [tilespmem:$0x1FDB0]  }
0x2ae: {  	v2 =	vor.u32 v52, v1;
	_ =	sdelay $0x2  }
0x2af: {  	v59 =	vld [tilespmem:$0x1FF90]  }
0x2b0: {  	[tilespmem:$0x1FD40] =	vst v16;
	v16 =	vld.idx.msk [tilespmem:v21+s14+$0x0], $0xffff;
	v20 =	vmul.f32 v4, v19  }
0x2b1: {  	v0 =	vld.idx.msk [tilespmem:v2+s15+$0x0], $0xffff  }
0x2b2: {  	v19 =	vld.idx.msk [tilespmem:v2+s14+$0x0], $0xffff;
	v2 =	vadd.f32 v20, v18  }
0x2b3: {  	v20 =	vld [tilespmem:$0x1FDD0]  }
0x2b4: {  	v5 =	vor.u32 v59, v1;
	[tilespmem:$0x1FDE0] =	vst v2;
	v2 =	vld [tilespmem:$0x1FDC0]  }
0x2b5: {  	v21 =	vld.idx.msk [tilespmem:v21+s15+$0x0], $0xffff  }
0x2b6: {  	[tilespmem:$0x1FD90] =	vst v61;
	v3 =	vor.u32 v61, v1;
	v61 =	vld [tilespmem:$0x1FFA0];
	_ =	sdelay $0x2  }
0x2b7: {  	v18 =	vld.idx.msk [tilespmem:v5+s15+$0x0], $0xffff;
	v2 =	vmul.f32 v20, v2  }
0x2b8: {  	v20 =	vld.idx.msk [tilespmem:v5+s14+$0x0], $0xffff;
	v5 =	vmul.f32 v21, v16  }
0x2b9: {  	v4 =	vor.u32 v61, v1;
	[tilespmem:$0x1FDF0] =	vst v2  }
0x2ba: {  	[tilespmem:$0x1FE00] =	vst v5;
	v5 =	vld [tilespmem:$0x1FDE0]  }
0x2bb: {  	v6 =	vmul.f32 v6, v17;
	v21 =	vld [tilespmem:$0x1FDF0];
	_ =	sdelay $0x1  }
0x2bc: {  	[tilespmem:$0x1FE10] =	vst v6;
	v0 =	vmul.f32 v0, v19;
	v6 =	vld [tilespmem:$0x1FE00]  }
0x2bd: {  	v17 =	vld.idx.msk [tilespmem:v4+s14+$0x0], $0xffff  }
0x2be: {  	[tilespmem:$0x1FE20] =	vst v0;
	v0 =	vld [tilespmem:$0x1FE10]  }
0x2bf: {  	v16 =	vld.idx.msk [tilespmem:v3+s15+$0x0], $0xffff;
	v5 =	vadd.f32 v21, v5  }
0x2c0: {  	v21 =	vld.idx.msk [tilespmem:v3+s14+$0x0], $0xffff  }
0x2c1: {  	v2 =	vor.u32 v62, v1;
	v5 =	vadd.f32 v6, v5;
	v6 =	vld.idx.msk [tilespmem:v4+s15+$0x0], $0xffff  }
0x2c2: {  	v3 =	vor.u32 v63, v1;
	v4 =	vor.u32 v51, v1;
	v1 =	vld [tilespmem:$0x1FE20];
	_ =	sdelay $0x2  }
0x2c3: {  	v5 =	vadd.f32 v0, v5  }
0x2c4: {  	v19 =	vld.idx.msk [tilespmem:v2+s14+$0x0], $0xffff  }
0x2c5: {  	v0 =	vld.idx.msk [tilespmem:v2+s15+$0x0], $0xffff;
	v2 =	vmul.f32 v18, v20;
	v1 =	vadd.f32 v1, v5  }
0x2c6: {  	v18 =	vld.idx.msk [tilespmem:v3+s15+$0x0], $0xffff  }
0x2c7: {  	v20 =	vld.idx.msk [tilespmem:v3+s14+$0x0], $0xffff;
	v3 =	vmul.f32 v16, v21;
	v1 =	vadd.f32 v2, v1;
	_ =	sdelay $0x1  }
0x2c8: {  	v5 =	vadd.f32 v3, v1;
	v1 =	vld.idx.msk [tilespmem:v4+s15+$0x0], $0xffff  }
0x2c9: {  	v4 =	vld.idx.msk [tilespmem:v4+s14+$0x0], $0xffff  }
0x2ca: {  	v6 =	vmul.f32 v6, v17;
	_ =	sdelay $0x1  }
0x2cb: {  	s23 =	simm.s32 $0x20;
	s22 =	smov.u32 s1;
	v2 =	vmul.f32 v18, v20;
	v3 =	vmul.f32 v0, v19;
	v5 =	vadd.f32 v6, v5  }
.LBB2_5:
0x2cc: {  	v6 =	vmov s23  }
0x2cd: {  	v3 =	vadd.f32 v3, v5;
	v4 =	vmul.f32 v1, v4;
	v1 =	vshll.u32 v6, $0x7  }
0x2ce: {  	v1 =	vor.u32 v8, v1  }
0x2cf: {  	v2 =	vadd.f32 v2, v3;
	v5 =	vor.u32 v7, v1;
	_ =	sdelay $0x1  }
0x2d0: {  	v3 =	vor.u32 v9, v1;
	v2 =	vadd.f32 v4, v2  }
0x2d1: {  	s22 =	sadd.s32 $0x10, s22  }
0x2d2: {  	v0 =	vld [tilespmem:$0x1FFF0];
	v4 =	vor.u32 v10, v1;
	[tilespmem:s22+$0x0] =	vst v2  }
0x2d3: {  	v2 =	vld.idx.msk [tilespmem:v5+s14+$0x0], $0xffff  }
0x2d4: {  	v6 =	vor.u32 v11, v1;
	v5 =	vld.idx.msk [tilespmem:v5+s15+$0x0], $0xffff  }
0x2d5: {  	v7 =	vld.idx.msk [tilespmem:v3+s14+$0x0], $0xffff  }
0x2d6: {  	v16 =	vmov v8;
	v8 =	vor.u32 v12, v1;
	v3 =	vld.idx.msk [tilespmem:v3+s15+$0x0], $0xffff  }
0x2d7: {  	v17 =	vmov v9;
	v9 =	vld.idx.msk [tilespmem:v4+s14+$0x0], $0xffff  }
0x2d8: {  	v18 =	vmov v10;
	v10 =	vor.u32 v13, v1;
	v4 =	vld.idx.msk [tilespmem:v4+s15+$0x0], $0xffff  }
0x2d9: {  	v19 =	vmov v11;
	v11 =	vld.idx.msk [tilespmem:v6+s14+$0x0], $0xffff  }
0x2da: {  	v2 =	vmul.f32 v5, v2;
	v5 =	vld.idx.msk [tilespmem:v6+s15+$0x0], $0xffff;
	v6 =	vor.u32 v14, v1  }
0x2db: {  	v20 =	vmov v12;
	v12 =	vld.idx.msk [tilespmem:v8+s14+$0x0], $0xffff  }
0x2dc: {  	v3 =	vmul.f32 v3, v7;
	v7 =	vld.idx.msk [tilespmem:v8+s15+$0x0], $0xffff;
	v8 =	vor.u32 v15, v1;
	v2 =	vadd.f32 $0.0e+00, v2  }
0x2dd: {  	v21 =	vmov v13;
	v13 =	vld.idx.msk [tilespmem:v10+s14+$0x0], $0xffff  }
0x2de: {  	v2 =	vadd.f32 v3, v2;
	v3 =	vmul.f32 v4, v9;
	v4 =	vld.idx.msk [tilespmem:v10+s15+$0x0], $0xffff;
	v9 =	vor.u32 v22, v1  }
0x2df: {  	v10 =	vld.idx.msk [tilespmem:v6+s14+$0x0], $0xffff  }
0x2e0: {  	v2 =	vadd.f32 v3, v2;
	v3 =	vmul.f32 v5, v11;
	v5 =	vld.idx.msk [tilespmem:v6+s15+$0x0], $0xffff;
	v6 =	vor.u32 v23, v1  }
0x2e1: {  	v11 =	vld.idx.msk [tilespmem:v8+s14+$0x0], $0xffff  }
0x2e2: {  	v2 =	vadd.f32 v3, v2;
	v3 =	vmul.f32 v7, v12;
	v7 =	vld.idx.msk [tilespmem:v8+s15+$0x0], $0xffff;
	v8 =	vor.u32 v24, v1  }
0x2e3: {  	v12 =	vld.idx.msk [tilespmem:v9+s14+$0x0], $0xffff  }
0x2e4: {  	v2 =	vadd.f32 v3, v2;
	v3 =	vmul.f32 v4, v13;
	v4 =	vld.idx.msk [tilespmem:v9+s15+$0x0], $0xffff;
	v9 =	vor.u32 v25, v1  }
0x2e5: {  	v13 =	vld.idx.msk [tilespmem:v6+s14+$0x0], $0xffff  }
0x2e6: {  	v2 =	vadd.f32 v3, v2;
	v3 =	vmul.f32 v5, v10;
	v5 =	vld.idx.msk [tilespmem:v6+s15+$0x0], $0xffff;
	v6 =	vor.u32 v26, v1  }
0x2e7: {  	v10 =	vld.idx.msk [tilespmem:v8+s14+$0x0], $0xffff  }
0x2e8: {  	v2 =	vadd.f32 v3, v2;
	v3 =	vmul.f32 v7, v11;
	v7 =	vld.idx.msk [tilespmem:v8+s15+$0x0], $0xffff;
	v8 =	vor.u32 v27, v1  }
0x2e9: {  	v11 =	vld.idx.msk [tilespmem:v9+s14+$0x0], $0xffff  }
0x2ea: {  	v2 =	vadd.f32 v3, v2;
	v3 =	vmul.f32 v4, v12;
	v4 =	vld.idx.msk [tilespmem:v9+s15+$0x0], $0xffff;
	v9 =	vor.u32 v28, v1  }
0x2eb: {  	v12 =	vld.idx.msk [tilespmem:v6+s14+$0x0], $0xffff  }
0x2ec: {  	v2 =	vadd.f32 v3, v2;
	v3 =	vmul.f32 v5, v13;
	v5 =	vld.idx.msk [tilespmem:v6+s15+$0x0], $0xffff;
	v6 =	vor.u32 v29, v1  }
0x2ed: {  	v13 =	vld.idx.msk [tilespmem:v8+s14+$0x0], $0xffff  }
0x2ee: {  	v2 =	vadd.f32 v3, v2;
	v3 =	vmul.f32 v7, v10;
	v7 =	vld.idx.msk [tilespmem:v8+s15+$0x0], $0xffff;
	v8 =	vor.u32 v30, v1  }
0x2ef: {  	v10 =	vld.idx.msk [tilespmem:v9+s14+$0x0], $0xffff  }
0x2f0: {  	v2 =	vadd.f32 v3, v2;
	v3 =	vmul.f32 v4, v11;
	v4 =	vld.idx.msk [tilespmem:v9+s15+$0x0], $0xffff;
	v9 =	vor.u32 v31, v1  }
0x2f1: {  	v11 =	vld.idx.msk [tilespmem:v6+s14+$0x0], $0xffff  }
0x2f2: {  	v2 =	vadd.f32 v3, v2;
	v3 =	vmul.f32 v5, v12;
	v5 =	vld.idx.msk [tilespmem:v6+s15+$0x0], $0xffff;
	v6 =	vor.u32 v32, v1  }
0x2f3: {  	v12 =	vld.idx.msk [tilespmem:v8+s14+$0x0], $0xffff  }
0x2f4: {  	v2 =	vadd.f32 v3, v2;
	v3 =	vmul.f32 v7, v13;
	v7 =	vld.idx.msk [tilespmem:v8+s15+$0x0], $0xffff;
	v8 =	vor.u32 v33, v1  }
0x2f5: {  	v13 =	vld.idx.msk [tilespmem:v9+s14+$0x0], $0xffff  }
0x2f6: {  	v2 =	vadd.f32 v3, v2;
	v3 =	vmul.f32 v4, v10;
	v4 =	vld.idx.msk [tilespmem:v9+s15+$0x0], $0xffff;
	v9 =	vor.u32 v34, v1  }
0x2f7: {  	v10 =	vld.idx.msk [tilespmem:v6+s14+$0x0], $0xffff  }
0x2f8: {  	v2 =	vadd.f32 v3, v2;
	v3 =	vmul.f32 v5, v11;
	v5 =	vld.idx.msk [tilespmem:v6+s15+$0x0], $0xffff;
	v6 =	vor.u32 v35, v1  }
0x2f9: {  	v11 =	vld.idx.msk [tilespmem:v8+s14+$0x0], $0xffff  }
0x2fa: {  	v2 =	vadd.f32 v3, v2;
	v3 =	vmul.f32 v7, v12;
	v7 =	vld.idx.msk [tilespmem:v8+s15+$0x0], $0xffff;
	v8 =	vor.u32 v36, v1  }
0x2fb: {  	v12 =	vld.idx.msk [tilespmem:v9+s14+$0x0], $0xffff  }
0x2fc: {  	v2 =	vadd.f32 v3, v2;
	v3 =	vmul.f32 v4, v13;
	v4 =	vld.idx.msk [tilespmem:v9+s15+$0x0], $0xffff;
	v9 =	vor.u32 v39, v1  }
0x2fd: {  	v13 =	vld.idx.msk [tilespmem:v6+s14+$0x0], $0xffff  }
0x2fe: {  	v2 =	vadd.f32 v3, v2;
	v3 =	vmul.f32 v5, v10;
	v5 =	vld.idx.msk [tilespmem:v6+s15+$0x0], $0xffff;
	v6 =	vor.u32 v42, v1  }
0x2ff: {  	v10 =	vld.idx.msk [tilespmem:v8+s15+$0x0], $0xffff  }
0x300: {  	v2 =	vadd.f32 v3, v2;
	v3 =	vmul.f32 v7, v11;
	v7 =	vld.idx.msk [tilespmem:v8+s14+$0x0], $0xffff;
	v8 =	vor.u32 v43, v1  }
0x301: {  	v11 =	vld.idx.msk [tilespmem:v9+s15+$0x0], $0xffff  }
0x302: {  	v2 =	vadd.f32 v3, v2;
	v3 =	vmul.f32 v4, v12;
	v4 =	vld.idx.msk [tilespmem:v9+s14+$0x0], $0xffff;
	v9 =	vor.u32 v44, v1  }
0x303: {  	v12 =	vld.idx.msk [tilespmem:v6+s15+$0x0], $0xffff  }
0x304: {  	v2 =	vadd.f32 v3, v2;
	v3 =	vmul.f32 v5, v13;
	v5 =	vld.idx.msk [tilespmem:v6+s14+$0x0], $0xffff;
	v6 =	vor.u32 v45, v1  }
0x305: {  	v13 =	vld.idx.msk [tilespmem:v8+s15+$0x0], $0xffff  }
0x306: {  	v2 =	vadd.f32 v3, v2;
	v3 =	vmul.f32 v10, v7;
	v7 =	vld.idx.msk [tilespmem:v8+s14+$0x0], $0xffff;
	v8 =	vor.u32 v50, v1  }
0x307: {  	v10 =	vld.idx.msk [tilespmem:v9+s15+$0x0], $0xffff  }
0x308: {  	v2 =	vadd.f32 v3, v2;
	v3 =	vmul.f32 v11, v4;
	v4 =	vld.idx.msk [tilespmem:v9+s14+$0x0], $0xffff;
	v9 =	vor.u32 v53, v1  }
0x309: {  	v11 =	vld.idx.msk [tilespmem:v6+s15+$0x0], $0xffff  }
0x30a: {  	v2 =	vadd.f32 v3, v2;
	v3 =	vmul.f32 v12, v5;
	v5 =	vld.idx.msk [tilespmem:v6+s14+$0x0], $0xffff;
	v6 =	vor.u32 v54, v1  }
0x30b: {  	v12 =	vld.idx.msk [tilespmem:v8+s15+$0x0], $0xffff  }
0x30c: {  	v2 =	vadd.f32 v3, v2;
	v3 =	vmul.f32 v13, v7;
	v7 =	vld.idx.msk [tilespmem:v8+s14+$0x0], $0xffff;
	v8 =	vor.u32 v55, v1  }
0x30d: {  	v13 =	vld.idx.msk [tilespmem:v9+s15+$0x0], $0xffff  }
0x30e: {  	v2 =	vadd.f32 v3, v2;
	v3 =	vmul.f32 v10, v4;
	v4 =	vld.idx.msk [tilespmem:v9+s14+$0x0], $0xffff;
	v9 =	vor.u32 v56, v1  }
0x30f: {  	v10 =	vld.idx.msk [tilespmem:v6+s15+$0x0], $0xffff  }
0x310: {  	v2 =	vadd.f32 v3, v2;
	v3 =	vmul.f32 v11, v5;
	v5 =	vld.idx.msk [tilespmem:v6+s14+$0x0], $0xffff;
	v6 =	vor.u32 v57, v1  }
0x311: {  	v11 =	vld.idx.msk [tilespmem:v8+s15+$0x0], $0xffff  }
0x312: {  	v2 =	vadd.f32 v3, v2;
	v3 =	vmul.f32 v12, v7;
	v7 =	vld.idx.msk [tilespmem:v8+s14+$0x0], $0xffff;
	v8 =	vor.u32 v58, v1  }
0x313: {  	v12 =	vld.idx.msk [tilespmem:v9+s15+$0x0], $0xffff  }
0x314: {  	v2 =	vadd.f32 v3, v2;
	v3 =	vmul.f32 v13, v4;
	v4 =	vld.idx.msk [tilespmem:v9+s14+$0x0], $0xffff;
	v9 =	vor.u32 v37, v1  }
0x315: {  	v13 =	vld.idx.msk [tilespmem:v6+s15+$0x0], $0xffff  }
0x316: {  	v2 =	vadd.f32 v3, v2;
	v3 =	vmul.f32 v10, v5;
	v5 =	vld.idx.msk [tilespmem:v6+s14+$0x0], $0xffff;
	v6 =	vor.u32 v38, v1  }
0x317: {  	v10 =	vld.idx.msk [tilespmem:v8+s15+$0x0], $0xffff  }
0x318: {  	v2 =	vadd.f32 v3, v2;
	v3 =	vmul.f32 v11, v7;
	v7 =	vld.idx.msk [tilespmem:v8+s14+$0x0], $0xffff;
	v8 =	vor.u32 v40, v1  }
0x319: {  	v11 =	vld.idx.msk [tilespmem:v9+s15+$0x0], $0xffff  }
0x31a: {  	v2 =	vadd.f32 v3, v2;
	v3 =	vmul.f32 v12, v4;
	v4 =	vld.idx.msk [tilespmem:v9+s14+$0x0], $0xffff  }
0x31b: {  	v12 =	vld.idx.msk [tilespmem:v6+s15+$0x0], $0xffff  }
0x31c: {  	v2 =	vadd.f32 v3, v2;
	v3 =	vmul.f32 v13, v5;
	v5 =	vld.idx.msk [tilespmem:v6+s14+$0x0], $0xffff  }
0x31d: {  	v6 =	vor.u32 v48, v1;
	v13 =	vld.idx.msk [tilespmem:v8+s15+$0x0], $0xffff  }
0x31e: {  	v2 =	vadd.f32 v3, v2;
	v3 =	vmul.f32 v10, v7;
	v7 =	vld.idx.msk [tilespmem:v8+s14+$0x0], $0xffff  }
0x31f: {  	v8 =	vor.u32 v0, v1;
	v0 =	vld [tilespmem:$0x1FFD0]  }
0x320: {  	v9 =	vor.u32 v41, v1  }
0x321: {  	v2 =	vadd.f32 v3, v2;
	v3 =	vmul.f32 v11, v4  }
0x322: {  	v11 =	vld.idx.msk [tilespmem:v6+s15+$0x0], $0xffff  }
0x323: {  	v2 =	vadd.f32 v3, v2;
	v3 =	vmul.f32 v12, v5;
	v5 =	vld.idx.msk [tilespmem:v6+s14+$0x0], $0xffff  }
0x324: {  	v6 =	vor.u32 v0, v1;
	v0 =	vld [tilespmem:$0x1FFE0]  }
0x325: {  	v10 =	vld.idx.msk [tilespmem:v9+s15+$0x0], $0xffff  }
0x326: {  	v4 =	vld.idx.msk [tilespmem:v9+s14+$0x0], $0xffff  }
0x327: {  	v9 =	vor.u32 v60, v1;
	v12 =	vld.idx.msk [tilespmem:v8+s15+$0x0], $0xffff  }
0x328: {  	v2 =	vadd.f32 v3, v2;
	v3 =	vmul.f32 v13, v7;
	v7 =	vld.idx.msk [tilespmem:v8+s14+$0x0], $0xffff  }
0x329: {  	v8 =	vor.u32 v0, v1;
	v0 =	vld [tilespmem:$0x1FF20];
	_ =	sdelay $0x2  }
0x32a: {  	v13 =	vld.idx.msk [tilespmem:v9+s15+$0x0], $0xffff  }
0x32b: {  	v2 =	vadd.f32 v3, v2;
	v3 =	vmul.f32 v10, v4;
	v4 =	vld.idx.msk [tilespmem:v9+s14+$0x0], $0xffff  }
0x32c: {  	v9 =	vor.u32 v0, v1;
	v0 =	vld [tilespmem:$0x1FF30];
	_ =	sdelay $0x2  }
0x32d: {  	v10 =	vld.idx.msk [tilespmem:v6+s15+$0x0], $0xffff  }
0x32e: {  	v2 =	vadd.f32 v3, v2;
	v3 =	vmul.f32 v11, v5;
	v5 =	vld.idx.msk [tilespmem:v6+s14+$0x0], $0xffff  }
0x32f: {  	v6 =	vor.u32 v0, v1;
	v0 =	vld [tilespmem:$0x1FF40];
	_ =	sdelay $0x1  }
0x330: {  	v11 =	vld.idx.msk [tilespmem:v8+s15+$0x0], $0xffff  }
0x331: {  	v2 =	vadd.f32 v3, v2;
	v3 =	vmul.f32 v12, v7;
	v7 =	vld.idx.msk [tilespmem:v8+s14+$0x0], $0xffff  }
0x332: {  	v12 =	vld.idx.msk [tilespmem:v9+s15+$0x0], $0xffff  }
0x333: {  	v2 =	vadd.f32 v3, v2;
	v3 =	vmul.f32 v13, v4;
	v8 =	vor.u32 v0, v1;
	v0 =	vld [tilespmem:$0x1FF50]  }
0x334: {  	v4 =	vld.idx.msk [tilespmem:v9+s14+$0x0], $0xffff  }
0x335: {  	v2 =	vadd.f32 v3, v2;
	v3 =	vmul.f32 v10, v5;
	v13 =	vld.idx.msk [tilespmem:v6+s15+$0x0], $0xffff  }
0x336: {  	v5 =	vld.idx.msk [tilespmem:v6+s14+$0x0], $0xffff  }
0x337: {  	v2 =	vadd.f32 v3, v2;
	v3 =	vmul.f32 v11, v7  }
0x338: {  	v9 =	vor.u32 v0, v1;
	v0 =	vld [tilespmem:$0x1FF60]  }
0x339: {  	v2 =	vadd.f32 v3, v2;
	v3 =	vmul.f32 v12, v4  }
0x33a: {  	v10 =	vld.idx.msk [tilespmem:v8+s15+$0x0], $0xffff  }
0x33b: {  	v2 =	vadd.f32 v3, v2;
	v7 =	vld.idx.msk [tilespmem:v8+s14+$0x0], $0xffff;
	v8 =	vor.u32 v47, v1;
	v3 =	vmul.f32 v13, v5;
	_ =	sdelay $0x1  }
0x33c: {  	v2 =	vadd.f32 v3, v2;
	v6 =	vor.u32 v0, v1;
	v0 =	vmovc v48;
	v48 =	vmov v47  }
0x33d: {  	v11 =	vld.idx.msk [tilespmem:v9+s15+$0x0], $0xffff;
	v47 =	vmovc v41;
	v41 =	vmovc v38;
	v38 =	vmov v58;
	v58 =	vmov v56;
	v56 =	vmov v54  }
0x33e: {  	v54 =	vmovc v50;
	v50 =	vmovc v44;
	v44 =	vmov v42;
	v42 =	vmov v36;
	v36 =	vmov v34;
	v4 =	vld.idx.msk [tilespmem:v9+s14+$0x0], $0xffff  }
0x33f: {  	v34 =	vmovc v32;
	v32 =	vmovc v30;
	v30 =	vmov v28;
	v28 =	vmov v26;
	v26 =	vmov v24;
	v12 =	vld.idx.msk [tilespmem:v8+s15+$0x0], $0xffff  }
0x340: {  	v24 =	vmovc v22;
	v22 =	vmov v14;
	v14 =	vor.u32 v46, v1;
	v3 =	vmul.f32 v10, v7;
	v7 =	vld.idx.msk [tilespmem:v8+s14+$0x0], $0xffff  }
0x341: {  	v9 =	vld.idx.msk [tilespmem:v6+s15+$0x0], $0xffff  }
0x342: {  	v5 =	vld.idx.msk [tilespmem:v6+s14+$0x0], $0xffff  }
0x343: {  	v6 =	vld [tilespmem:$0x1FCD0]  }
0x344: {  	v10 =	vld [tilespmem:$0x1FCF0]  }
0x345: {  	v60 =	vmovc v51;
	v51 =	vmov v49;
	v13 =	vor.u32 v49, v1;
	v49 =	vmov v46;
	v8 =	vld.idx.msk [tilespmem:v14+s15+$0x0], $0xffff  }
0x346: {  	v46 =	vmovc v40;
	v40 =	vmov v37;
	v2 =	vadd.f32 v3, v2;
	v3 =	vmul.f32 v11, v4;
	v4 =	vld.idx.msk [tilespmem:v14+s14+$0x0], $0xffff  }
0x347: {  	v37 =	vmovc v57;
	v57 =	vmovc v55;
	v55 =	vmov v53;
	v53 =	vmov v45;
	v45 =	vmov v43;
	v14 =	vld [tilespmem:$0x1FD20]  }
0x348: {  	v43 =	vmovc v39;
	v39 =	vmovc v35;
	v35 =	vmov v33;
	v33 =	vmov v31;
	v6 =	vor.u32 v6, v1  }
0x349: {  	v31 =	vmovc v29;
	v29 =	vmovc v27;
	v27 =	vmov v25;
	v25 =	vmov v23;
	v23 =	vmov v15;
	v15 =	vld [tilespmem:$0x1FD40]  }
0x34a: {  	v10 =	vor.u32 v10, v1;
	v2 =	vadd.f32 v3, v2;
	v3 =	vmul.f32 v9, v5  }
0x34b: {  	v9 =	vld [tilespmem:$0x1FD50]  }
0x34c: {  	v14 =	vor.u32 v14, v1;
	v2 =	vadd.f32 v3, v2;
	v3 =	vmul.f32 v12, v7;
	v7 =	vld.idx.msk [tilespmem:v13+s14+$0x0], $0xffff  }
0x34d: {  	v11 =	vld.idx.msk [tilespmem:v6+s15+$0x0], $0xffff  }
0x34e: {  	v15 =	vor.u32 v15, v1;
	v5 =	vld.idx.msk [tilespmem:v6+s14+$0x0], $0xffff  }
0x34f: {  	v12 =	vld.idx.msk [tilespmem:v10+s15+$0x0], $0xffff  }
0x350: {  	v6 =	vld.idx.msk [tilespmem:v13+s15+$0x0], $0xffff;
	v9 =	vor.u32 v9, v1  }
0x351: {  	v2 =	vadd.f32 v3, v2;
	v3 =	vmul.f32 v8, v4;
	v4 =	vld.idx.msk [tilespmem:v14+s14+$0x0], $0xffff  }
0x352: {  	v8 =	vld.idx.msk [tilespmem:v14+s15+$0x0], $0xffff  }
0x353: {  	v13 =	vld.idx.msk [tilespmem:v15+s15+$0x0], $0xffff;
	v2 =	vadd.f32 v3, v2;
	v3 =	vmul.f32 v11, v5  }
0x354: {  	v5 =	vld.idx.msk [tilespmem:v15+s14+$0x0], $0xffff  }
0x355: {  	v2 =	vadd.f32 v3, v2;
	v3 =	vmul.f32 v6, v7;
	v6 =	vld.idx.msk [tilespmem:v9+s14+$0x0], $0xffff  }
0x356: {  	v11 =	vor.u32 v52, v1;
	v9 =	vld.idx.msk [tilespmem:v9+s15+$0x0], $0xffff  }
0x357: {  	v2 =	vadd.f32 v3, v2;
	v3 =	vld.idx.msk [tilespmem:v10+s14+$0x0], $0xffff  }
0x358: {  	v15 =	vor.u32 v61, v1;
	v10 =	vld [tilespmem:$0x1FD90]  }
0x359: {  	v4 =	vmul.f32 v8, v4;
	_ =	sdelay $0x1  }
0x35a: {  	v7 =	vor.u32 v59, v1;
	v14 =	vld.idx.msk [tilespmem:v11+s15+$0x0], $0xffff;
	v2 =	vadd.f32 v4, v2;
	v4 =	vmul.f32 v9, v6  }
0x35b: {  	v11 =	vld.idx.msk [tilespmem:v11+s14+$0x0], $0xffff;
	v5 =	vmul.f32 v13, v5  }
0x35c: {  	v13 =	vor.u32 v62, v1;
	v10 =	vor.u32 v10, v1;
	v2 =	vadd.f32 v4, v2;
	v4 =	vld.idx.msk [tilespmem:v15+s15+$0x0], $0xffff  }
0x35d: {  	v3 =	vmul.f32 v12, v3;
	v12 =	vld.idx.msk [tilespmem:v15+s14+$0x0], $0xffff;
	v15 =	vmovc v23;
	v23 =	vmovc v25;
	v25 =	vmov v27;
	v27 =	vmov v29  }
0x35e: {  	v29 =	vmovc v31;
	v31 =	vmovc v33;
	v33 =	vmov v35;
	v35 =	vmov v39;
	v39 =	vmov v43  }
0x35f: {  	v8 =	vld.idx.msk [tilespmem:v7+s15+$0x0], $0xffff;
	v43 =	vmovc v45;
	v45 =	vmovc v53;
	v53 =	vmov v55;
	v55 =	vmov v57;
	v57 =	vmov v37  }
0x360: {  	v7 =	vld.idx.msk [tilespmem:v7+s14+$0x0], $0xffff;
	v37 =	vmovc v40;
	v40 =	vmovc v46;
	v46 =	vmov v49;
	v49 =	vmov v51;
	v51 =	vmov v60  }
0x361: {  	v11 =	vmul.f32 v14, v11;
	v14 =	vor.u32 v51, v1;
	v6 =	vld.idx.msk [tilespmem:v10+s15+$0x0], $0xffff  }
0x362: {  	v9 =	vld.idx.msk [tilespmem:v10+s14+$0x0], $0xffff;
	v10 =	vor.u32 v63, v1;
	v1 =	vadd.f32 v5, v2;
	_ =	sdelay $0x1  }
0x363: {  	v2 =	vld.idx.msk [tilespmem:v13+s15+$0x0], $0xffff;
	v1 =	vadd.f32 v3, v1  }
0x364: {  	v5 =	vmul.f32 v8, v7;
	v7 =	vld.idx.msk [tilespmem:v13+s14+$0x0], $0xffff  }
0x365: {  	v3 =	vadd.f32 v11, v1;
	v1 =	vld.idx.msk [tilespmem:v14+s15+$0x0], $0xffff  }
0x366: {  	v8 =	vld.idx.msk [tilespmem:v10+s15+$0x0], $0xffff  }
0x367: {  	v13 =	vmov v21;
	v11 =	vmov v19;
	v6 =	vmul.f32 v6, v9;
	v9 =	vld.idx.msk [tilespmem:v10+s14+$0x0], $0xffff  }
0x368: {  	p0 =	sne.s32 s23, $0x30;
	v10 =	vmul.f32 v4, v12;
	v12 =	vmovc v20;
	v4 =	vld.idx.msk [tilespmem:v14+s14+$0x0], $0xffff;
	v14 =	vmovc v22;
	v22 =	vmov v24;
	v24 =	vmov v26  }
.Ltmp1:
0x369: {  	v26 =	vmovc v28;
	v28 =	vmovc v30;
	v30 =	vmov v32;
	v32 =	vmov v34;
	v5 =	vadd.f32 v5, v3;
	(pc) =	sbr.rel @p0 .LBB2_5-.Ltmp1, $4  }
0x36a: {  	v34 =	vmovc v36;
	v36 =	vmovc v42;
	v42 =	vmov v44;
	v44 =	vmov v50;
	v50 =	vmov v54  }
0x36b: {  	v54 =	vmovc v56;
	v56 =	vmovc v58;
	v58 =	vmov v38;
	v38 =	vmov v41;
	v5 =	vadd.f32 v6, v5  }
0x36c: {  	v41 =	vmovc v47;
	v47 =	vmovc v48;
	v48 =	vmov v0;
	v3 =	vmul.f32 v2, v7;
	v7 =	vlaneseq.u32  }
0x36d: {  	s23 =	sadd.s32 $0x10, s23;
	v60 =	vld [tilespmem:$0x1FF70];
	v2 =	vmul.f32 v8, v9;
	v9 =	vmovc v17;
	v8 =	vmovc v16;
	v5 =	vadd.f32 v10, v5;
	v10 =	vmov v18  }
0x36e: {  	s2 =	rddreg [dreg:$0x18]  }
0x36f: {  	v0 =	vadd.f32 v3, v5;
	s2 =	sadd.s32 $0x1, s2  }
0x370: {  	p0 =	sne.s32 s2, $0x8  }
.Ltmp2:
0x371: {  	v1 =	vmul.f32 v1, v4;
	v0 =	vadd.f32 v2, v0;
	(pc) =	sbr.rel @p0 .LBB2_2-.Ltmp2, $4  }
0x372: {  	_ = 	snop  }
0x373: {  	s17 =	rddreg [dreg:$0x17];
	v16 =	vld [tilespmem:$0x1FFF0];
	v0 =	vadd.f32 v1, v0  }
0x374: {  	s0 =	sadd.s32 $0x10, s22;
	s16 =	rddreg [dreg:$0x15];
	v6 =	vld [tilespmem:$0x1FFD0]  }
0x375: {  	s1 =	sadd.s32 $0x40, s1;
	v17 =	vld [tilespmem:$0x1FFE0];
	s17 =	sadd.s32 $0x40, s17;
	s16 =	sadd.s32 $0x40, s16;
	[tilespmem:s0+$0x0] =	vst v0  }
0x376: {  	s0 =	rddreg [dreg:$0x12];
	s1 =	simm.s32 $0x4400  }
0x377: {  	[hbm4b:s0+s18] =	stream.linear.scatter [tilespmem:s1], [sflag:$0x5], $0x200, $0x38;
	[tilespmem:$0x4600] =	vst v63  }
0x378: {  	s1 =	simm.s32 $0x5  }
0x379: {  	_ =	swait.ge [sflag:s1], $0x200  }
0x37a: {  	s2 =	rddreg [dreg:$0x14]  }
0x37b: {  	s31 =	rddreg [dreg:$0x13];
	s2 =	sadd.s32 $0x1, s2  }
0x37c: {  	p0 =	sne.s32 s2, s31  }
.Ltmp3:
0x37d: {  	_ = 	snop;
	(pc) =	sbr.rel @p0 .LBB2_1-.Ltmp3, $3  }
0x37e: {  	_ =	sdelay $0x1  }
0x37f: {  	[sflag:s1] =	ssyncset.done $0x0  }
0x380: {  	[sflag:s1] =	ssyncadd.s32 $0xFFFFFE00  }
0x381: {  	_ =	sfence.sel $0x180000  }
0x382: {  	[bflag:$0x0] =	sbarrier.arrive $0xFFFF  }
0x383: {  	_ =	strace $0x90000047  }
0x384: {  	s0 =	stileid.u32;
	[bflag:$0x2] =	sbarrier.arrive $0xFFFF  }
0x385: {  	p0 =	sne.s32 s0, $0x0;
	s0 =	rddreg [dreg:$0x4]  }
0x386: {  	s0 =	sadd.s32 @!p0 $0x100000, s0  }
0x387: {  	[sflag:s0] =	ssyncadd.tile.s32 @!p0 $0x1;
	_ =	shalt  }
.Lfunc_end2:
_tile_overlayer_lowered:
.L_overlay_start_2:
0x388: {  	(tag) =	ssettag $0x2  }
0x389: {  	s0 =	rddreg [dreg:$0x0];
	s2 =	stileid.u32  }
0x38a: {  	s1 =	rddreg [dreg:$0x1];
	p0 =	sne.s32 s2, $0x0  }
0x38b: {  	s3 =	rddreg [dreg:$0x2];
	[bflag:$0x3] =	sbarrier.arrive $0xFFFF;
	s2 =	simm.s32 @!p0 $0x1C05  }
0x38c: {  	[timem:s3], [sflag:s2] =	dma.local @!p0 [hbm:s0], s1  }
0x38d: {  	s0 =	simm.s32 @!p0 $0x5  }
0x38e: {  	_ =	swait.ge @!p0 [sflag:s0], s1  }
0x38f: {  	s1 =	ssub.s32 @!p0 $0x0, s1;
	[sflag:s0] =	ssyncset.done @!p0 $0x0  }
0x390: {  	[sflag:s0] =	ssyncadd.s32 @!p0 s1  }
0x391: {  	[bflag:$0x3] =	sbarrier.arrive $0xFFFF  }
0x392: {  	_ =	shalt  }

</sc_bundles>
